<compile_context>
chip_gen: v7x
topology: tpu7x:2x2x1
jax: 0.10.2.dev20260603
libtpu: 0.0.44.dev20260713+nightly
codegen_flags: <defaults>
</compile_context>

<pallas_src>
import dataclasses
import functools

import jax
import jax.numpy as jnp
from jax import lax
from jax.experimental import pallas as pl
from jax.experimental.pallas import tpu as pltpu
from jax.experimental.pallas import tpu_sc as plsc

N = 10000
E = 320000
D = 128
NC = 2
NS = 16
NW = NC * NS
CHUNK = 64
CH0 = 304
CH1 = 16
IB = 8
NB0 = CH0 // IB
NB1 = CH1 // IB
E_PAD = NS * (CH0 + CH1) * CHUNK
EPT = E_PAD // NW
AR = 10240
ROWS_PER_TILE = AR // NS
DR = AR // 128
EPS = 1e-3

_mesh = plsc.VectorSubcoreMesh(core_axis_name="c", subcore_axis_name="s")

_sc_params = pltpu.CompilerParams()
if "needs_layout_passes" in pltpu.CompilerParams.__dataclass_fields__:
    _sc_params = dataclasses.replace(_sc_params, needs_layout_passes=False)


@functools.partial(
    pl.kernel,
    mesh=_mesh,
    out_type=jax.ShapeDtypeStruct((NC, DR, 128), jnp.float32),
    scratch_types=[
        pltpu.VMEM((EPT // 5,), jnp.int32),
        pltpu.VMEM((DR, 128), jnp.float32),
        pltpu.VMEM((1, DR), jnp.int32),
        pltpu.VMEM_SHARED((DR, 128), jnp.float32),
    ],
    compiler_params=_sc_params,
)
def _deg_kernel(row_hbm, out_hbm, idx_v, hist_v, iota_v, shared_deg):
    c = lax.axis_index("c")
    s = lax.axis_index("s")
    wid = s * NC + c
    base = wid * EPT

    @pl.loop(0, DR)
    def _zero(i):
        @pl.loop(0, 8)
        def _zl(q):
            off = pl.multiple_of(q * 16, 16)
            hist_v[i, pl.ds(off, 16)] = jnp.zeros((16,), jnp.float32)

    @pl.when(s == 0)
    def _():
        pltpu.sync_copy(hist_v, shared_deg)

    base16 = lax.iota(jnp.int32, 16)

    @pl.loop(0, DR // 16)
    def _iota(j):
        off = pl.multiple_of(j * 16, 16)
        iota_v[0, pl.ds(off, 16)] = base16 + j * 16

    plsc.subcore_barrier()

    ones = jnp.full((16,), 1.0, jnp.float32)

    @pl.loop(0, 5)
    def _outer(t):
        hoff = pl.multiple_of(base + t * (EPT // 5), 8)
        pltpu.sync_copy(row_hbm.at[pl.ds(hoff, EPT // 5)], idx_v)

        @pl.loop(0, EPT // 5 // 16)
        def _acc(k):
            off = pl.multiple_of(k * 16, 16)
            idx16 = idx_v[pl.ds(off, 16)]
            r = lax.shift_right_logical(idx16, 7)
            cc = lax.bitwise_and(idx16, 127)
            plsc.addupdate_scatter(hist_v, [r, cc], ones)

    pltpu.sync_copy(hist_v, shared_deg.at[iota_v.at[0]], add=True)

    plsc.subcore_barrier()

    @pl.when(s == 0)
    def _():
        pltpu.sync_copy(shared_deg, out_hbm.at[c])


@functools.partial(
    pl.kernel,
    mesh=_mesh,
    out_type=jax.ShapeDtypeStruct((NC, AR, D), jnp.float32),
    scratch_types=[
        pltpu.VMEM((IB, CHUNK), jnp.int32),
        pltpu.VMEM((IB, CHUNK), jnp.int32),
        pltpu.VMEM((IB, CHUNK), jnp.int32),
        pltpu.VMEM((IB, CHUNK), jnp.int32),
        pltpu.VMEM((CHUNK, D), jnp.float32),
        pltpu.VMEM((CHUNK, D), jnp.float32),
        pltpu.VMEM((CHUNK, D), jnp.float32),
        pltpu.VMEM((CHUNK, D), jnp.float32),
        pltpu.VMEM_SHARED((AR, D), jnp.float32),
        pltpu.SemaphoreType.DMA,
        pltpu.SemaphoreType.DMA,
        pltpu.SemaphoreType.DMA,
        pltpu.SemaphoreType.DMA,
        pltpu.SemaphoreType.DMA,
        pltpu.SemaphoreType.DMA,
    ],
    compiler_params=_sc_params,
)
def _agg_kernel(hs_hbm, rowi_hbm, coli_hbm, out_hbm,
                ibr0, ibc0, ibr1, ibc1,
                rows0_v, rows1_v, rows2_v, rows3_v, shared_a,
                sem0, sem1, sem2, sem3, si0, si1):
    c = lax.axis_index("c")
    s = lax.axis_index("s")
    base = pl.multiple_of(jnp.where(c == 0, s * CH0, NS * CH0 + s * CH1), 8)
    nb = jnp.where(c == 0, NB0, NB1)

    pltpu.async_copy(rowi_hbm.at[pl.ds(base, IB)], ibr0, si0)
    pltpu.async_copy(coli_hbm.at[pl.ds(base, IB)], ibc0, si0)
    off1 = pl.multiple_of(base + IB, 8)
    pltpu.async_copy(rowi_hbm.at[pl.ds(off1, IB)], ibr1, si1)
    pltpu.async_copy(coli_hbm.at[pl.ds(off1, IB)], ibc1, si1)

    @pl.loop(0, CHUNK)
    def _z0(i):
        @pl.loop(0, D // 16)
        def _z1(q):
            off = pl.multiple_of(q * 16, 16)
            rows0_v[i, pl.ds(off, 16)] = jnp.zeros((16,), jnp.float32)

    @pl.loop(0, ROWS_PER_TILE // CHUNK)
    def _zs(k):
        off = pl.multiple_of(s * ROWS_PER_TILE + k * CHUNK, 8)
        pltpu.sync_copy(rows0_v, shared_a.at[pl.ds(off, CHUNK)])

    plsc.subcore_barrier()

    def wait_idx(br, bc, sem):
        pltpu.make_async_copy(rowi_hbm.at[pl.ds(base, IB)], br, sem).wait()
        pltpu.make_async_copy(coli_hbm.at[pl.ds(base, IB)], bc, sem).wait()

    bufs = (rows0_v, rows1_v, rows2_v, rows3_v)
    sems = (sem0, sem1, sem2, sem3)

    def process_block(br, bc):
        for q in range(4):
            pltpu.async_copy(hs_hbm.at[br.at[q]], bufs[q], sems[q])
        for q in range(4):
            pltpu.make_async_copy(hs_hbm.at[br.at[q]], bufs[q],
                                  sems[q]).wait()
            pltpu.sync_copy(bufs[q], shared_a.at[bc.at[q]], add=True)
            pltpu.async_copy(hs_hbm.at[br.at[q + 4]], bufs[q], sems[q])
        for q in range(4):
            pltpu.make_async_copy(hs_hbm.at[br.at[q + 4]], bufs[q],
                                  sems[q]).wait()
            pltpu.sync_copy(bufs[q], shared_a.at[bc.at[q + 4]], add=True)

    @pl.loop(0, nb // 2)
    def _blocks(t):
        b = t * 2
        wait_idx(ibr0, ibc0, si0)
        process_block(ibr0, ibc0)

        @pl.when(b + 2 < nb)
        def _():
            off = pl.multiple_of(base + (b + 2) * IB, 8)
            pltpu.async_copy(rowi_hbm.at[pl.ds(off, IB)], ibr0, si0)
            pltpu.async_copy(coli_hbm.at[pl.ds(off, IB)], ibc0, si0)

        wait_idx(ibr1, ibc1, si1)
        process_block(ibr1, ibc1)

        @pl.when(b + 3 < nb)
        def _():
            off = pl.multiple_of(base + (b + 3) * IB, 8)
            pltpu.async_copy(rowi_hbm.at[pl.ds(off, IB)], ibr1, si1)
            pltpu.async_copy(coli_hbm.at[pl.ds(off, IB)], ibc1, si1)

    plsc.subcore_barrier()

    off = pl.multiple_of(s * ROWS_PER_TILE, 8)
    pltpu.sync_copy(
        shared_a.at[pl.ds(off, ROWS_PER_TILE)],
        out_hbm.at[c].at[pl.ds(off, ROWS_PER_TILE)],
    )


def _tc1_body(deg_ref, x_ref, wg_ref, ws_ref, gamma_ref, var_ref,
              hs_ref, dd_ref):
    sc = gamma_ref[...] * lax.rsqrt(var_ref[...] + EPS)
    wg = wg_ref[...] * sc
    ws = ws_ref[...] * sc
    deg = deg_ref[..., 0:1] + deg_ref[..., 1:2]
    dinv = jnp.where(deg > 0.0, lax.rsqrt(deg), 0.0)
    xb = x_ref[...]
    hp = jnp.dot(xb, wg, preferred_element_type=jnp.float32,
                 precision=lax.Precision.HIGHEST)
    hs_ref[...] = hp * dinv
    dd_ref[...] = hp + jnp.dot(xb, ws, preferred_element_type=jnp.float32,
                               precision=lax.Precision.HIGHEST)


def _tc2_body(a_ref, dd_ref, deg_ref, gamma_ref, var_ref, beta_ref,
              bias_ref, mm_ref, out_ref):
    sc = gamma_ref[...] * lax.rsqrt(var_ref[...] + EPS)
    t = beta_ref[...] + sc * (bias_ref[...] - mm_ref[...])
    deg = deg_ref[..., 0:1] + deg_ref[..., 1:2]
    dinv = jnp.where(deg > 0.0, lax.rsqrt(deg), 0.0)
    a = a_ref[0] + a_ref[1]
    out_ref[...] = dinv * a + dd_ref[...] + t


RB = 400


def kernel(x, edge_index, W_gcn, W_self, bias, gamma, beta, moving_mean,
           moving_var):
    row = edge_index[0]
    col = edge_index[1]

    pad = E_PAD - E
    row_deg = jnp.concatenate([row, jnp.full((pad,), AR - 1, jnp.int32)])
    row_g = jnp.concatenate([row, jnp.zeros((pad,), jnp.int32)])
    col_s = jnp.concatenate([col, jnp.full((pad,), N, jnp.int32)])
    row_g2 = row_g.reshape(NS * (CH0 + CH1), CHUNK)
    col_s2 = col_s.reshape(NS * (CH0 + CH1), CHUNK)

    deg2 = _deg_kernel(row_deg)
    degT = deg2.reshape(NC, AR)[:, :N].T

    g2 = gamma.reshape(1, D)
    v2 = moving_var.reshape(1, D)
    b2 = beta.reshape(1, D)
    bi2 = bias.reshape(1, D)
    m2 = moving_mean.reshape(1, D)

    grid = (N // RB,)
    vec_spec = pl.BlockSpec((1, D), lambda i: (0, 0))
    hs, dd = pl.pallas_call(
        _tc1_body,
        grid=grid,
        in_specs=[
            pl.BlockSpec((RB, 2), lambda i: (i, 0)),
            pl.BlockSpec((RB, D), lambda i: (i, 0)),
            pl.BlockSpec((D, D), lambda i: (0, 0)),
            pl.BlockSpec((D, D), lambda i: (0, 0)),
            vec_spec,
            vec_spec,
        ],
        out_specs=[
            pl.BlockSpec((RB, D), lambda i: (i, 0)),
            pl.BlockSpec((RB, D), lambda i: (i, 0)),
        ],
        out_shape=[
            jax.ShapeDtypeStruct((N, D), jnp.float32),
            jax.ShapeDtypeStruct((N, D), jnp.float32),
        ],
    )(degT, x, W_gcn, W_self, g2, v2)

    a2 = _agg_kernel(hs, row_g2, col_s2)

    out = pl.pallas_call(
        _tc2_body,
        grid=grid,
        in_specs=[
            pl.BlockSpec((NC, RB, D), lambda i: (0, i, 0)),
            pl.BlockSpec((RB, D), lambda i: (i, 0)),
            pl.BlockSpec((RB, 2), lambda i: (i, 0)),
            vec_spec, vec_spec, vec_spec, vec_spec, vec_spec,
        ],
        out_specs=pl.BlockSpec((RB, D), lambda i: (i, 0)),
        out_shape=jax.ShapeDtypeStruct((N, D), jnp.float32),
    )(a2, dd, degT, g2, v2, b2, bi2, m2)

    return out

# --- scband reference (transcript-rebuilt; emitter-appended) ---
"""Pipeline reference for scband-gcn-bs-73727408603581 (READ-ONLY COPY).

The authoritative reference and input builder live on the scoring server;
editing this copy changes nothing except your own understanding.
"""

import jax, jax.numpy as jnp
import numpy as np

N_NODES = 10000
N_EDGES = 320000
D_IN = 128
UNITS = 128


def setup_inputs(seed: int = 0) -> dict:
    key = jax.random.key(seed)
    ks = jax.random.split(key, 8)
    x = jax.random.normal(ks[0], (N_NODES, D_IN), dtype=jnp.float32)
    edge_index = jax.random.randint(ks[1], (2, N_EDGES), 0, N_NODES, dtype=jnp.int32)
    # Learned parameters
    W_gcn = jax.random.normal(ks[2], (D_IN, UNITS), dtype=jnp.float32) * 0.05
    W_self = jax.random.normal(ks[3], (D_IN, UNITS), dtype=jnp.float32) * 0.05
    bias = jnp.zeros((UNITS,), dtype=jnp.float32)
    gamma = jnp.ones((UNITS,), dtype=jnp.float32)
    beta = jnp.zeros((UNITS,), dtype=jnp.float32)
    moving_mean = jnp.zeros((UNITS,), dtype=jnp.float32)
    moving_var = jnp.ones((UNITS,), dtype=jnp.float32)
    return {
        "x": x,
        "edge_index": edge_index,
        "W_gcn": W_gcn,
        "W_self": W_self,
        "bias": bias,
        "gamma": gamma,
        "beta": beta,
        "moving_mean": moving_mean,
        "moving_var": moving_var,
    }


def reference(x, edge_index, W_gcn, W_self, bias, gamma, beta, moving_mean, moving_var):
    # --- GCN(units, renorm=False, use_bias=False), tf_geometric semantics ---
    row = edge_index[0]
    col = edge_index[1]
    n = x.shape[0]
    ew = jnp.ones((row.shape[0],), dtype=x.dtype)
    # degree from source-node scatter-add (renorm=False: no self-loops before norm)
    deg = jax.ops.segment_sum(ew, row, num_segments=n)
    deg_inv_sqrt = jnp.power(deg, -0.5)
    deg_inv_sqrt = jnp.where(jnp.isinf(deg_inv_sqrt), jnp.zeros_like(deg_inv_sqrt), deg_inv_sqrt)
    norm_w = deg_inv_sqrt[row] * ew * deg_inv_sqrt[col]
    # x @ kernel, then gather/scale/scatter-add aggregation
    h = x @ W_gcn
    msgs = jnp.take(h, row, axis=0) * norm_w[:, None]
    agg = jax.ops.segment_sum(msgs, col, num_segments=n)
    # renorm=False adds self-loop edges with fill_weight=1.0 AFTER normalization
    agg = agg + h
    # --- self-loop dense branch + bias ---
    out = agg + x @ W_self
    out = out + bias
    # --- BatchNormalization, inference mode (training=None) ---
    eps = 1e-3
    out = gamma * (out - moving_mean) / jnp.sqrt(moving_var + eps) + beta
    # activation=None, res=False
    return out

if __name__ == "__main__":
    import jax
    _d = setup_inputs()
    print(jax.jit(kernel)(*tuple(_d.values())))

</pallas_src>

<mosaic_0001>
#map = affine_map<(d0, d1) -> (0)>
#map1 = affine_map<(d0, d1) -> (0, 0, 0)>
module attributes {stable_mosaic.version = 14 : i64} {
  func.func @_deg_kernel(%arg0: i32, %arg1: i32, %arg2: memref<327680xi32, #tpu.memory_space<hbm>>, %arg3: memref<2x80x128xf32, #tpu.memory_space<hbm>>, %arg4: memref<2048xi32, #tpu.memory_space<vmem>>, %arg5: memref<80x128xf32, #tpu.memory_space<vmem>>, %arg6: memref<1x80xi32, #tpu.memory_space<vmem>>, %arg7: memref<80x128xf32, #tpu.memory_space<vmem_shared>>) attributes {dimension_semantics = [#tpu.dimension_semantics<core_parallel>, #tpu.dimension_semantics<subcore_parallel>], iteration_bounds = array<i64: 2, 16>, scalar_prefetch = 0 : i64, scratch_operands = 4 : i64, tpu.core_type = #tpu.core_type<sc_vector_subcore>, window_params = [{transform_indices = #map}, {transform_indices = #map1}]} {
    %mul3A = arith.constant 2 : i32
    %mul3A_0 = arith.muli %arg1, %mul3A : i32
    %add3A = arith.addi %mul3A_0, %arg0 : i32
    %mul3A_1 = arith.constant 10240 : i32
    %mul3A_2 = arith.muli %add3A, %mul3A_1 : i32
    %scan3A = arith.constant 0 : i32
    %scan3A_3 = arith.constant 80 : i32
    %scan3A_4 = arith.addi %scan3A, %scan3A_3 : i32
    %scan3A_5 = arith.constant 1 : i32
    scf.for %scan3A_26 = %scan3A to %scan3A_4 step %scan3A_5  : i32 {
      %mul3A_27 = arith.constant 1 : i32
      %mul3A_28 = arith.muli %scan3A_26, %mul3A_27 : i32
      %add3A_29 = arith.constant 0 : i32
      %add3A_30 = arith.addi %add3A_29, %mul3A_28 : i32
      %scan3A_31 = arith.constant 0 : i32
      %scan3A_32 = arith.constant 8 : i32
      %scan3A_33 = arith.addi %scan3A_31, %scan3A_32 : i32
      %scan3A_34 = arith.constant 1 : i32
      scf.for %scan3A_36 = %scan3A_31 to %scan3A_33 step %scan3A_34  : i32 {
        %mul3A_37 = arith.constant 1 : i32
        %mul3A_38 = arith.muli %scan3A_36, %mul3A_37 : i32
        %add3A_39 = arith.constant 0 : i32
        %add3A_40 = arith.addi %add3A_39, %mul3A_38 : i32
        %mul3A_41 = arith.constant 16 : i32
        %mul3A_42 = arith.muli %add3A_40, %mul3A_41 : i32
        %multiple_of3A = tpu.assume_multiple %mul3A_42, 16 : i32
        %broadcast_in_dim3A_43 = arith.constant 0.000000e+00 : f32
        %broadcast_in_dim3A_44 = vector.broadcast %broadcast_in_dim3A_43 : f32 to vector<16xf32>
        %swap3A = arith.index_cast %add3A_30 : i32 to index
        %swap3A_45 = arith.index_cast %multiple_of3A : i32 to index
        %swap3A_46 = tpu.vector_load %arg5[%swap3A, %swap3A_45] {strides = array<i32>} : memref<80x128xf32, #tpu.memory_space<vmem>>, vector<16xf32>,
        tpu.vector_store %arg5[%swap3A, %swap3A_45], %broadcast_in_dim3A_44 {strides = array<i32>} : memref<80x128xf32, #tpu.memory_space<vmem>>, vector<16xf32>,
      }
      %scan3A_35 = arith.constant 8 : i32
    }
    %scan3A_6 = arith.constant 80 : i32
    %eq3A = arith.constant 0 : i32
    %eq3A_7 = arith.cmpi eq, %arg1, %eq3A : i32
    %convert_element_type3A = arith.extui %eq3A_7 : i1 to i32
    %cond3A = arith.constant 0 : i32
    %cond3A_8 = arith.cmpi ne, %convert_element_type3A, %cond3A : i32
    scf.if %cond3A_8 {
      "tpu.region"() ({
        %run_scoped3A_26 = tpu.sem_alloc : memref<!tpu.dma_semaphore, #tpu.memory_space<semaphore_mem>>
        tpu.enqueue_dma source(%arg5 : memref<80x128xf32, #tpu.memory_space<vmem>>) target(%arg7 : memref<80x128xf32, #tpu.memory_space<vmem_shared>>) target_semaphore(%run_scoped3A_26 : memref<!tpu.dma_semaphore, #tpu.memory_space<semaphore_mem>>)
        tpu.wait_dma2 semaphore(%run_scoped3A_26 : memref<!tpu.dma_semaphore, #tpu.memory_space<semaphore_mem>>) src(%arg5 : memref<80x128xf32, #tpu.memory_space<vmem>>) dst(%arg7 : memref<80x128xf32, #tpu.memory_space<vmem_shared>>)
        tpu.yield
      }) : () -> ()
    } else {
    }
    %iota3A = tpu.iota {dimensions = array<i32: 0>} : vector<16xi32>
    %scan3A_9 = arith.constant 0 : i32
    %scan3A_10 = arith.constant 5 : i32
    %scan3A_11 = arith.addi %scan3A_9, %scan3A_10 : i32
    %scan3A_12 = arith.constant 1 : i32
    scf.for %scan3A_26 = %scan3A_9 to %scan3A_11 step %scan3A_12  : i32 {
      %mul3A_27 = arith.constant 1 : i32
      %mul3A_28 = arith.muli %scan3A_26, %mul3A_27 : i32
      %add3A_29 = arith.constant 0 : i32
      %add3A_30 = arith.addi %add3A_29, %mul3A_28 : i32
      %mul3A_31 = arith.constant 16 : i32
      %mul3A_32 = arith.muli %add3A_30, %mul3A_31 : i32
      %multiple_of3A = tpu.assume_multiple %mul3A_32, 16 : i32
      %mul3A_33 = arith.constant 16 : i32
      %mul3A_34 = arith.muli %add3A_30, %mul3A_33 : i32
      %add3A_35 = vector.broadcast %mul3A_34 : i32 to vector<16xi32>
      %add3A_36 = arith.addi %iota3A, %add3A_35 : vector<16xi32>
      %swap3A = arith.constant 0 : i32
      %swap3A_37 = arith.index_cast %swap3A : i32 to index
      %swap3A_38 = arith.index_cast %multiple_of3A : i32 to index
      %swap3A_39 = tpu.vector_load %arg6[%swap3A_37, %swap3A_38] {strides = array<i32>} : memref<1x80xi32, #tpu.memory_space<vmem>>, vector<16xi32>,
      tpu.vector_store %arg6[%swap3A_37, %swap3A_38], %add3A_36 {strides = array<i32>} : memref<1x80xi32, #tpu.memory_space<vmem>>, vector<16xi32>,
    }
    %scan3A_13 = arith.constant 5 : i32
    %barrier3A = arith.constant 0 : index
    tpu.barrier barrier_id(%barrier3A)
    %broadcast_in_dim3A = arith.constant 1.000000e+00 : f32
    %broadcast_in_dim3A_14 = vector.broadcast %broadcast_in_dim3A : f32 to vector<16xf32>
    %scan3A_15 = arith.constant 0 : i32
    %scan3A_16 = arith.constant 5 : i32
    %scan3A_17 = arith.addi %scan3A_15, %scan3A_16 : i32
    %scan3A_18 = arith.constant 1 : i32
    scf.for %scan3A_26 = %scan3A_15 to %scan3A_17 step %scan3A_18  : i32 {
      %mul3A_27 = arith.constant 1 : i32
      %mul3A_28 = arith.muli %scan3A_26, %mul3A_27 : i32
      %add3A_29 = arith.constant 0 : i32
      %add3A_30 = arith.addi %add3A_29, %mul3A_28 : i32
      %mul3A_31 = arith.constant 2048 : i32
      %mul3A_32 = arith.muli %add3A_30, %mul3A_31 : i32
      %add3A_33 = arith.addi %mul3A_2, %mul3A_32 : i32
      %multiple_of3A = tpu.assume_multiple %add3A_33, 8 : i32
      "tpu.region"() ({
        %run_scoped3A_39 = tpu.sem_alloc : memref<!tpu.dma_semaphore, #tpu.memory_space<semaphore_mem>>
        %dma_start3A = tpu.memref_slice %arg2[%multiple_of3A] : memref<327680xi32, #tpu.memory_space<hbm>> -> memref<2048xi32, #tpu.memory_space<hbm>>
        %dma_start3A_40 = tpu.memref_slice %arg2[%multiple_of3A] : memref<327680xi32, #tpu.memory_space<hbm>> -> memref<2048xi32, #tpu.memory_space<hbm>>
        tpu.enqueue_dma source(%dma_start3A_40 : memref<2048xi32, #tpu.memory_space<hbm>>) target(%arg4 : memref<2048xi32, #tpu.memory_space<vmem>>) target_semaphore(%run_scoped3A_39 : memref<!tpu.dma_semaphore, #tpu.memory_space<semaphore_mem>>)
        %dma_wait3A = tpu.memref_slice %arg2[%multiple_of3A] : memref<327680xi32, #tpu.memory_space<hbm>> -> memref<2048xi32, #tpu.memory_space<hbm>>
        %dma_wait3A_41 = tpu.memref_slice %arg2[%multiple_of3A] : memref<327680xi32, #tpu.memory_space<hbm>> -> memref<2048xi32, #tpu.memory_space<hbm>>
        tpu.wait_dma2 semaphore(%run_scoped3A_39 : memref<!tpu.dma_semaphore, #tpu.memory_space<semaphore_mem>>) src(%dma_wait3A_41 : memref<2048xi32, #tpu.memory_space<hbm>>) dst(%arg4 : memref<2048xi32, #tpu.memory_space<vmem>>)
        tpu.yield
      }) : () -> ()
      %scan3A_34 = arith.constant 0 : i32
      %scan3A_35 = arith.constant 128 : i32
      %scan3A_36 = arith.addi %scan3A_34, %scan3A_35 : i32
      %scan3A_37 = arith.constant 1 : i32
      scf.for %scan3A_39 = %scan3A_34 to %scan3A_36 step %scan3A_37  : i32 {
        %mul3A_40 = arith.constant 1 : i32
        %mul3A_41 = arith.muli %scan3A_39, %mul3A_40 : i32
        %add3A_42 = arith.constant 0 : i32
        %add3A_43 = arith.addi %add3A_42, %mul3A_41 : i32
        %mul3A_44 = arith.constant 16 : i32
        %mul3A_45 = arith.muli %add3A_43, %mul3A_44 : i32
        %multiple_of3A_46 = tpu.assume_multiple %mul3A_45, 16 : i32
        %get3A = arith.index_cast %multiple_of3A_46 : i32 to index
        %get3A_47 = tpu.vector_load %arg4[%get3A] {strides = array<i32>} : memref<2048xi32, #tpu.memory_space<vmem>>, vector<16xi32>,
        %shift_right_logical3A = arith.constant 7 : i32
        %shift_right_logical3A_48 = vector.broadcast %shift_right_logical3A : i32 to vector<16xi32>
        %shift_right_logical3A_49 = arith.shrui %get3A_47, %shift_right_logical3A_48 : vector<16xi32>
        %and3A = arith.constant 127 : i32
        %and3A_50 = vector.broadcast %and3A : i32 to vector<16xi32>
        %and3A_51 = arith.andi %get3A_47, %and3A_50 : vector<16xi32>
        tpu.vector_store_idx %arg5[%shift_right_logical3A_49, %and3A_51], %broadcast_in_dim3A_14 {add = true} : memref<80x128xf32, #tpu.memory_space<vmem>>[vector<16xi32>, vector<16xi32>], vector<16xf32>,
      }
      %scan3A_38 = arith.constant 128 : i32
    }
    %scan3A_19 = arith.constant 5 : i32
    %run_scoped3A = arith.constant 0 : i32
    "tpu.region"() ({
      %run_scoped3A_26 = tpu.sem_alloc : memref<!tpu.dma_semaphore, #tpu.memory_space<semaphore_mem>>
      %dma_start3A = arith.constant 0 : i32
      %dma_start3A_27 = tpu.memref_slice %arg6[%run_scoped3A, %dma_start3A] : memref<1x80xi32, #tpu.memory_space<vmem>> -> memref<1x80xi32, #tpu.memory_space<vmem>>
      %dma_start3A_28 = tpu.memref_squeeze %dma_start3A_27 : memref<1x80xi32, #tpu.memory_space<vmem>> -> memref<80xi32, #tpu.memory_space<vmem>>
      %dma_start3A_29 = arith.constant 0 : i32
      %dma_start3A_30 = arith.constant 0 : i32
      %dma_start3A_31 = tpu.memref_slice %arg7[%dma_start3A_29, %dma_start3A_30] : memref<80x128xf32, #tpu.memory_space<vmem_shared>> -> memref<80x128xf32, #tpu.memory_space<vmem_shared>>
      tpu.enqueue_indirect_dma source(%arg5 : memref<80x128xf32, #tpu.memory_space<vmem>>) target(%dma_start3A_31 : memref<80x128xf32, #tpu.memory_space<vmem_shared>>) offsets(%dma_start3A_28 : memref<80xi32, #tpu.memory_space<vmem>>) semaphore(%run_scoped3A_26 : memref<!tpu.dma_semaphore, #tpu.memory_space<semaphore_mem>>) {add = true}
      %dma_wait3A = arith.constant 0 : i32
      %dma_wait3A_32 = tpu.memref_slice %arg6[%run_scoped3A, %dma_wait3A] : memref<1x80xi32, #tpu.memory_space<vmem>> -> memref<1x80xi32, #tpu.memory_space<vmem>>
      %dma_wait3A_33 = tpu.memref_squeeze %dma_wait3A_32 : memref<1x80xi32, #tpu.memory_space<vmem>> -> memref<80xi32, #tpu.memory_space<vmem>>
      %dma_wait3A_34 = arith.constant 0 : i32
      %dma_wait3A_35 = arith.constant 0 : i32
      %dma_wait3A_36 = tpu.memref_slice %arg7[%dma_wait3A_34, %dma_wait3A_35] : memref<80x128xf32, #tpu.memory_space<vmem_shared>> -> memref<80x128xf32, #tpu.memory_space<vmem_shared>>
      tpu.wait_indirect_dma semaphore(%run_scoped3A_26 : memref<!tpu.dma_semaphore, #tpu.memory_space<semaphore_mem>>) src(%arg5 : memref<80x128xf32, #tpu.memory_space<vmem>>) dst(%dma_wait3A_36 : memref<80x128xf32, #tpu.memory_space<vmem_shared>>)
      tpu.yield
    }) : () -> ()
    %barrier3A_20 = arith.constant 0 : index
    tpu.barrier barrier_id(%barrier3A_20)
    %eq3A_21 = arith.constant 0 : i32
    %eq3A_22 = arith.cmpi eq, %arg1, %eq3A_21 : i32
    %convert_element_type3A_23 = arith.extui %eq3A_22 : i1 to i32
    %cond3A_24 = arith.constant 0 : i32
    %cond3A_25 = arith.cmpi ne, %convert_element_type3A_23, %cond3A_24 : i32
    scf.if %cond3A_25 {
      "tpu.region"() ({
        %run_scoped3A_26 = tpu.sem_alloc : memref<!tpu.dma_semaphore, #tpu.memory_space<semaphore_mem>>
        %dma_start3A = arith.constant 0 : i32
        %dma_start3A_27 = arith.constant 0 : i32
        %dma_start3A_28 = tpu.memref_slice %arg3[%arg0, %dma_start3A, %dma_start3A_27] : memref<2x80x128xf32, #tpu.memory_space<hbm>> -> memref<1x80x128xf32, #tpu.memory_space<hbm>>
        %dma_start3A_29 = tpu.memref_squeeze %dma_start3A_28 : memref<1x80x128xf32, #tpu.memory_space<hbm>> -> memref<80x128xf32, #tpu.memory_space<hbm>>
        tpu.enqueue_dma source(%arg7 : memref<80x128xf32, #tpu.memory_space<vmem_shared>>) target(%dma_start3A_29 : memref<80x128xf32, #tpu.memory_space<hbm>>) target_semaphore(%run_scoped3A_26 : memref<!tpu.dma_semaphore, #tpu.memory_space<semaphore_mem>>)
        %dma_wait3A = arith.constant 0 : i32
        %dma_wait3A_30 = arith.constant 0 : i32
        %dma_wait3A_31 = tpu.memref_slice %arg3[%arg0, %dma_wait3A, %dma_wait3A_30] : memref<2x80x128xf32, #tpu.memory_space<hbm>> -> memref<1x80x128xf32, #tpu.memory_space<hbm>>
        %dma_wait3A_32 = tpu.memref_squeeze %dma_wait3A_31 : memref<1x80x128xf32, #tpu.memory_space<hbm>> -> memref<80x128xf32, #tpu.memory_space<hbm>>
        tpu.wait_dma2 semaphore(%run_scoped3A_26 : memref<!tpu.dma_semaphore, #tpu.memory_space<semaphore_mem>>) src(%arg7 : memref<80x128xf32, #tpu.memory_space<vmem_shared>>) dst(%dma_wait3A_32 : memref<80x128xf32, #tpu.memory_space<hbm>>)
        tpu.yield
      }) : () -> ()
    } else {
    }
    return
  }
}

#map = affine_map<(d0, d1) -> (0, 0)>
#map1 = affine_map<(d0, d1) -> (0, 0, 0)>
module attributes {stable_mosaic.version = 14 : i64} {
  func.func @_agg_kernel(%arg0: i32, %arg1: i32, %arg2: memref<10000x128xf32, #tpu.memory_space<hbm>>, %arg3: memref<5120x64xi32, #tpu.memory_space<hbm>>, %arg4: memref<5120x64xi32, #tpu.memory_space<hbm>>, %arg5: memref<2x10240x128xf32, #tpu.memory_space<hbm>>, %arg6: memref<8x64xi32, #tpu.memory_space<vmem>>, %arg7: memref<8x64xi32, #tpu.memory_space<vmem>>, %arg8: memref<8x64xi32, #tpu.memory_space<vmem>>, %arg9: memref<8x64xi32, #tpu.memory_space<vmem>>, %arg10: memref<64x128xf32, #tpu.memory_space<vmem>>, %arg11: memref<64x128xf32, #tpu.memory_space<vmem>>, %arg12: memref<64x128xf32, #tpu.memory_space<vmem>>, %arg13: memref<64x128xf32, #tpu.memory_space<vmem>>, %arg14: memref<10240x128xf32, #tpu.memory_space<vmem_shared>>, %arg15: memref<!tpu.dma_semaphore, #tpu.memory_space<semaphore_mem>>, %arg16: memref<!tpu.dma_semaphore, #tpu.memory_space<semaphore_mem>>, %arg17: memref<!tpu.dma_semaphore, #tpu.memory_space<semaphore_mem>>, %arg18: memref<!tpu.dma_semaphore, #tpu.memory_space<semaphore_mem>>, %arg19: memref<!tpu.dma_semaphore, #tpu.memory_space<semaphore_mem>>, %arg20: memref<!tpu.dma_semaphore, #tpu.memory_space<semaphore_mem>>) attributes {dimension_semantics = [#tpu.dimension_semantics<core_parallel>, #tpu.dimension_semantics<subcore_parallel>], iteration_bounds = array<i64: 2, 16>, scalar_prefetch = 0 : i64, scratch_operands = 15 : i64, tpu.core_type = #tpu.core_type<sc_vector_subcore>, window_params = [{transform_indices = #map}, {transform_indices = #map}, {transform_indices = #map}, {transform_indices = #map1}]} {
    %eq3A = arith.constant 0 : i32
    %eq3A_0 = arith.cmpi eq, %arg0, %eq3A : i32
    %mul3A = arith.constant 304 : i32
    %mul3A_1 = arith.muli %arg1, %mul3A : i32
    %mul3A_2 = arith.constant 16 : i32
    %mul3A_3 = arith.muli %arg1, %mul3A_2 : i32
    %add3A = arith.constant 4864 : i32
    %add3A_4 = arith.addi %add3A, %mul3A_3 : i32
    %select_n3A = arith.select %eq3A_0, %mul3A_1, %add3A_4 : i32
    %multiple_of3A = tpu.assume_multiple %select_n3A, 8 : i32
    %eq3A_5 = arith.constant 0 : i32
    %eq3A_6 = arith.cmpi eq, %arg0, %eq3A_5 : i32
    %jit3A = arith.constant 38 : i32
    %jit3A_7 = arith.constant 2 : i32
    %select_n3A_8 = arith.select %eq3A_6, %jit3A, %jit3A_7 : i32
    %dma_start3A = arith.constant 0 : i32
    %dma_start3A_9 = tpu.memref_slice %arg3[%multiple_of3A, %dma_start3A] : memref<5120x64xi32, #tpu.memory_space<hbm>> -> memref<8x64xi32, #tpu.memory_space<hbm>>
    %dma_start3A_10 = arith.constant 0 : i32
    %dma_start3A_11 = tpu.memref_slice %arg3[%multiple_of3A, %dma_start3A_10] : memref<5120x64xi32, #tpu.memory_space<hbm>> -> memref<8x64xi32, #tpu.memory_space<hbm>>
    tpu.enqueue_dma source(%dma_start3A_11 : memref<8x64xi32, #tpu.memory_space<hbm>>) target(%arg6 : memref<8x64xi32, #tpu.memory_space<vmem>>) target_semaphore(%arg19 : memref<!tpu.dma_semaphore, #tpu.memory_space<semaphore_mem>>)
    %dma_start3A_12 = arith.constant 0 : i32
    %dma_start3A_13 = tpu.memref_slice %arg4[%multiple_of3A, %dma_start3A_12] : memref<5120x64xi32, #tpu.memory_space<hbm>> -> memref<8x64xi32, #tpu.memory_space<hbm>>
    %dma_start3A_14 = arith.constant 0 : i32
    %dma_start3A_15 = tpu.memref_slice %arg4[%multiple_of3A, %dma_start3A_14] : memref<5120x64xi32, #tpu.memory_space<hbm>> -> memref<8x64xi32, #tpu.memory_space<hbm>>
    tpu.enqueue_dma source(%dma_start3A_15 : memref<8x64xi32, #tpu.memory_space<hbm>>) target(%arg7 : memref<8x64xi32, #tpu.memory_space<vmem>>) target_semaphore(%arg19 : memref<!tpu.dma_semaphore, #tpu.memory_space<semaphore_mem>>)
    %add3A_16 = arith.constant 8 : i32
    %add3A_17 = arith.addi %multiple_of3A, %add3A_16 : i32
    %multiple_of3A_18 = tpu.assume_multiple %add3A_17, 8 : i32
    %dma_start3A_19 = arith.constant 0 : i32
    %dma_start3A_20 = tpu.memref_slice %arg3[%multiple_of3A_18, %dma_start3A_19] : memref<5120x64xi32, #tpu.memory_space<hbm>> -> memref<8x64xi32, #tpu.memory_space<hbm>>
    %dma_start3A_21 = arith.constant 0 : i32
    %dma_start3A_22 = tpu.memref_slice %arg3[%multiple_of3A_18, %dma_start3A_21] : memref<5120x64xi32, #tpu.memory_space<hbm>> -> memref<8x64xi32, #tpu.memory_space<hbm>>
    tpu.enqueue_dma source(%dma_start3A_22 : memref<8x64xi32, #tpu.memory_space<hbm>>) target(%arg8 : memref<8x64xi32, #tpu.memory_space<vmem>>) target_semaphore(%arg20 : memref<!tpu.dma_semaphore, #tpu.memory_space<semaphore_mem>>)
    %dma_start3A_23 = arith.constant 0 : i32
    %dma_start3A_24 = tpu.memref_slice %arg4[%multiple_of3A_18, %dma_start3A_23] : memref<5120x64xi32, #tpu.memory_space<hbm>> -> memref<8x64xi32, #tpu.memory_space<hbm>>
    %dma_start3A_25 = arith.constant 0 : i32
    %dma_start3A_26 = tpu.memref_slice %arg4[%multiple_of3A_18, %dma_start3A_25] : memref<5120x64xi32, #tpu.memory_space<hbm>> -> memref<8x64xi32, #tpu.memory_space<hbm>>
    tpu.enqueue_dma source(%dma_start3A_26 : memref<8x64xi32, #tpu.memory_space<hbm>>) target(%arg9 : memref<8x64xi32, #tpu.memory_space<vmem>>) target_semaphore(%arg20 : memref<!tpu.dma_semaphore, #tpu.memory_space<semaphore_mem>>)
    %scan3A = arith.constant 0 : i32
    %scan3A_27 = arith.constant 64 : i32
    %scan3A_28 = arith.addi %scan3A, %scan3A_27 : i32
    %scan3A_29 = arith.constant 1 : i32
    scf.for %scan3A_76 = %scan3A to %scan3A_28 step %scan3A_29  : i32 {
      %mul3A_77 = arith.constant 1 : i32
      %mul3A_78 = arith.muli %scan3A_76, %mul3A_77 : i32
      %add3A_79 = arith.constant 0 : i32
      %add3A_80 = arith.addi %add3A_79, %mul3A_78 : i32
      %scan3A_81 = arith.constant 0 : i32
      %scan3A_82 = arith.constant 8 : i32
      %scan3A_83 = arith.addi %scan3A_81, %scan3A_82 : i32
      %scan3A_84 = arith.constant 1 : i32
      scf.for %scan3A_86 = %scan3A_81 to %scan3A_83 step %scan3A_84  : i32 {
        %mul3A_87 = arith.constant 1 : i32
        %mul3A_88 = arith.muli %scan3A_86, %mul3A_87 : i32
        %add3A_89 = arith.constant 0 : i32
        %add3A_90 = arith.addi %add3A_89, %mul3A_88 : i32
        %mul3A_91 = arith.constant 16 : i32
        %mul3A_92 = arith.muli %add3A_90, %mul3A_91 : i32
        %multiple_of3A_93 = tpu.assume_multiple %mul3A_92, 16 : i32
        %broadcast_in_dim3A = arith.constant 0.000000e+00 : f32
        %broadcast_in_dim3A_94 = vector.broadcast %broadcast_in_dim3A : f32 to vector<16xf32>
        %swap3A = arith.index_cast %add3A_80 : i32 to index
        %swap3A_95 = arith.index_cast %multiple_of3A_93 : i32 to index
        %swap3A_96 = tpu.vector_load %arg10[%swap3A, %swap3A_95] {strides = array<i32>} : memref<64x128xf32, #tpu.memory_space<vmem>>, vector<16xf32>,
        tpu.vector_store %arg10[%swap3A, %swap3A_95], %broadcast_in_dim3A_94 {strides = array<i32>} : memref<64x128xf32, #tpu.memory_space<vmem>>, vector<16xf32>,
      }
      %scan3A_85 = arith.constant 8 : i32
    }
    %scan3A_30 = arith.constant 64 : i32
    %scan3A_31 = arith.constant 0 : i32
    %scan3A_32 = arith.constant 10 : i32
    %scan3A_33 = arith.addi %scan3A_31, %scan3A_32 : i32
    %scan3A_34 = arith.constant 1 : i32
    scf.for %scan3A_76 = %scan3A_31 to %scan3A_33 step %scan3A_34  : i32 {
      %mul3A_77 = arith.constant 1 : i32
      %mul3A_78 = arith.muli %scan3A_76, %mul3A_77 : i32
      %add3A_79 = arith.constant 0 : i32
      %add3A_80 = arith.addi %add3A_79, %mul3A_78 : i32
      %mul3A_81 = arith.constant 640 : i32
      %mul3A_82 = arith.muli %arg1, %mul3A_81 : i32
      %mul3A_83 = arith.constant 64 : i32
      %mul3A_84 = arith.muli %add3A_80, %mul3A_83 : i32
      %add3A_85 = arith.addi %mul3A_82, %mul3A_84 : i32
      %multiple_of3A_86 = tpu.assume_multiple %add3A_85, 8 : i32
      "tpu.region"() ({
        %run_scoped3A = tpu.sem_alloc : memref<!tpu.dma_semaphore, #tpu.memory_space<semaphore_mem>>
        %dma_start3A_87 = arith.constant 0 : i32
        %dma_start3A_88 = tpu.memref_slice %arg14[%multiple_of3A_86, %dma_start3A_87] : memref<10240x128xf32, #tpu.memory_space<vmem_shared>> -> memref<64x128xf32, #tpu.memory_space<vmem_shared>>
        %dma_start3A_89 = arith.constant 0 : i32
        %dma_start3A_90 = tpu.memref_slice %arg14[%multiple_of3A_86, %dma_start3A_89] : memref<10240x128xf32, #tpu.memory_space<vmem_shared>> -> memref<64x128xf32, #tpu.memory_space<vmem_shared>>
        tpu.enqueue_dma source(%arg10 : memref<64x128xf32, #tpu.memory_space<vmem>>) target(%dma_start3A_90 : memref<64x128xf32, #tpu.memory_space<vmem_shared>>) target_semaphore(%run_scoped3A : memref<!tpu.dma_semaphore, #tpu.memory_space<semaphore_mem>>)
        %dma_wait3A = arith.constant 0 : i32
        %dma_wait3A_91 = tpu.memref_slice %arg14[%multiple_of3A_86, %dma_wait3A] : memref<10240x128xf32, #tpu.memory_space<vmem_shared>> -> memref<64x128xf32, #tpu.memory_space<vmem_shared>>
        %dma_wait3A_92 = arith.constant 0 : i32
        %dma_wait3A_93 = tpu.memref_slice %arg14[%multiple_of3A_86, %dma_wait3A_92] : memref<10240x128xf32, #tpu.memory_space<vmem_shared>> -> memref<64x128xf32, #tpu.memory_space<vmem_shared>>
        tpu.wait_dma2 semaphore(%run_scoped3A : memref<!tpu.dma_semaphore, #tpu.memory_space<semaphore_mem>>) src(%arg10 : memref<64x128xf32, #tpu.memory_space<vmem>>) dst(%dma_wait3A_93 : memref<64x128xf32, #tpu.memory_space<vmem_shared>>)
        tpu.yield
      }) : () -> ()
    }
    %scan3A_35 = arith.constant 10 : i32
    %barrier3A = arith.constant 0 : index
    tpu.barrier barrier_id(%barrier3A)
    %jit3A_36 = arith.constant 2 : i32
    %div3A = arith.divsi %select_n3A_8, %jit3A_36 : i32
    %sign3A = arith.constant 0 : i32
    %sign3A_37 = arith.cmpi sgt, %select_n3A_8, %sign3A : i32
    %sign3A_38 = arith.extui %sign3A_37 : i1 to i32
    %sign3A_39 = arith.constant 0 : i32
    %sign3A_40 = arith.cmpi slt, %select_n3A_8, %sign3A_39 : i32
    %sign3A_41 = arith.extui %sign3A_40 : i1 to i32
    %sign3A_42 = arith.subi %sign3A_38, %sign3A_41 : i32
    %sign3A_43 = arith.constant 0 : i32
    %sign3A_44 = arith.cmpi sgt, %jit3A_36, %sign3A_43 : i32
    %sign3A_45 = arith.extui %sign3A_44 : i1 to i32
    %sign3A_46 = arith.constant 0 : i32
    %sign3A_47 = arith.cmpi slt, %jit3A_36, %sign3A_46 : i32
    %sign3A_48 = arith.extui %sign3A_47 : i1 to i32
    %sign3A_49 = arith.subi %sign3A_45, %sign3A_48 : i32
    %ne3A = arith.cmpi ne, %sign3A_42, %sign3A_49 : i32
    %rem3A = arith.remsi %select_n3A_8, %jit3A_36 : i32
    %ne3A_50 = arith.constant 0 : i32
    %ne3A_51 = arith.cmpi ne, %rem3A, %ne3A_50 : i32
    %and3A = arith.andi %ne3A, %ne3A_51 : i1
    %sub3A = arith.constant 1 : i32
    %sub3A_52 = arith.subi %div3A, %sub3A : i32
    %select_n3A_53 = arith.select %and3A, %sub3A_52, %div3A : i32
    %sub3A_54 = arith.constant 0 : i32
    %sub3A_55 = arith.subi %select_n3A_53, %sub3A_54 : i32
    %sub3A_56 = arith.constant 1 : i32
    %sub3A_57 = arith.constant 1 : i32
    %sub3A_58 = arith.subi %sub3A_56, %sub3A_57 : i32
    %add3A_59 = arith.addi %sub3A_55, %sub3A_58 : i32
    %div3A_60 = arith.constant 1 : i32
    %div3A_61 = arith.divsi %add3A_59, %div3A_60 : i32
    %while3A = arith.constant 1 : i32
    %while3A_62 = arith.constant 0 : i32
    %while3A_63 = arith.constant 0 : i32
    %while3A_64 = arith.subi %div3A_61, %while3A_63 : i32
    %while3A_65 = arith.addi %while3A_63, %while3A_64 : i32
    %while3A_66 = arith.constant 1 : i32
    %while3A_67 = arith.divsi %while3A_64, %while3A_66 : i32
    %while3A_68 = arith.muli %while3A_67, %while3A_66 : i32
    %while3A_69 = arith.addi %while3A_63, %while3A_68 : i32
    %while3A_70 = arith.constant 1 : i32
    scf.for %while3A_76 = %while3A_63 to %while3A_69 step %while3A_70  : i32 {
      %mul3A_77 = arith.muli %while3A_76, %while3A : i32
      %add3A_78 = arith.addi %while3A_62, %mul3A_77 : i32
      %mul3A_79 = arith.constant 2 : i32
      %mul3A_80 = arith.muli %add3A_78, %mul3A_79 : i32
      %dma_wait3A = arith.constant 0 : i32
      %dma_wait3A_81 = tpu.memref_slice %arg3[%multiple_of3A, %dma_wait3A] : memref<5120x64xi32, #tpu.memory_space<hbm>> -> memref<8x64xi32, #tpu.memory_space<hbm>>
      %dma_wait3A_82 = arith.constant 0 : i32
      %dma_wait3A_83 = tpu.memref_slice %arg3[%multiple_of3A, %dma_wait3A_82] : memref<5120x64xi32, #tpu.memory_space<hbm>> -> memref<8x64xi32, #tpu.memory_space<hbm>>
      tpu.wait_dma2 semaphore(%arg19 : memref<!tpu.dma_semaphore, #tpu.memory_space<semaphore_mem>>) src(%dma_wait3A_83 : memref<8x64xi32, #tpu.memory_space<hbm>>) dst(%arg6 : memref<8x64xi32, #tpu.memory_space<vmem>>)
      %dma_wait3A_84 = arith.constant 0 : i32
      %dma_wait3A_85 = tpu.memref_slice %arg4[%multiple_of3A, %dma_wait3A_84] : memref<5120x64xi32, #tpu.memory_space<hbm>> -> memref<8x64xi32, #tpu.memory_space<hbm>>
      %dma_wait3A_86 = arith.constant 0 : i32
      %dma_wait3A_87 = tpu.memref_slice %arg4[%multiple_of3A, %dma_wait3A_86] : memref<5120x64xi32, #tpu.memory_space<hbm>> -> memref<8x64xi32, #tpu.memory_space<hbm>>
      tpu.wait_dma2 semaphore(%arg19 : memref<!tpu.dma_semaphore, #tpu.memory_space<semaphore_mem>>) src(%dma_wait3A_87 : memref<8x64xi32, #tpu.memory_space<hbm>>) dst(%arg7 : memref<8x64xi32, #tpu.memory_space<vmem>>)
      %dma_start3A_88 = arith.constant 0 : i32
      %dma_start3A_89 = arith.constant 0 : i32
      %dma_start3A_90 = tpu.memref_slice %arg6[%dma_start3A_88, %dma_start3A_89] : memref<8x64xi32, #tpu.memory_space<vmem>> -> memref<1x64xi32, #tpu.memory_space<vmem>>
      %dma_start3A_91 = tpu.memref_squeeze %dma_start3A_90 : memref<1x64xi32, #tpu.memory_space<vmem>> -> memref<64xi32, #tpu.memory_space<vmem>>
      %dma_start3A_92 = arith.constant 0 : i32
      %dma_start3A_93 = arith.constant 0 : i32
      %dma_start3A_94 = tpu.memref_slice %arg2[%dma_start3A_92, %dma_start3A_93] : memref<10000x128xf32, #tpu.memory_space<hbm>> -> memref<10000x128xf32, #tpu.memory_space<hbm>>
      tpu.enqueue_indirect_dma source(%dma_start3A_94 : memref<10000x128xf32, #tpu.memory_space<hbm>>) target(%arg10 : memref<64x128xf32, #tpu.memory_space<vmem>>) offsets(%dma_start3A_91 : memref<64xi32, #tpu.memory_space<vmem>>) semaphore(%arg15 : memref<!tpu.dma_semaphore, #tpu.memory_space<semaphore_mem>>)
      %dma_start3A_95 = arith.constant 1 : i32
      %dma_start3A_96 = arith.constant 0 : i32
      %dma_start3A_97 = tpu.memref_slice %arg6[%dma_start3A_95, %dma_start3A_96] : memref<8x64xi32, #tpu.memory_space<vmem>> -> memref<1x64xi32, #tpu.memory_space<vmem>>
      %dma_start3A_98 = tpu.memref_squeeze %dma_start3A_97 : memref<1x64xi32, #tpu.memory_space<vmem>> -> memref<64xi32, #tpu.memory_space<vmem>>
      %dma_start3A_99 = arith.constant 0 : i32
      %dma_start3A_100 = arith.constant 0 : i32
      %dma_start3A_101 = tpu.memref_slice %arg2[%dma_start3A_99, %dma_start3A_100] : memref<10000x128xf32, #tpu.memory_space<hbm>> -> memref<10000x128xf32, #tpu.memory_space<hbm>>
      tpu.enqueue_indirect_dma source(%dma_start3A_101 : memref<10000x128xf32, #tpu.memory_space<hbm>>) target(%arg11 : memref<64x128xf32, #tpu.memory_space<vmem>>) offsets(%dma_start3A_98 : memref<64xi32, #tpu.memory_space<vmem>>) semaphore(%arg16 : memref<!tpu.dma_semaphore, #tpu.memory_space<semaphore_mem>>)
      %dma_start3A_102 = arith.constant 2 : i32
      %dma_start3A_103 = arith.constant 0 : i32
      %dma_start3A_104 = tpu.memref_slice %arg6[%dma_start3A_102, %dma_start3A_103] : memref<8x64xi32, #tpu.memory_space<vmem>> -> memref<1x64xi32, #tpu.memory_space<vmem>>
      %dma_start3A_105 = tpu.memref_squeeze %dma_start3A_104 : memref<1x64xi32, #tpu.memory_space<vmem>> -> memref<64xi32, #tpu.memory_space<vmem>>
      %dma_start3A_106 = arith.constant 0 : i32
      %dma_start3A_107 = arith.constant 0 : i32
      %dma_start3A_108 = tpu.memref_slice %arg2[%dma_start3A_106, %dma_start3A_107] : memref<10000x128xf32, #tpu.memory_space<hbm>> -> memref<10000x128xf32, #tpu.memory_space<hbm>>
      tpu.enqueue_indirect_dma source(%dma_start3A_108 : memref<10000x128xf32, #tpu.memory_space<hbm>>) target(%arg12 : memref<64x128xf32, #tpu.memory_space<vmem>>) offsets(%dma_start3A_105 : memref<64xi32, #tpu.memory_space<vmem>>) semaphore(%arg17 : memref<!tpu.dma_semaphore, #tpu.memory_space<semaphore_mem>>)
      %dma_start3A_109 = arith.constant 3 : i32
      %dma_start3A_110 = arith.constant 0 : i32
      %dma_start3A_111 = tpu.memref_slice %arg6[%dma_start3A_109, %dma_start3A_110] : memref<8x64xi32, #tpu.memory_space<vmem>> -> memref<1x64xi32, #tpu.memory_space<vmem>>
      %dma_start3A_112 = tpu.memref_squeeze %dma_start3A_111 : memref<1x64xi32, #tpu.memory_space<vmem>> -> memref<64xi32, #tpu.memory_space<vmem>>
      %dma_start3A_113 = arith.constant 0 : i32
      %dma_start3A_114 = arith.constant 0 : i32
      %dma_start3A_115 = tpu.memref_slice %arg2[%dma_start3A_113, %dma_start3A_114] : memref<10000x128xf32, #tpu.memory_space<hbm>> -> memref<10000x128xf32, #tpu.memory_space<hbm>>
      tpu.enqueue_indirect_dma source(%dma_start3A_115 : memref<10000x128xf32, #tpu.memory_space<hbm>>) target(%arg13 : memref<64x128xf32, #tpu.memory_space<vmem>>) offsets(%dma_start3A_112 : memref<64xi32, #tpu.memory_space<vmem>>) semaphore(%arg18 : memref<!tpu.dma_semaphore, #tpu.memory_space<semaphore_mem>>)
      %dma_wait3A_116 = arith.constant 0 : i32
      %dma_wait3A_117 = arith.constant 0 : i32
      %dma_wait3A_118 = tpu.memref_slice %arg6[%dma_wait3A_116, %dma_wait3A_117] : memref<8x64xi32, #tpu.memory_space<vmem>> -> memref<1x64xi32, #tpu.memory_space<vmem>>
      %dma_wait3A_119 = tpu.memref_squeeze %dma_wait3A_118 : memref<1x64xi32, #tpu.memory_space<vmem>> -> memref<64xi32, #tpu.memory_space<vmem>>
      %dma_wait3A_120 = arith.constant 0 : i32
      %dma_wait3A_121 = arith.constant 0 : i32
      %dma_wait3A_122 = tpu.memref_slice %arg2[%dma_wait3A_120, %dma_wait3A_121] : memref<10000x128xf32, #tpu.memory_space<hbm>> -> memref<10000x128xf32, #tpu.memory_space<hbm>>
      tpu.wait_indirect_dma semaphore(%arg15 : memref<!tpu.dma_semaphore, #tpu.memory_space<semaphore_mem>>) src(%dma_wait3A_122 : memref<10000x128xf32, #tpu.memory_space<hbm>>) dst(%arg10 : memref<64x128xf32, #tpu.memory_space<vmem>>)
      %run_scoped3A = arith.constant 0 : i32
      "tpu.region"() ({
        %run_scoped3A_344 = tpu.sem_alloc : memref<!tpu.dma_semaphore, #tpu.memory_space<semaphore_mem>>
        %dma_start3A_345 = arith.constant 0 : i32
        %dma_start3A_346 = tpu.memref_slice %arg7[%run_scoped3A, %dma_start3A_345] : memref<8x64xi32, #tpu.memory_space<vmem>> -> memref<1x64xi32, #tpu.memory_space<vmem>>
        %dma_start3A_347 = tpu.memref_squeeze %dma_start3A_346 : memref<1x64xi32, #tpu.memory_space<vmem>> -> memref<64xi32, #tpu.memory_space<vmem>>
        %dma_start3A_348 = arith.constant 0 : i32
        %dma_start3A_349 = arith.constant 0 : i32
        %dma_start3A_350 = tpu.memref_slice %arg14[%dma_start3A_348, %dma_start3A_349] : memref<10240x128xf32, #tpu.memory_space<vmem_shared>> -> memref<10240x128xf32, #tpu.memory_space<vmem_shared>>
        tpu.enqueue_indirect_dma source(%arg10 : memref<64x128xf32, #tpu.memory_space<vmem>>) target(%dma_start3A_350 : memref<10240x128xf32, #tpu.memory_space<vmem_shared>>) offsets(%dma_start3A_347 : memref<64xi32, #tpu.memory_space<vmem>>) semaphore(%run_scoped3A_344 : memref<!tpu.dma_semaphore, #tpu.memory_space<semaphore_mem>>) {add = true}
        %dma_wait3A_351 = arith.constant 0 : i32
        %dma_wait3A_352 = tpu.memref_slice %arg7[%run_scoped3A, %dma_wait3A_351] : memref<8x64xi32, #tpu.memory_space<vmem>> -> memref<1x64xi32, #tpu.memory_space<vmem>>
        %dma_wait3A_353 = tpu.memref_squeeze %dma_wait3A_352 : memref<1x64xi32, #tpu.memory_space<vmem>> -> memref<64xi32, #tpu.memory_space<vmem>>
        %dma_wait3A_354 = arith.constant 0 : i32
        %dma_wait3A_355 = arith.constant 0 : i32
        %dma_wait3A_356 = tpu.memref_slice %arg14[%dma_wait3A_354, %dma_wait3A_355] : memref<10240x128xf32, #tpu.memory_space<vmem_shared>> -> memref<10240x128xf32, #tpu.memory_space<vmem_shared>>
        tpu.wait_indirect_dma semaphore(%run_scoped3A_344 : memref<!tpu.dma_semaphore, #tpu.memory_space<semaphore_mem>>) src(%arg10 : memref<64x128xf32, #tpu.memory_space<vmem>>) dst(%dma_wait3A_356 : memref<10240x128xf32, #tpu.memory_space<vmem_shared>>)
        tpu.yield
      }) : () -> ()
      %dma_start3A_123 = arith.constant 4 : i32
      %dma_start3A_124 = arith.constant 0 : i32
      %dma_start3A_125 = tpu.memref_slice %arg6[%dma_start3A_123, %dma_start3A_124] : memref<8x64xi32, #tpu.memory_space<vmem>> -> memref<1x64xi32, #tpu.memory_space<vmem>>
      %dma_start3A_126 = tpu.memref_squeeze %dma_start3A_125 : memref<1x64xi32, #tpu.memory_space<vmem>> -> memref<64xi32, #tpu.memory_space<vmem>>
      %dma_start3A_127 = arith.constant 0 : i32
      %dma_start3A_128 = arith.constant 0 : i32
      %dma_start3A_129 = tpu.memref_slice %arg2[%dma_start3A_127, %dma_start3A_128] : memref<10000x128xf32, #tpu.memory_space<hbm>> -> memref<10000x128xf32, #tpu.memory_space<hbm>>
      tpu.enqueue_indirect_dma source(%dma_start3A_129 : memref<10000x128xf32, #tpu.memory_space<hbm>>) target(%arg10 : memref<64x128xf32, #tpu.memory_space<vmem>>) offsets(%dma_start3A_126 : memref<64xi32, #tpu.memory_space<vmem>>) semaphore(%arg15 : memref<!tpu.dma_semaphore, #tpu.memory_space<semaphore_mem>>)
      %dma_wait3A_130 = arith.constant 1 : i32
      %dma_wait3A_131 = arith.constant 0 : i32
      %dma_wait3A_132 = tpu.memref_slice %arg6[%dma_wait3A_130, %dma_wait3A_131] : memref<8x64xi32, #tpu.memory_space<vmem>> -> memref<1x64xi32, #tpu.memory_space<vmem>>
      %dma_wait3A_133 = tpu.memref_squeeze %dma_wait3A_132 : memref<1x64xi32, #tpu.memory_space<vmem>> -> memref<64xi32, #tpu.memory_space<vmem>>
      %dma_wait3A_134 = arith.constant 0 : i32
      %dma_wait3A_135 = arith.constant 0 : i32
      %dma_wait3A_136 = tpu.memref_slice %arg2[%dma_wait3A_134, %dma_wait3A_135] : memref<10000x128xf32, #tpu.memory_space<hbm>> -> memref<10000x128xf32, #tpu.memory_space<hbm>>
      tpu.wait_indirect_dma semaphore(%arg16 : memref<!tpu.dma_semaphore, #tpu.memory_space<semaphore_mem>>) src(%dma_wait3A_136 : memref<10000x128xf32, #tpu.memory_space<hbm>>) dst(%arg11 : memref<64x128xf32, #tpu.memory_space<vmem>>)
      %run_scoped3A_137 = arith.constant 1 : i32
      "tpu.region"() ({
        %run_scoped3A_344 = tpu.sem_alloc : memref<!tpu.dma_semaphore, #tpu.memory_space<semaphore_mem>>
        %dma_start3A_345 = arith.constant 0 : i32
        %dma_start3A_346 = tpu.memref_slice %arg7[%run_scoped3A_137, %dma_start3A_345] : memref<8x64xi32, #tpu.memory_space<vmem>> -> memref<1x64xi32, #tpu.memory_space<vmem>>
        %dma_start3A_347 = tpu.memref_squeeze %dma_start3A_346 : memref<1x64xi32, #tpu.memory_space<vmem>> -> memref<64xi32, #tpu.memory_space<vmem>>
        %dma_start3A_348 = arith.constant 0 : i32
        %dma_start3A_349 = arith.constant 0 : i32
        %dma_start3A_350 = tpu.memref_slice %arg14[%dma_start3A_348, %dma_start3A_349] : memref<10240x128xf32, #tpu.memory_space<vmem_shared>> -> memref<10240x128xf32, #tpu.memory_space<vmem_shared>>
        tpu.enqueue_indirect_dma source(%arg11 : memref<64x128xf32, #tpu.memory_space<vmem>>) target(%dma_start3A_350 : memref<10240x128xf32, #tpu.memory_space<vmem_shared>>) offsets(%dma_start3A_347 : memref<64xi32, #tpu.memory_space<vmem>>) semaphore(%run_scoped3A_344 : memref<!tpu.dma_semaphore, #tpu.memory_space<semaphore_mem>>) {add = true}
        %dma_wait3A_351 = arith.constant 0 : i32
        %dma_wait3A_352 = tpu.memref_slice %arg7[%run_scoped3A_137, %dma_wait3A_351] : memref<8x64xi32, #tpu.memory_space<vmem>> -> memref<1x64xi32, #tpu.memory_space<vmem>>
        %dma_wait3A_353 = tpu.memref_squeeze %dma_wait3A_352 : memref<1x64xi32, #tpu.memory_space<vmem>> -> memref<64xi32, #tpu.memory_space<vmem>>
        %dma_wait3A_354 = arith.constant 0 : i32
        %dma_wait3A_355 = arith.constant 0 : i32
        %dma_wait3A_356 = tpu.memref_slice %arg14[%dma_wait3A_354, %dma_wait3A_355] : memref<10240x128xf32, #tpu.memory_space<vmem_shared>> -> memref<10240x128xf32, #tpu.memory_space<vmem_shared>>
        tpu.wait_indirect_dma semaphore(%run_scoped3A_344 : memref<!tpu.dma_semaphore, #tpu.memory_space<semaphore_mem>>) src(%arg11 : memref<64x128xf32, #tpu.memory_space<vmem>>) dst(%dma_wait3A_356 : memref<10240x128xf32, #tpu.memory_space<vmem_shared>>)
        tpu.yield
      }) : () -> ()
      %dma_start3A_138 = arith.constant 5 : i32
      %dma_start3A_139 = arith.constant 0 : i32
      %dma_start3A_140 = tpu.memref_slice %arg6[%dma_start3A_138, %dma_start3A_139] : memref<8x64xi32, #tpu.memory_space<vmem>> -> memref<1x64xi32, #tpu.memory_space<vmem>>
      %dma_start3A_141 = tpu.memref_squeeze %dma_start3A_140 : memref<1x64xi32, #tpu.memory_space<vmem>> -> memref<64xi32, #tpu.memory_space<vmem>>
      %dma_start3A_142 = arith.constant 0 : i32
      %dma_start3A_143 = arith.constant 0 : i32
      %dma_start3A_144 = tpu.memref_slice %arg2[%dma_start3A_142, %dma_start3A_143] : memref<10000x128xf32, #tpu.memory_space<hbm>> -> memref<10000x128xf32, #tpu.memory_space<hbm>>
      tpu.enqueue_indirect_dma source(%dma_start3A_144 : memref<10000x128xf32, #tpu.memory_space<hbm>>) target(%arg11 : memref<64x128xf32, #tpu.memory_space<vmem>>) offsets(%dma_start3A_141 : memref<64xi32, #tpu.memory_space<vmem>>) semaphore(%arg16 : memref<!tpu.dma_semaphore, #tpu.memory_space<semaphore_mem>>)
      %dma_wait3A_145 = arith.constant 2 : i32
      %dma_wait3A_146 = arith.constant 0 : i32
      %dma_wait3A_147 = tpu.memref_slice %arg6[%dma_wait3A_145, %dma_wait3A_146] : memref<8x64xi32, #tpu.memory_space<vmem>> -> memref<1x64xi32, #tpu.memory_space<vmem>>
      %dma_wait3A_148 = tpu.memref_squeeze %dma_wait3A_147 : memref<1x64xi32, #tpu.memory_space<vmem>> -> memref<64xi32, #tpu.memory_space<vmem>>
      %dma_wait3A_149 = arith.constant 0 : i32
      %dma_wait3A_150 = arith.constant 0 : i32
      %dma_wait3A_151 = tpu.memref_slice %arg2[%dma_wait3A_149, %dma_wait3A_150] : memref<10000x128xf32, #tpu.memory_space<hbm>> -> memref<10000x128xf32, #tpu.memory_space<hbm>>
      tpu.wait_indirect_dma semaphore(%arg17 : memref<!tpu.dma_semaphore, #tpu.memory_space<semaphore_mem>>) src(%dma_wait3A_151 : memref<10000x128xf32, #tpu.memory_space<hbm>>) dst(%arg12 : memref<64x128xf32, #tpu.memory_space<vmem>>)
      %run_scoped3A_152 = arith.constant 2 : i32
      "tpu.region"() ({
        %run_scoped3A_344 = tpu.sem_alloc : memref<!tpu.dma_semaphore, #tpu.memory_space<semaphore_mem>>
        %dma_start3A_345 = arith.constant 0 : i32
        %dma_start3A_346 = tpu.memref_slice %arg7[%run_scoped3A_152, %dma_start3A_345] : memref<8x64xi32, #tpu.memory_space<vmem>> -> memref<1x64xi32, #tpu.memory_space<vmem>>
        %dma_start3A_347 = tpu.memref_squeeze %dma_start3A_346 : memref<1x64xi32, #tpu.memory_space<vmem>> -> memref<64xi32, #tpu.memory_space<vmem>>
        %dma_start3A_348 = arith.constant 0 : i32
        %dma_start3A_349 = arith.constant 0 : i32
        %dma_start3A_350 = tpu.memref_slice %arg14[%dma_start3A_348, %dma_start3A_349] : memref<10240x128xf32, #tpu.memory_space<vmem_shared>> -> memref<10240x128xf32, #tpu.memory_space<vmem_shared>>
        tpu.enqueue_indirect_dma source(%arg12 : memref<64x128xf32, #tpu.memory_space<vmem>>) target(%dma_start3A_350 : memref<10240x128xf32, #tpu.memory_space<vmem_shared>>) offsets(%dma_start3A_347 : memref<64xi32, #tpu.memory_space<vmem>>) semaphore(%run_scoped3A_344 : memref<!tpu.dma_semaphore, #tpu.memory_space<semaphore_mem>>) {add = true}
        %dma_wait3A_351 = arith.constant 0 : i32
        %dma_wait3A_352 = tpu.memref_slice %arg7[%run_scoped3A_152, %dma_wait3A_351] : memref<8x64xi32, #tpu.memory_space<vmem>> -> memref<1x64xi32, #tpu.memory_space<vmem>>
        %dma_wait3A_353 = tpu.memref_squeeze %dma_wait3A_352 : memref<1x64xi32, #tpu.memory_space<vmem>> -> memref<64xi32, #tpu.memory_space<vmem>>
        %dma_wait3A_354 = arith.constant 0 : i32
        %dma_wait3A_355 = arith.constant 0 : i32
        %dma_wait3A_356 = tpu.memref_slice %arg14[%dma_wait3A_354, %dma_wait3A_355] : memref<10240x128xf32, #tpu.memory_space<vmem_shared>> -> memref<10240x128xf32, #tpu.memory_space<vmem_shared>>
        tpu.wait_indirect_dma semaphore(%run_scoped3A_344 : memref<!tpu.dma_semaphore, #tpu.memory_space<semaphore_mem>>) src(%arg12 : memref<64x128xf32, #tpu.memory_space<vmem>>) dst(%dma_wait3A_356 : memref<10240x128xf32, #tpu.memory_space<vmem_shared>>)
        tpu.yield
      }) : () -> ()
      %dma_start3A_153 = arith.constant 6 : i32
      %dma_start3A_154 = arith.constant 0 : i32
      %dma_start3A_155 = tpu.memref_slice %arg6[%dma_start3A_153, %dma_start3A_154] : memref<8x64xi32, #tpu.memory_space<vmem>> -> memref<1x64xi32, #tpu.memory_space<vmem>>
      %dma_start3A_156 = tpu.memref_squeeze %dma_start3A_155 : memref<1x64xi32, #tpu.memory_space<vmem>> -> memref<64xi32, #tpu.memory_space<vmem>>
      %dma_start3A_157 = arith.constant 0 : i32
      %dma_start3A_158 = arith.constant 0 : i32
      %dma_start3A_159 = tpu.memref_slice %arg2[%dma_start3A_157, %dma_start3A_158] : memref<10000x128xf32, #tpu.memory_space<hbm>> -> memref<10000x128xf32, #tpu.memory_space<hbm>>
      tpu.enqueue_indirect_dma source(%dma_start3A_159 : memref<10000x128xf32, #tpu.memory_space<hbm>>) target(%arg12 : memref<64x128xf32, #tpu.memory_space<vmem>>) offsets(%dma_start3A_156 : memref<64xi32, #tpu.memory_space<vmem>>) semaphore(%arg17 : memref<!tpu.dma_semaphore, #tpu.memory_space<semaphore_mem>>)
      %dma_wait3A_160 = arith.constant 3 : i32
      %dma_wait3A_161 = arith.constant 0 : i32
      %dma_wait3A_162 = tpu.memref_slice %arg6[%dma_wait3A_160, %dma_wait3A_161] : memref<8x64xi32, #tpu.memory_space<vmem>> -> memref<1x64xi32, #tpu.memory_space<vmem>>
      %dma_wait3A_163 = tpu.memref_squeeze %dma_wait3A_162 : memref<1x64xi32, #tpu.memory_space<vmem>> -> memref<64xi32, #tpu.memory_space<vmem>>
      %dma_wait3A_164 = arith.constant 0 : i32
      %dma_wait3A_165 = arith.constant 0 : i32
      %dma_wait3A_166 = tpu.memref_slice %arg2[%dma_wait3A_164, %dma_wait3A_165] : memref<10000x128xf32, #tpu.memory_space<hbm>> -> memref<10000x128xf32, #tpu.memory_space<hbm>>
      tpu.wait_indirect_dma semaphore(%arg18 : memref<!tpu.dma_semaphore, #tpu.memory_space<semaphore_mem>>) src(%dma_wait3A_166 : memref<10000x128xf32, #tpu.memory_space<hbm>>) dst(%arg13 : memref<64x128xf32, #tpu.memory_space<vmem>>)
      %run_scoped3A_167 = arith.constant 3 : i32
      "tpu.region"() ({
        %run_scoped3A_344 = tpu.sem_alloc : memref<!tpu.dma_semaphore, #tpu.memory_space<semaphore_mem>>
        %dma_start3A_345 = arith.constant 0 : i32
        %dma_start3A_346 = tpu.memref_slice %arg7[%run_scoped3A_167, %dma_start3A_345] : memref<8x64xi32, #tpu.memory_space<vmem>> -> memref<1x64xi32, #tpu.memory_space<vmem>>
        %dma_start3A_347 = tpu.memref_squeeze %dma_start3A_346 : memref<1x64xi32, #tpu.memory_space<vmem>> -> memref<64xi32, #tpu.memory_space<vmem>>
        %dma_start3A_348 = arith.constant 0 : i32
        %dma_start3A_349 = arith.constant 0 : i32
        %dma_start3A_350 = tpu.memref_slice %arg14[%dma_start3A_348, %dma_start3A_349] : memref<10240x128xf32, #tpu.memory_space<vmem_shared>> -> memref<10240x128xf32, #tpu.memory_space<vmem_shared>>
        tpu.enqueue_indirect_dma source(%arg13 : memref<64x128xf32, #tpu.memory_space<vmem>>) target(%dma_start3A_350 : memref<10240x128xf32, #tpu.memory_space<vmem_shared>>) offsets(%dma_start3A_347 : memref<64xi32, #tpu.memory_space<vmem>>) semaphore(%run_scoped3A_344 : memref<!tpu.dma_semaphore, #tpu.memory_space<semaphore_mem>>) {add = true}
        %dma_wait3A_351 = arith.constant 0 : i32
        %dma_wait3A_352 = tpu.memref_slice %arg7[%run_scoped3A_167, %dma_wait3A_351] : memref<8x64xi32, #tpu.memory_space<vmem>> -> memref<1x64xi32, #tpu.memory_space<vmem>>
        %dma_wait3A_353 = tpu.memref_squeeze %dma_wait3A_352 : memref<1x64xi32, #tpu.memory_space<vmem>> -> memref<64xi32, #tpu.memory_space<vmem>>
        %dma_wait3A_354 = arith.constant 0 : i32
        %dma_wait3A_355 = arith.constant 0 : i32
        %dma_wait3A_356 = tpu.memref_slice %arg14[%dma_wait3A_354, %dma_wait3A_355] : memref<10240x128xf32, #tpu.memory_space<vmem_shared>> -> memref<10240x128xf32, #tpu.memory_space<vmem_shared>>
        tpu.wait_indirect_dma semaphore(%run_scoped3A_344 : memref<!tpu.dma_semaphore, #tpu.memory_space<semaphore_mem>>) src(%arg13 : memref<64x128xf32, #tpu.memory_space<vmem>>) dst(%dma_wait3A_356 : memref<10240x128xf32, #tpu.memory_space<vmem_shared>>)
        tpu.yield
      }) : () -> ()
      %dma_start3A_168 = arith.constant 7 : i32
      %dma_start3A_169 = arith.constant 0 : i32
      %dma_start3A_170 = tpu.memref_slice %arg6[%dma_start3A_168, %dma_start3A_169] : memref<8x64xi32, #tpu.memory_space<vmem>> -> memref<1x64xi32, #tpu.memory_space<vmem>>
      %dma_start3A_171 = tpu.memref_squeeze %dma_start3A_170 : memref<1x64xi32, #tpu.memory_space<vmem>> -> memref<64xi32, #tpu.memory_space<vmem>>
      %dma_start3A_172 = arith.constant 0 : i32
      %dma_start3A_173 = arith.constant 0 : i32
      %dma_start3A_174 = tpu.memref_slice %arg2[%dma_start3A_172, %dma_start3A_173] : memref<10000x128xf32, #tpu.memory_space<hbm>> -> memref<10000x128xf32, #tpu.memory_space<hbm>>
      tpu.enqueue_indirect_dma source(%dma_start3A_174 : memref<10000x128xf32, #tpu.memory_space<hbm>>) target(%arg13 : memref<64x128xf32, #tpu.memory_space<vmem>>) offsets(%dma_start3A_171 : memref<64xi32, #tpu.memory_space<vmem>>) semaphore(%arg18 : memref<!tpu.dma_semaphore, #tpu.memory_space<semaphore_mem>>)
      %dma_wait3A_175 = arith.constant 4 : i32
      %dma_wait3A_176 = arith.constant 0 : i32
      %dma_wait3A_177 = tpu.memref_slice %arg6[%dma_wait3A_175, %dma_wait3A_176] : memref<8x64xi32, #tpu.memory_space<vmem>> -> memref<1x64xi32, #tpu.memory_space<vmem>>
      %dma_wait3A_178 = tpu.memref_squeeze %dma_wait3A_177 : memref<1x64xi32, #tpu.memory_space<vmem>> -> memref<64xi32, #tpu.memory_space<vmem>>
      %dma_wait3A_179 = arith.constant 0 : i32
      %dma_wait3A_180 = arith.constant 0 : i32
      %dma_wait3A_181 = tpu.memref_slice %arg2[%dma_wait3A_179, %dma_wait3A_180] : memref<10000x128xf32, #tpu.memory_space<hbm>> -> memref<10000x128xf32, #tpu.memory_space<hbm>>
      tpu.wait_indirect_dma semaphore(%arg15 : memref<!tpu.dma_semaphore, #tpu.memory_space<semaphore_mem>>) src(%dma_wait3A_181 : memref<10000x128xf32, #tpu.memory_space<hbm>>) dst(%arg10 : memref<64x128xf32, #tpu.memory_space<vmem>>)
      %run_scoped3A_182 = arith.constant 4 : i32
      "tpu.region"() ({
        %run_scoped3A_344 = tpu.sem_alloc : memref<!tpu.dma_semaphore, #tpu.memory_space<semaphore_mem>>
        %dma_start3A_345 = arith.constant 0 : i32
        %dma_start3A_346 = tpu.memref_slice %arg7[%run_scoped3A_182, %dma_start3A_345] : memref<8x64xi32, #tpu.memory_space<vmem>> -> memref<1x64xi32, #tpu.memory_space<vmem>>
        %dma_start3A_347 = tpu.memref_squeeze %dma_start3A_346 : memref<1x64xi32, #tpu.memory_space<vmem>> -> memref<64xi32, #tpu.memory_space<vmem>>
        %dma_start3A_348 = arith.constant 0 : i32
        %dma_start3A_349 = arith.constant 0 : i32
        %dma_start3A_350 = tpu.memref_slice %arg14[%dma_start3A_348, %dma_start3A_349] : memref<10240x128xf32, #tpu.memory_space<vmem_shared>> -> memref<10240x128xf32, #tpu.memory_space<vmem_shared>>
        tpu.enqueue_indirect_dma source(%arg10 : memref<64x128xf32, #tpu.memory_space<vmem>>) target(%dma_start3A_350 : memref<10240x128xf32, #tpu.memory_space<vmem_shared>>) offsets(%dma_start3A_347 : memref<64xi32, #tpu.memory_space<vmem>>) semaphore(%run_scoped3A_344 : memref<!tpu.dma_semaphore, #tpu.memory_space<semaphore_mem>>) {add = true}
        %dma_wait3A_351 = arith.constant 0 : i32
        %dma_wait3A_352 = tpu.memref_slice %arg7[%run_scoped3A_182, %dma_wait3A_351] : memref<8x64xi32, #tpu.memory_space<vmem>> -> memref<1x64xi32, #tpu.memory_space<vmem>>
        %dma_wait3A_353 = tpu.memref_squeeze %dma_wait3A_352 : memref<1x64xi32, #tpu.memory_space<vmem>> -> memref<64xi32, #tpu.memory_space<vmem>>
        %dma_wait3A_354 = arith.constant 0 : i32
        %dma_wait3A_355 = arith.constant 0 : i32
        %dma_wait3A_356 = tpu.memref_slice %arg14[%dma_wait3A_354, %dma_wait3A_355] : memref<10240x128xf32, #tpu.memory_space<vmem_shared>> -> memref<10240x128xf32, #tpu.memory_space<vmem_shared>>
        tpu.wait_indirect_dma semaphore(%run_scoped3A_344 : memref<!tpu.dma_semaphore, #tpu.memory_space<semaphore_mem>>) src(%arg10 : memref<64x128xf32, #tpu.memory_space<vmem>>) dst(%dma_wait3A_356 : memref<10240x128xf32, #tpu.memory_space<vmem_shared>>)
        tpu.yield
      }) : () -> ()
      %dma_wait3A_183 = arith.constant 5 : i32
      %dma_wait3A_184 = arith.constant 0 : i32
      %dma_wait3A_185 = tpu.memref_slice %arg6[%dma_wait3A_183, %dma_wait3A_184] : memref<8x64xi32, #tpu.memory_space<vmem>> -> memref<1x64xi32, #tpu.memory_space<vmem>>
      %dma_wait3A_186 = tpu.memref_squeeze %dma_wait3A_185 : memref<1x64xi32, #tpu.memory_space<vmem>> -> memref<64xi32, #tpu.memory_space<vmem>>
      %dma_wait3A_187 = arith.constant 0 : i32
      %dma_wait3A_188 = arith.constant 0 : i32
      %dma_wait3A_189 = tpu.memref_slice %arg2[%dma_wait3A_187, %dma_wait3A_188] : memref<10000x128xf32, #tpu.memory_space<hbm>> -> memref<10000x128xf32, #tpu.memory_space<hbm>>
      tpu.wait_indirect_dma semaphore(%arg16 : memref<!tpu.dma_semaphore, #tpu.memory_space<semaphore_mem>>) src(%dma_wait3A_189 : memref<10000x128xf32, #tpu.memory_space<hbm>>) dst(%arg11 : memref<64x128xf32, #tpu.memory_space<vmem>>)
      %run_scoped3A_190 = arith.constant 5 : i32
      "tpu.region"() ({
        %run_scoped3A_344 = tpu.sem_alloc : memref<!tpu.dma_semaphore, #tpu.memory_space<semaphore_mem>>
        %dma_start3A_345 = arith.constant 0 : i32
        %dma_start3A_346 = tpu.memref_slice %arg7[%run_scoped3A_190, %dma_start3A_345] : memref<8x64xi32, #tpu.memory_space<vmem>> -> memref<1x64xi32, #tpu.memory_space<vmem>>
        %dma_start3A_347 = tpu.memref_squeeze %dma_start3A_346 : memref<1x64xi32, #tpu.memory_space<vmem>> -> memref<64xi32, #tpu.memory_space<vmem>>
        %dma_start3A_348 = arith.constant 0 : i32
        %dma_start3A_349 = arith.constant 0 : i32
        %dma_start3A_350 = tpu.memref_slice %arg14[%dma_start3A_348, %dma_start3A_349] : memref<10240x128xf32, #tpu.memory_space<vmem_shared>> -> memref<10240x128xf32, #tpu.memory_space<vmem_shared>>
        tpu.enqueue_indirect_dma source(%arg11 : memref<64x128xf32, #tpu.memory_space<vmem>>) target(%dma_start3A_350 : memref<10240x128xf32, #tpu.memory_space<vmem_shared>>) offsets(%dma_start3A_347 : memref<64xi32, #tpu.memory_space<vmem>>) semaphore(%run_scoped3A_344 : memref<!tpu.dma_semaphore, #tpu.memory_space<semaphore_mem>>) {add = true}
        %dma_wait3A_351 = arith.constant 0 : i32
        %dma_wait3A_352 = tpu.memref_slice %arg7[%run_scoped3A_190, %dma_wait3A_351] : memref<8x64xi32, #tpu.memory_space<vmem>> -> memref<1x64xi32, #tpu.memory_space<vmem>>
        %dma_wait3A_353 = tpu.memref_squeeze %dma_wait3A_352 : memref<1x64xi32, #tpu.memory_space<vmem>> -> memref<64xi32, #tpu.memory_space<vmem>>
        %dma_wait3A_354 = arith.constant 0 : i32
        %dma_wait3A_355 = arith.constant 0 : i32
        %dma_wait3A_356 = tpu.memref_slice %arg14[%dma_wait3A_354, %dma_wait3A_355] : memref<10240x128xf32, #tpu.memory_space<vmem_shared>> -> memref<10240x128xf32, #tpu.memory_space<vmem_shared>>
        tpu.wait_indirect_dma semaphore(%run_scoped3A_344 : memref<!tpu.dma_semaphore, #tpu.memory_space<semaphore_mem>>) src(%arg11 : memref<64x128xf32, #tpu.memory_space<vmem>>) dst(%dma_wait3A_356 : memref<10240x128xf32, #tpu.memory_space<vmem_shared>>)
        tpu.yield
      }) : () -> ()
      %dma_wait3A_191 = arith.constant 6 : i32
      %dma_wait3A_192 = arith.constant 0 : i32
      %dma_wait3A_193 = tpu.memref_slice %arg6[%dma_wait3A_191, %dma_wait3A_192] : memref<8x64xi32, #tpu.memory_space<vmem>> -> memref<1x64xi32, #tpu.memory_space<vmem>>
      %dma_wait3A_194 = tpu.memref_squeeze %dma_wait3A_193 : memref<1x64xi32, #tpu.memory_space<vmem>> -> memref<64xi32, #tpu.memory_space<vmem>>
      %dma_wait3A_195 = arith.constant 0 : i32
      %dma_wait3A_196 = arith.constant 0 : i32
      %dma_wait3A_197 = tpu.memref_slice %arg2[%dma_wait3A_195, %dma_wait3A_196] : memref<10000x128xf32, #tpu.memory_space<hbm>> -> memref<10000x128xf32, #tpu.memory_space<hbm>>
      tpu.wait_indirect_dma semaphore(%arg17 : memref<!tpu.dma_semaphore, #tpu.memory_space<semaphore_mem>>) src(%dma_wait3A_197 : memref<10000x128xf32, #tpu.memory_space<hbm>>) dst(%arg12 : memref<64x128xf32, #tpu.memory_space<vmem>>)
      %run_scoped3A_198 = arith.constant 6 : i32
      "tpu.region"() ({
        %run_scoped3A_344 = tpu.sem_alloc : memref<!tpu.dma_semaphore, #tpu.memory_space<semaphore_mem>>
        %dma_start3A_345 = arith.constant 0 : i32
        %dma_start3A_346 = tpu.memref_slice %arg7[%run_scoped3A_198, %dma_start3A_345] : memref<8x64xi32, #tpu.memory_space<vmem>> -> memref<1x64xi32, #tpu.memory_space<vmem>>
        %dma_start3A_347 = tpu.memref_squeeze %dma_start3A_346 : memref<1x64xi32, #tpu.memory_space<vmem>> -> memref<64xi32, #tpu.memory_space<vmem>>
        %dma_start3A_348 = arith.constant 0 : i32
        %dma_start3A_349 = arith.constant 0 : i32
        %dma_start3A_350 = tpu.memref_slice %arg14[%dma_start3A_348, %dma_start3A_349] : memref<10240x128xf32, #tpu.memory_space<vmem_shared>> -> memref<10240x128xf32, #tpu.memory_space<vmem_shared>>
        tpu.enqueue_indirect_dma source(%arg12 : memref<64x128xf32, #tpu.memory_space<vmem>>) target(%dma_start3A_350 : memref<10240x128xf32, #tpu.memory_space<vmem_shared>>) offsets(%dma_start3A_347 : memref<64xi32, #tpu.memory_space<vmem>>) semaphore(%run_scoped3A_344 : memref<!tpu.dma_semaphore, #tpu.memory_space<semaphore_mem>>) {add = true}
        %dma_wait3A_351 = arith.constant 0 : i32
        %dma_wait3A_352 = tpu.memref_slice %arg7[%run_scoped3A_198, %dma_wait3A_351] : memref<8x64xi32, #tpu.memory_space<vmem>> -> memref<1x64xi32, #tpu.memory_space<vmem>>
        %dma_wait3A_353 = tpu.memref_squeeze %dma_wait3A_352 : memref<1x64xi32, #tpu.memory_space<vmem>> -> memref<64xi32, #tpu.memory_space<vmem>>
        %dma_wait3A_354 = arith.constant 0 : i32
        %dma_wait3A_355 = arith.constant 0 : i32
        %dma_wait3A_356 = tpu.memref_slice %arg14[%dma_wait3A_354, %dma_wait3A_355] : memref<10240x128xf32, #tpu.memory_space<vmem_shared>> -> memref<10240x128xf32, #tpu.memory_space<vmem_shared>>
        tpu.wait_indirect_dma semaphore(%run_scoped3A_344 : memref<!tpu.dma_semaphore, #tpu.memory_space<semaphore_mem>>) src(%arg12 : memref<64x128xf32, #tpu.memory_space<vmem>>) dst(%dma_wait3A_356 : memref<10240x128xf32, #tpu.memory_space<vmem_shared>>)
        tpu.yield
      }) : () -> ()
      %dma_wait3A_199 = arith.constant 7 : i32
      %dma_wait3A_200 = arith.constant 0 : i32
      %dma_wait3A_201 = tpu.memref_slice %arg6[%dma_wait3A_199, %dma_wait3A_200] : memref<8x64xi32, #tpu.memory_space<vmem>> -> memref<1x64xi32, #tpu.memory_space<vmem>>
      %dma_wait3A_202 = tpu.memref_squeeze %dma_wait3A_201 : memref<1x64xi32, #tpu.memory_space<vmem>> -> memref<64xi32, #tpu.memory_space<vmem>>
      %dma_wait3A_203 = arith.constant 0 : i32
      %dma_wait3A_204 = arith.constant 0 : i32
      %dma_wait3A_205 = tpu.memref_slice %arg2[%dma_wait3A_203, %dma_wait3A_204] : memref<10000x128xf32, #tpu.memory_space<hbm>> -> memref<10000x128xf32, #tpu.memory_space<hbm>>
      tpu.wait_indirect_dma semaphore(%arg18 : memref<!tpu.dma_semaphore, #tpu.memory_space<semaphore_mem>>) src(%dma_wait3A_205 : memref<10000x128xf32, #tpu.memory_space<hbm>>) dst(%arg13 : memref<64x128xf32, #tpu.memory_space<vmem>>)
      %run_scoped3A_206 = arith.constant 7 : i32
      "tpu.region"() ({
        %run_scoped3A_344 = tpu.sem_alloc : memref<!tpu.dma_semaphore, #tpu.memory_space<semaphore_mem>>
        %dma_start3A_345 = arith.constant 0 : i32
        %dma_start3A_346 = tpu.memref_slice %arg7[%run_scoped3A_206, %dma_start3A_345] : memref<8x64xi32, #tpu.memory_space<vmem>> -> memref<1x64xi32, #tpu.memory_space<vmem>>
        %dma_start3A_347 = tpu.memref_squeeze %dma_start3A_346 : memref<1x64xi32, #tpu.memory_space<vmem>> -> memref<64xi32, #tpu.memory_space<vmem>>
        %dma_start3A_348 = arith.constant 0 : i32
        %dma_start3A_349 = arith.constant 0 : i32
        %dma_start3A_350 = tpu.memref_slice %arg14[%dma_start3A_348, %dma_start3A_349] : memref<10240x128xf32, #tpu.memory_space<vmem_shared>> -> memref<10240x128xf32, #tpu.memory_space<vmem_shared>>
        tpu.enqueue_indirect_dma source(%arg13 : memref<64x128xf32, #tpu.memory_space<vmem>>) target(%dma_start3A_350 : memref<10240x128xf32, #tpu.memory_space<vmem_shared>>) offsets(%dma_start3A_347 : memref<64xi32, #tpu.memory_space<vmem>>) semaphore(%run_scoped3A_344 : memref<!tpu.dma_semaphore, #tpu.memory_space<semaphore_mem>>) {add = true}
        %dma_wait3A_351 = arith.constant 0 : i32
        %dma_wait3A_352 = tpu.memref_slice %arg7[%run_scoped3A_206, %dma_wait3A_351] : memref<8x64xi32, #tpu.memory_space<vmem>> -> memref<1x64xi32, #tpu.memory_space<vmem>>
        %dma_wait3A_353 = tpu.memref_squeeze %dma_wait3A_352 : memref<1x64xi32, #tpu.memory_space<vmem>> -> memref<64xi32, #tpu.memory_space<vmem>>
        %dma_wait3A_354 = arith.constant 0 : i32
        %dma_wait3A_355 = arith.constant 0 : i32
        %dma_wait3A_356 = tpu.memref_slice %arg14[%dma_wait3A_354, %dma_wait3A_355] : memref<10240x128xf32, #tpu.memory_space<vmem_shared>> -> memref<10240x128xf32, #tpu.memory_space<vmem_shared>>
        tpu.wait_indirect_dma semaphore(%run_scoped3A_344 : memref<!tpu.dma_semaphore, #tpu.memory_space<semaphore_mem>>) src(%arg13 : memref<64x128xf32, #tpu.memory_space<vmem>>) dst(%dma_wait3A_356 : memref<10240x128xf32, #tpu.memory_space<vmem_shared>>)
        tpu.yield
      }) : () -> ()
      %add3A_207 = arith.constant 2 : i32
      %add3A_208 = arith.addi %mul3A_80, %add3A_207 : i32
      %lt3A = arith.cmpi slt, %add3A_208, %select_n3A_8 : i32
      %convert_element_type3A = arith.extui %lt3A : i1 to i32
      %cond3A = arith.constant 0 : i32
      %cond3A_209 = arith.cmpi ne, %convert_element_type3A, %cond3A : i32
      scf.if %cond3A_209 {
        %add3A_344 = arith.constant 2 : i32
        %add3A_345 = arith.addi %mul3A_80, %add3A_344 : i32
        %mul3A_346 = arith.constant 8 : i32
        %mul3A_347 = arith.muli %add3A_345, %mul3A_346 : i32
        %add3A_348 = arith.addi %multiple_of3A, %mul3A_347 : i32
        %multiple_of3A_349 = tpu.assume_multiple %add3A_348, 8 : i32
        %dma_start3A_350 = arith.constant 0 : i32
        %dma_start3A_351 = tpu.memref_slice %arg3[%multiple_of3A_349, %dma_start3A_350] : memref<5120x64xi32, #tpu.memory_space<hbm>> -> memref<8x64xi32, #tpu.memory_space<hbm>>
        %dma_start3A_352 = arith.constant 0 : i32
        %dma_start3A_353 = tpu.memref_slice %arg3[%multiple_of3A_349, %dma_start3A_352] : memref<5120x64xi32, #tpu.memory_space<hbm>> -> memref<8x64xi32, #tpu.memory_space<hbm>>
        tpu.enqueue_dma source(%dma_start3A_353 : memref<8x64xi32, #tpu.memory_space<hbm>>) target(%arg6 : memref<8x64xi32, #tpu.memory_space<vmem>>) target_semaphore(%arg19 : memref<!tpu.dma_semaphore, #tpu.memory_space<semaphore_mem>>)
        %dma_start3A_354 = arith.constant 0 : i32
        %dma_start3A_355 = tpu.memref_slice %arg4[%multiple_of3A_349, %dma_start3A_354] : memref<5120x64xi32, #tpu.memory_space<hbm>> -> memref<8x64xi32, #tpu.memory_space<hbm>>
        %dma_start3A_356 = arith.constant 0 : i32
        %dma_start3A_357 = tpu.memref_slice %arg4[%multiple_of3A_349, %dma_start3A_356] : memref<5120x64xi32, #tpu.memory_space<hbm>> -> memref<8x64xi32, #tpu.memory_space<hbm>>
        tpu.enqueue_dma source(%dma_start3A_357 : memref<8x64xi32, #tpu.memory_space<hbm>>) target(%arg7 : memref<8x64xi32, #tpu.memory_space<vmem>>) target_semaphore(%arg19 : memref<!tpu.dma_semaphore, #tpu.memory_space<semaphore_mem>>)
      } else {
      }
      %dma_wait3A_210 = arith.constant 0 : i32
      %dma_wait3A_211 = tpu.memref_slice %arg3[%multiple_of3A, %dma_wait3A_210] : memref<5120x64xi32, #tpu.memory_space<hbm>> -> memref<8x64xi32, #tpu.memory_space<hbm>>
      %dma_wait3A_212 = arith.constant 0 : i32
      %dma_wait3A_213 = tpu.memref_slice %arg3[%multiple_of3A, %dma_wait3A_212] : memref<5120x64xi32, #tpu.memory_space<hbm>> -> memref<8x64xi32, #tpu.memory_space<hbm>>
      tpu.wait_dma2 semaphore(%arg20 : memref<!tpu.dma_semaphore, #tpu.memory_space<semaphore_mem>>) src(%dma_wait3A_213 : memref<8x64xi32, #tpu.memory_space<hbm>>) dst(%arg8 : memref<8x64xi32, #tpu.memory_space<vmem>>)
      %dma_wait3A_214 = arith.constant 0 : i32
      %dma_wait3A_215 = tpu.memref_slice %arg4[%multiple_of3A, %dma_wait3A_214] : memref<5120x64xi32, #tpu.memory_space<hbm>> -> memref<8x64xi32, #tpu.memory_space<hbm>>
      %dma_wait3A_216 = arith.constant 0 : i32
      %dma_wait3A_217 = tpu.memref_slice %arg4[%multiple_of3A, %dma_wait3A_216] : memref<5120x64xi32, #tpu.memory_space<hbm>> -> memref<8x64xi32, #tpu.memory_space<hbm>>
      tpu.wait_dma2 semaphore(%arg20 : memref<!tpu.dma_semaphore, #tpu.memory_space<semaphore_mem>>) src(%dma_wait3A_217 : memref<8x64xi32, #tpu.memory_space<hbm>>) dst(%arg9 : memref<8x64xi32, #tpu.memory_space<vmem>>)
      %dma_start3A_218 = arith.constant 0 : i32
      %dma_start3A_219 = arith.constant 0 : i32
      %dma_start3A_220 = tpu.memref_slice %arg8[%dma_start3A_218, %dma_start3A_219] : memref<8x64xi32, #tpu.memory_space<vmem>> -> memref<1x64xi32, #tpu.memory_space<vmem>>
      %dma_start3A_221 = tpu.memref_squeeze %dma_start3A_220 : memref<1x64xi32, #tpu.memory_space<vmem>> -> memref<64xi32, #tpu.memory_space<vmem>>
      %dma_start3A_222 = arith.constant 0 : i32
      %dma_start3A_223 = arith.constant 0 : i32
      %dma_start3A_224 = tpu.memref_slice %arg2[%dma_start3A_222, %dma_start3A_223] : memref<10000x128xf32, #tpu.memory_space<hbm>> -> memref<10000x128xf32, #tpu.memory_space<hbm>>
      tpu.enqueue_indirect_dma source(%dma_start3A_224 : memref<10000x128xf32, #tpu.memory_space<hbm>>) target(%arg10 : memref<64x128xf32, #tpu.memory_space<vmem>>) offsets(%dma_start3A_221 : memref<64xi32, #tpu.memory_space<vmem>>) semaphore(%arg15 : memref<!tpu.dma_semaphore, #tpu.memory_space<semaphore_mem>>)
      %dma_start3A_225 = arith.constant 1 : i32
      %dma_start3A_226 = arith.constant 0 : i32
      %dma_start3A_227 = tpu.memref_slice %arg8[%dma_start3A_225, %dma_start3A_226] : memref<8x64xi32, #tpu.memory_space<vmem>> -> memref<1x64xi32, #tpu.memory_space<vmem>>
      %dma_start3A_228 = tpu.memref_squeeze %dma_start3A_227 : memref<1x64xi32, #tpu.memory_space<vmem>> -> memref<64xi32, #tpu.memory_space<vmem>>
      %dma_start3A_229 = arith.constant 0 : i32
      %dma_start3A_230 = arith.constant 0 : i32
      %dma_start3A_231 = tpu.memref_slice %arg2[%dma_start3A_229, %dma_start3A_230] : memref<10000x128xf32, #tpu.memory_space<hbm>> -> memref<10000x128xf32, #tpu.memory_space<hbm>>
      tpu.enqueue_indirect_dma source(%dma_start3A_231 : memref<10000x128xf32, #tpu.memory_space<hbm>>) target(%arg11 : memref<64x128xf32, #tpu.memory_space<vmem>>) offsets(%dma_start3A_228 : memref<64xi32, #tpu.memory_space<vmem>>) semaphore(%arg16 : memref<!tpu.dma_semaphore, #tpu.memory_space<semaphore_mem>>)
      %dma_start3A_232 = arith.constant 2 : i32
      %dma_start3A_233 = arith.constant 0 : i32
      %dma_start3A_234 = tpu.memref_slice %arg8[%dma_start3A_232, %dma_start3A_233] : memref<8x64xi32, #tpu.memory_space<vmem>> -> memref<1x64xi32, #tpu.memory_space<vmem>>
      %dma_start3A_235 = tpu.memref_squeeze %dma_start3A_234 : memref<1x64xi32, #tpu.memory_space<vmem>> -> memref<64xi32, #tpu.memory_space<vmem>>
      %dma_start3A_236 = arith.constant 0 : i32
      %dma_start3A_237 = arith.constant 0 : i32
      %dma_start3A_238 = tpu.memref_slice %arg2[%dma_start3A_236, %dma_start3A_237] : memref<10000x128xf32, #tpu.memory_space<hbm>> -> memref<10000x128xf32, #tpu.memory_space<hbm>>
      tpu.enqueue_indirect_dma source(%dma_start3A_238 : memref<10000x128xf32, #tpu.memory_space<hbm>>) target(%arg12 : memref<64x128xf32, #tpu.memory_space<vmem>>) offsets(%dma_start3A_235 : memref<64xi32, #tpu.memory_space<vmem>>) semaphore(%arg17 : memref<!tpu.dma_semaphore, #tpu.memory_space<semaphore_mem>>)
      %dma_start3A_239 = arith.constant 3 : i32
      %dma_start3A_240 = arith.constant 0 : i32
      %dma_start3A_241 = tpu.memref_slice %arg8[%dma_start3A_239, %dma_start3A_240] : memref<8x64xi32, #tpu.memory_space<vmem>> -> memref<1x64xi32, #tpu.memory_space<vmem>>
      %dma_start3A_242 = tpu.memref_squeeze %dma_start3A_241 : memref<1x64xi32, #tpu.memory_space<vmem>> -> memref<64xi32, #tpu.memory_space<vmem>>
      %dma_start3A_243 = arith.constant 0 : i32
      %dma_start3A_244 = arith.constant 0 : i32
      %dma_start3A_245 = tpu.memref_slice %arg2[%dma_start3A_243, %dma_start3A_244] : memref<10000x128xf32, #tpu.memory_space<hbm>> -> memref<10000x128xf32, #tpu.memory_space<hbm>>
      tpu.enqueue_indirect_dma source(%dma_start3A_245 : memref<10000x128xf32, #tpu.memory_space<hbm>>) target(%arg13 : memref<64x128xf32, #tpu.memory_space<vmem>>) offsets(%dma_start3A_242 : memref<64xi32, #tpu.memory_space<vmem>>) semaphore(%arg18 : memref<!tpu.dma_semaphore, #tpu.memory_space<semaphore_mem>>)
      %dma_wait3A_246 = arith.constant 0 : i32
      %dma_wait3A_247 = arith.constant 0 : i32
      %dma_wait3A_248 = tpu.memref_slice %arg8[%dma_wait3A_246, %dma_wait3A_247] : memref<8x64xi32, #tpu.memory_space<vmem>> -> memref<1x64xi32, #tpu.memory_space<vmem>>
      %dma_wait3A_249 = tpu.memref_squeeze %dma_wait3A_248 : memref<1x64xi32, #tpu.memory_space<vmem>> -> memref<64xi32, #tpu.memory_space<vmem>>
      %dma_wait3A_250 = arith.constant 0 : i32
      %dma_wait3A_251 = arith.constant 0 : i32
      %dma_wait3A_252 = tpu.memref_slice %arg2[%dma_wait3A_250, %dma_wait3A_251] : memref<10000x128xf32, #tpu.memory_space<hbm>> -> memref<10000x128xf32, #tpu.memory_space<hbm>>
      tpu.wait_indirect_dma semaphore(%arg15 : memref<!tpu.dma_semaphore, #tpu.memory_space<semaphore_mem>>) src(%dma_wait3A_252 : memref<10000x128xf32, #tpu.memory_space<hbm>>) dst(%arg10 : memref<64x128xf32, #tpu.memory_space<vmem>>)
      %run_scoped3A_253 = arith.constant 0 : i32
      "tpu.region"() ({
        %run_scoped3A_344 = tpu.sem_alloc : memref<!tpu.dma_semaphore, #tpu.memory_space<semaphore_mem>>
        %dma_start3A_345 = arith.constant 0 : i32
        %dma_start3A_346 = tpu.memref_slice %arg9[%run_scoped3A_253, %dma_start3A_345] : memref<8x64xi32, #tpu.memory_space<vmem>> -> memref<1x64xi32, #tpu.memory_space<vmem>>
        %dma_start3A_347 = tpu.memref_squeeze %dma_start3A_346 : memref<1x64xi32, #tpu.memory_space<vmem>> -> memref<64xi32, #tpu.memory_space<vmem>>
        %dma_start3A_348 = arith.constant 0 : i32
        %dma_start3A_349 = arith.constant 0 : i32
        %dma_start3A_350 = tpu.memref_slice %arg14[%dma_start3A_348, %dma_start3A_349] : memref<10240x128xf32, #tpu.memory_space<vmem_shared>> -> memref<10240x128xf32, #tpu.memory_space<vmem_shared>>
        tpu.enqueue_indirect_dma source(%arg10 : memref<64x128xf32, #tpu.memory_space<vmem>>) target(%dma_start3A_350 : memref<10240x128xf32, #tpu.memory_space<vmem_shared>>) offsets(%dma_start3A_347 : memref<64xi32, #tpu.memory_space<vmem>>) semaphore(%run_scoped3A_344 : memref<!tpu.dma_semaphore, #tpu.memory_space<semaphore_mem>>) {add = true}
        %dma_wait3A_351 = arith.constant 0 : i32
        %dma_wait3A_352 = tpu.memref_slice %arg9[%run_scoped3A_253, %dma_wait3A_351] : memref<8x64xi32, #tpu.memory_space<vmem>> -> memref<1x64xi32, #tpu.memory_space<vmem>>
        %dma_wait3A_353 = tpu.memref_squeeze %dma_wait3A_352 : memref<1x64xi32, #tpu.memory_space<vmem>> -> memref<64xi32, #tpu.memory_space<vmem>>
        %dma_wait3A_354 = arith.constant 0 : i32
        %dma_wait3A_355 = arith.constant 0 : i32
        %dma_wait3A_356 = tpu.memref_slice %arg14[%dma_wait3A_354, %dma_wait3A_355] : memref<10240x128xf32, #tpu.memory_space<vmem_shared>> -> memref<10240x128xf32, #tpu.memory_space<vmem_shared>>
        tpu.wait_indirect_dma semaphore(%run_scoped3A_344 : memref<!tpu.dma_semaphore, #tpu.memory_space<semaphore_mem>>) src(%arg10 : memref<64x128xf32, #tpu.memory_space<vmem>>) dst(%dma_wait3A_356 : memref<10240x128xf32, #tpu.memory_space<vmem_shared>>)
        tpu.yield
      }) : () -> ()
      %dma_start3A_254 = arith.constant 4 : i32
      %dma_start3A_255 = arith.constant 0 : i32
      %dma_start3A_256 = tpu.memref_slice %arg8[%dma_start3A_254, %dma_start3A_255] : memref<8x64xi32, #tpu.memory_space<vmem>> -> memref<1x64xi32, #tpu.memory_space<vmem>>
      %dma_start3A_257 = tpu.memref_squeeze %dma_start3A_256 : memref<1x64xi32, #tpu.memory_space<vmem>> -> memref<64xi32, #tpu.memory_space<vmem>>
      %dma_start3A_258 = arith.constant 0 : i32
      %dma_start3A_259 = arith.constant 0 : i32
      %dma_start3A_260 = tpu.memref_slice %arg2[%dma_start3A_258, %dma_start3A_259] : memref<10000x128xf32, #tpu.memory_space<hbm>> -> memref<10000x128xf32, #tpu.memory_space<hbm>>
      tpu.enqueue_indirect_dma source(%dma_start3A_260 : memref<10000x128xf32, #tpu.memory_space<hbm>>) target(%arg10 : memref<64x128xf32, #tpu.memory_space<vmem>>) offsets(%dma_start3A_257 : memref<64xi32, #tpu.memory_space<vmem>>) semaphore(%arg15 : memref<!tpu.dma_semaphore, #tpu.memory_space<semaphore_mem>>)
      %dma_wait3A_261 = arith.constant 1 : i32
      %dma_wait3A_262 = arith.constant 0 : i32
      %dma_wait3A_263 = tpu.memref_slice %arg8[%dma_wait3A_261, %dma_wait3A_262] : memref<8x64xi32, #tpu.memory_space<vmem>> -> memref<1x64xi32, #tpu.memory_space<vmem>>
      %dma_wait3A_264 = tpu.memref_squeeze %dma_wait3A_263 : memref<1x64xi32, #tpu.memory_space<vmem>> -> memref<64xi32, #tpu.memory_space<vmem>>
      %dma_wait3A_265 = arith.constant 0 : i32
      %dma_wait3A_266 = arith.constant 0 : i32
      %dma_wait3A_267 = tpu.memref_slice %arg2[%dma_wait3A_265, %dma_wait3A_266] : memref<10000x128xf32, #tpu.memory_space<hbm>> -> memref<10000x128xf32, #tpu.memory_space<hbm>>
      tpu.wait_indirect_dma semaphore(%arg16 : memref<!tpu.dma_semaphore, #tpu.memory_space<semaphore_mem>>) src(%dma_wait3A_267 : memref<10000x128xf32, #tpu.memory_space<hbm>>) dst(%arg11 : memref<64x128xf32, #tpu.memory_space<vmem>>)
      %run_scoped3A_268 = arith.constant 1 : i32
      "tpu.region"() ({
        %run_scoped3A_344 = tpu.sem_alloc : memref<!tpu.dma_semaphore, #tpu.memory_space<semaphore_mem>>
        %dma_start3A_345 = arith.constant 0 : i32
        %dma_start3A_346 = tpu.memref_slice %arg9[%run_scoped3A_268, %dma_start3A_345] : memref<8x64xi32, #tpu.memory_space<vmem>> -> memref<1x64xi32, #tpu.memory_space<vmem>>
        %dma_start3A_347 = tpu.memref_squeeze %dma_start3A_346 : memref<1x64xi32, #tpu.memory_space<vmem>> -> memref<64xi32, #tpu.memory_space<vmem>>
        %dma_start3A_348 = arith.constant 0 : i32
        %dma_start3A_349 = arith.constant 0 : i32
        %dma_start3A_350 = tpu.memref_slice %arg14[%dma_start3A_348, %dma_start3A_349] : memref<10240x128xf32, #tpu.memory_space<vmem_shared>> -> memref<10240x128xf32, #tpu.memory_space<vmem_shared>>
        tpu.enqueue_indirect_dma source(%arg11 : memref<64x128xf32, #tpu.memory_space<vmem>>) target(%dma_start3A_350 : memref<10240x128xf32, #tpu.memory_space<vmem_shared>>) offsets(%dma_start3A_347 : memref<64xi32, #tpu.memory_space<vmem>>) semaphore(%run_scoped3A_344 : memref<!tpu.dma_semaphore, #tpu.memory_space<semaphore_mem>>) {add = true}
        %dma_wait3A_351 = arith.constant 0 : i32
        %dma_wait3A_352 = tpu.memref_slice %arg9[%run_scoped3A_268, %dma_wait3A_351] : memref<8x64xi32, #tpu.memory_space<vmem>> -> memref<1x64xi32, #tpu.memory_space<vmem>>
        %dma_wait3A_353 = tpu.memref_squeeze %dma_wait3A_352 : memref<1x64xi32, #tpu.memory_space<vmem>> -> memref<64xi32, #tpu.memory_space<vmem>>
        %dma_wait3A_354 = arith.constant 0 : i32
        %dma_wait3A_355 = arith.constant 0 : i32
        %dma_wait3A_356 = tpu.memref_slice %arg14[%dma_wait3A_354, %dma_wait3A_355] : memref<10240x128xf32, #tpu.memory_space<vmem_shared>> -> memref<10240x128xf32, #tpu.memory_space<vmem_shared>>
        tpu.wait_indirect_dma semaphore(%run_scoped3A_344 : memref<!tpu.dma_semaphore, #tpu.memory_space<semaphore_mem>>) src(%arg11 : memref<64x128xf32, #tpu.memory_space<vmem>>) dst(%dma_wait3A_356 : memref<10240x128xf32, #tpu.memory_space<vmem_shared>>)
        tpu.yield
      }) : () -> ()
      %dma_start3A_269 = arith.constant 5 : i32
      %dma_start3A_270 = arith.constant 0 : i32
      %dma_start3A_271 = tpu.memref_slice %arg8[%dma_start3A_269, %dma_start3A_270] : memref<8x64xi32, #tpu.memory_space<vmem>> -> memref<1x64xi32, #tpu.memory_space<vmem>>
      %dma_start3A_272 = tpu.memref_squeeze %dma_start3A_271 : memref<1x64xi32, #tpu.memory_space<vmem>> -> memref<64xi32, #tpu.memory_space<vmem>>
      %dma_start3A_273 = arith.constant 0 : i32
      %dma_start3A_274 = arith.constant 0 : i32
      %dma_start3A_275 = tpu.memref_slice %arg2[%dma_start3A_273, %dma_start3A_274] : memref<10000x128xf32, #tpu.memory_space<hbm>> -> memref<10000x128xf32, #tpu.memory_space<hbm>>
      tpu.enqueue_indirect_dma source(%dma_start3A_275 : memref<10000x128xf32, #tpu.memory_space<hbm>>) target(%arg11 : memref<64x128xf32, #tpu.memory_space<vmem>>) offsets(%dma_start3A_272 : memref<64xi32, #tpu.memory_space<vmem>>) semaphore(%arg16 : memref<!tpu.dma_semaphore, #tpu.memory_space<semaphore_mem>>)
      %dma_wait3A_276 = arith.constant 2 : i32
      %dma_wait3A_277 = arith.constant 0 : i32
      %dma_wait3A_278 = tpu.memref_slice %arg8[%dma_wait3A_276, %dma_wait3A_277] : memref<8x64xi32, #tpu.memory_space<vmem>> -> memref<1x64xi32, #tpu.memory_space<vmem>>
      %dma_wait3A_279 = tpu.memref_squeeze %dma_wait3A_278 : memref<1x64xi32, #tpu.memory_space<vmem>> -> memref<64xi32, #tpu.memory_space<vmem>>
      %dma_wait3A_280 = arith.constant 0 : i32
      %dma_wait3A_281 = arith.constant 0 : i32
      %dma_wait3A_282 = tpu.memref_slice %arg2[%dma_wait3A_280, %dma_wait3A_281] : memref<10000x128xf32, #tpu.memory_space<hbm>> -> memref<10000x128xf32, #tpu.memory_space<hbm>>
      tpu.wait_indirect_dma semaphore(%arg17 : memref<!tpu.dma_semaphore, #tpu.memory_space<semaphore_mem>>) src(%dma_wait3A_282 : memref<10000x128xf32, #tpu.memory_space<hbm>>) dst(%arg12 : memref<64x128xf32, #tpu.memory_space<vmem>>)
      %run_scoped3A_283 = arith.constant 2 : i32
      "tpu.region"() ({
        %run_scoped3A_344 = tpu.sem_alloc : memref<!tpu.dma_semaphore, #tpu.memory_space<semaphore_mem>>
        %dma_start3A_345 = arith.constant 0 : i32
        %dma_start3A_346 = tpu.memref_slice %arg9[%run_scoped3A_283, %dma_start3A_345] : memref<8x64xi32, #tpu.memory_space<vmem>> -> memref<1x64xi32, #tpu.memory_space<vmem>>
        %dma_start3A_347 = tpu.memref_squeeze %dma_start3A_346 : memref<1x64xi32, #tpu.memory_space<vmem>> -> memref<64xi32, #tpu.memory_space<vmem>>
        %dma_start3A_348 = arith.constant 0 : i32
        %dma_start3A_349 = arith.constant 0 : i32
        %dma_start3A_350 = tpu.memref_slice %arg14[%dma_start3A_348, %dma_start3A_349] : memref<10240x128xf32, #tpu.memory_space<vmem_shared>> -> memref<10240x128xf32, #tpu.memory_space<vmem_shared>>
        tpu.enqueue_indirect_dma source(%arg12 : memref<64x128xf32, #tpu.memory_space<vmem>>) target(%dma_start3A_350 : memref<10240x128xf32, #tpu.memory_space<vmem_shared>>) offsets(%dma_start3A_347 : memref<64xi32, #tpu.memory_space<vmem>>) semaphore(%run_scoped3A_344 : memref<!tpu.dma_semaphore, #tpu.memory_space<semaphore_mem>>) {add = true}
        %dma_wait3A_351 = arith.constant 0 : i32
        %dma_wait3A_352 = tpu.memref_slice %arg9[%run_scoped3A_283, %dma_wait3A_351] : memref<8x64xi32, #tpu.memory_space<vmem>> -> memref<1x64xi32, #tpu.memory_space<vmem>>
        %dma_wait3A_353 = tpu.memref_squeeze %dma_wait3A_352 : memref<1x64xi32, #tpu.memory_space<vmem>> -> memref<64xi32, #tpu.memory_space<vmem>>
        %dma_wait3A_354 = arith.constant 0 : i32
        %dma_wait3A_355 = arith.constant 0 : i32
        %dma_wait3A_356 = tpu.memref_slice %arg14[%dma_wait3A_354, %dma_wait3A_355] : memref<10240x128xf32, #tpu.memory_space<vmem_shared>> -> memref<10240x128xf32, #tpu.memory_space<vmem_shared>>
        tpu.wait_indirect_dma semaphore(%run_scoped3A_344 : memref<!tpu.dma_semaphore, #tpu.memory_space<semaphore_mem>>) src(%arg12 : memref<64x128xf32, #tpu.memory_space<vmem>>) dst(%dma_wait3A_356 : memref<10240x128xf32, #tpu.memory_space<vmem_shared>>)
        tpu.yield
      }) : () -> ()
      %dma_start3A_284 = arith.constant 6 : i32
      %dma_start3A_285 = arith.constant 0 : i32
      %dma_start3A_286 = tpu.memref_slice %arg8[%dma_start3A_284, %dma_start3A_285] : memref<8x64xi32, #tpu.memory_space<vmem>> -> memref<1x64xi32, #tpu.memory_space<vmem>>
      %dma_start3A_287 = tpu.memref_squeeze %dma_start3A_286 : memref<1x64xi32, #tpu.memory_space<vmem>> -> memref<64xi32, #tpu.memory_space<vmem>>
      %dma_start3A_288 = arith.constant 0 : i32
      %dma_start3A_289 = arith.constant 0 : i32
      %dma_start3A_290 = tpu.memref_slice %arg2[%dma_start3A_288, %dma_start3A_289] : memref<10000x128xf32, #tpu.memory_space<hbm>> -> memref<10000x128xf32, #tpu.memory_space<hbm>>
      tpu.enqueue_indirect_dma source(%dma_start3A_290 : memref<10000x128xf32, #tpu.memory_space<hbm>>) target(%arg12 : memref<64x128xf32, #tpu.memory_space<vmem>>) offsets(%dma_start3A_287 : memref<64xi32, #tpu.memory_space<vmem>>) semaphore(%arg17 : memref<!tpu.dma_semaphore, #tpu.memory_space<semaphore_mem>>)
      %dma_wait3A_291 = arith.constant 3 : i32
      %dma_wait3A_292 = arith.constant 0 : i32
      %dma_wait3A_293 = tpu.memref_slice %arg8[%dma_wait3A_291, %dma_wait3A_292] : memref<8x64xi32, #tpu.memory_space<vmem>> -> memref<1x64xi32, #tpu.memory_space<vmem>>
      %dma_wait3A_294 = tpu.memref_squeeze %dma_wait3A_293 : memref<1x64xi32, #tpu.memory_space<vmem>> -> memref<64xi32, #tpu.memory_space<vmem>>
      %dma_wait3A_295 = arith.constant 0 : i32
      %dma_wait3A_296 = arith.constant 0 : i32
      %dma_wait3A_297 = tpu.memref_slice %arg2[%dma_wait3A_295, %dma_wait3A_296] : memref<10000x128xf32, #tpu.memory_space<hbm>> -> memref<10000x128xf32, #tpu.memory_space<hbm>>
      tpu.wait_indirect_dma semaphore(%arg18 : memref<!tpu.dma_semaphore, #tpu.memory_space<semaphore_mem>>) src(%dma_wait3A_297 : memref<10000x128xf32, #tpu.memory_space<hbm>>) dst(%arg13 : memref<64x128xf32, #tpu.memory_space<vmem>>)
      %run_scoped3A_298 = arith.constant 3 : i32
      "tpu.region"() ({
        %run_scoped3A_344 = tpu.sem_alloc : memref<!tpu.dma_semaphore, #tpu.memory_space<semaphore_mem>>
        %dma_start3A_345 = arith.constant 0 : i32
        %dma_start3A_346 = tpu.memref_slice %arg9[%run_scoped3A_298, %dma_start3A_345] : memref<8x64xi32, #tpu.memory_space<vmem>> -> memref<1x64xi32, #tpu.memory_space<vmem>>
        %dma_start3A_347 = tpu.memref_squeeze %dma_start3A_346 : memref<1x64xi32, #tpu.memory_space<vmem>> -> memref<64xi32, #tpu.memory_space<vmem>>
        %dma_start3A_348 = arith.constant 0 : i32
        %dma_start3A_349 = arith.constant 0 : i32
        %dma_start3A_350 = tpu.memref_slice %arg14[%dma_start3A_348, %dma_start3A_349] : memref<10240x128xf32, #tpu.memory_space<vmem_shared>> -> memref<10240x128xf32, #tpu.memory_space<vmem_shared>>
        tpu.enqueue_indirect_dma source(%arg13 : memref<64x128xf32, #tpu.memory_space<vmem>>) target(%dma_start3A_350 : memref<10240x128xf32, #tpu.memory_space<vmem_shared>>) offsets(%dma_start3A_347 : memref<64xi32, #tpu.memory_space<vmem>>) semaphore(%run_scoped3A_344 : memref<!tpu.dma_semaphore, #tpu.memory_space<semaphore_mem>>) {add = true}
        %dma_wait3A_351 = arith.constant 0 : i32
        %dma_wait3A_352 = tpu.memref_slice %arg9[%run_scoped3A_298, %dma_wait3A_351] : memref<8x64xi32, #tpu.memory_space<vmem>> -> memref<1x64xi32, #tpu.memory_space<vmem>>
        %dma_wait3A_353 = tpu.memref_squeeze %dma_wait3A_352 : memref<1x64xi32, #tpu.memory_space<vmem>> -> memref<64xi32, #tpu.memory_space<vmem>>
        %dma_wait3A_354 = arith.constant 0 : i32
        %dma_wait3A_355 = arith.constant 0 : i32
        %dma_wait3A_356 = tpu.memref_slice %arg14[%dma_wait3A_354, %dma_wait3A_355] : memref<10240x128xf32, #tpu.memory_space<vmem_shared>> -> memref<10240x128xf32, #tpu.memory_space<vmem_shared>>
        tpu.wait_indirect_dma semaphore(%run_scoped3A_344 : memref<!tpu.dma_semaphore, #tpu.memory_space<semaphore_mem>>) src(%arg13 : memref<64x128xf32, #tpu.memory_space<vmem>>) dst(%dma_wait3A_356 : memref<10240x128xf32, #tpu.memory_space<vmem_shared>>)
        tpu.yield
      }) : () -> ()
      %dma_start3A_299 = arith.constant 7 : i32
      %dma_start3A_300 = arith.constant 0 : i32
      %dma_start3A_301 = tpu.memref_slice %arg8[%dma_start3A_299, %dma_start3A_300] : memref<8x64xi32, #tpu.memory_space<vmem>> -> memref<1x64xi32, #tpu.memory_space<vmem>>
      %dma_start3A_302 = tpu.memref_squeeze %dma_start3A_301 : memref<1x64xi32, #tpu.memory_space<vmem>> -> memref<64xi32, #tpu.memory_space<vmem>>
      %dma_start3A_303 = arith.constant 0 : i32
      %dma_start3A_304 = arith.constant 0 : i32
      %dma_start3A_305 = tpu.memref_slice %arg2[%dma_start3A_303, %dma_start3A_304] : memref<10000x128xf32, #tpu.memory_space<hbm>> -> memref<10000x128xf32, #tpu.memory_space<hbm>>
      tpu.enqueue_indirect_dma source(%dma_start3A_305 : memref<10000x128xf32, #tpu.memory_space<hbm>>) target(%arg13 : memref<64x128xf32, #tpu.memory_space<vmem>>) offsets(%dma_start3A_302 : memref<64xi32, #tpu.memory_space<vmem>>) semaphore(%arg18 : memref<!tpu.dma_semaphore, #tpu.memory_space<semaphore_mem>>)
      %dma_wait3A_306 = arith.constant 4 : i32
      %dma_wait3A_307 = arith.constant 0 : i32
      %dma_wait3A_308 = tpu.memref_slice %arg8[%dma_wait3A_306, %dma_wait3A_307] : memref<8x64xi32, #tpu.memory_space<vmem>> -> memref<1x64xi32, #tpu.memory_space<vmem>>
      %dma_wait3A_309 = tpu.memref_squeeze %dma_wait3A_308 : memref<1x64xi32, #tpu.memory_space<vmem>> -> memref<64xi32, #tpu.memory_space<vmem>>
      %dma_wait3A_310 = arith.constant 0 : i32
      %dma_wait3A_311 = arith.constant 0 : i32
      %dma_wait3A_312 = tpu.memref_slice %arg2[%dma_wait3A_310, %dma_wait3A_311] : memref<10000x128xf32, #tpu.memory_space<hbm>> -> memref<10000x128xf32, #tpu.memory_space<hbm>>
      tpu.wait_indirect_dma semaphore(%arg15 : memref<!tpu.dma_semaphore, #tpu.memory_space<semaphore_mem>>) src(%dma_wait3A_312 : memref<10000x128xf32, #tpu.memory_space<hbm>>) dst(%arg10 : memref<64x128xf32, #tpu.memory_space<vmem>>)
      %run_scoped3A_313 = arith.constant 4 : i32
      "tpu.region"() ({
        %run_scoped3A_344 = tpu.sem_alloc : memref<!tpu.dma_semaphore, #tpu.memory_space<semaphore_mem>>
        %dma_start3A_345 = arith.constant 0 : i32
        %dma_start3A_346 = tpu.memref_slice %arg9[%run_scoped3A_313, %dma_start3A_345] : memref<8x64xi32, #tpu.memory_space<vmem>> -> memref<1x64xi32, #tpu.memory_space<vmem>>
        %dma_start3A_347 = tpu.memref_squeeze %dma_start3A_346 : memref<1x64xi32, #tpu.memory_space<vmem>> -> memref<64xi32, #tpu.memory_space<vmem>>
        %dma_start3A_348 = arith.constant 0 : i32
        %dma_start3A_349 = arith.constant 0 : i32
        %dma_start3A_350 = tpu.memref_slice %arg14[%dma_start3A_348, %dma_start3A_349] : memref<10240x128xf32, #tpu.memory_space<vmem_shared>> -> memref<10240x128xf32, #tpu.memory_space<vmem_shared>>
        tpu.enqueue_indirect_dma source(%arg10 : memref<64x128xf32, #tpu.memory_space<vmem>>) target(%dma_start3A_350 : memref<10240x128xf32, #tpu.memory_space<vmem_shared>>) offsets(%dma_start3A_347 : memref<64xi32, #tpu.memory_space<vmem>>) semaphore(%run_scoped3A_344 : memref<!tpu.dma_semaphore, #tpu.memory_space<semaphore_mem>>) {add = true}
        %dma_wait3A_351 = arith.constant 0 : i32
        %dma_wait3A_352 = tpu.memref_slice %arg9[%run_scoped3A_313, %dma_wait3A_351] : memref<8x64xi32, #tpu.memory_space<vmem>> -> memref<1x64xi32, #tpu.memory_space<vmem>>
        %dma_wait3A_353 = tpu.memref_squeeze %dma_wait3A_352 : memref<1x64xi32, #tpu.memory_space<vmem>> -> memref<64xi32, #tpu.memory_space<vmem>>
        %dma_wait3A_354 = arith.constant 0 : i32
        %dma_wait3A_355 = arith.constant 0 : i32
        %dma_wait3A_356 = tpu.memref_slice %arg14[%dma_wait3A_354, %dma_wait3A_355] : memref<10240x128xf32, #tpu.memory_space<vmem_shared>> -> memref<10240x128xf32, #tpu.memory_space<vmem_shared>>
        tpu.wait_indirect_dma semaphore(%run_scoped3A_344 : memref<!tpu.dma_semaphore, #tpu.memory_space<semaphore_mem>>) src(%arg10 : memref<64x128xf32, #tpu.memory_space<vmem>>) dst(%dma_wait3A_356 : memref<10240x128xf32, #tpu.memory_space<vmem_shared>>)
        tpu.yield
      }) : () -> ()
      %dma_wait3A_314 = arith.constant 5 : i32
      %dma_wait3A_315 = arith.constant 0 : i32
      %dma_wait3A_316 = tpu.memref_slice %arg8[%dma_wait3A_314, %dma_wait3A_315] : memref<8x64xi32, #tpu.memory_space<vmem>> -> memref<1x64xi32, #tpu.memory_space<vmem>>
      %dma_wait3A_317 = tpu.memref_squeeze %dma_wait3A_316 : memref<1x64xi32, #tpu.memory_space<vmem>> -> memref<64xi32, #tpu.memory_space<vmem>>
      %dma_wait3A_318 = arith.constant 0 : i32
      %dma_wait3A_319 = arith.constant 0 : i32
      %dma_wait3A_320 = tpu.memref_slice %arg2[%dma_wait3A_318, %dma_wait3A_319] : memref<10000x128xf32, #tpu.memory_space<hbm>> -> memref<10000x128xf32, #tpu.memory_space<hbm>>
      tpu.wait_indirect_dma semaphore(%arg16 : memref<!tpu.dma_semaphore, #tpu.memory_space<semaphore_mem>>) src(%dma_wait3A_320 : memref<10000x128xf32, #tpu.memory_space<hbm>>) dst(%arg11 : memref<64x128xf32, #tpu.memory_space<vmem>>)
      %run_scoped3A_321 = arith.constant 5 : i32
      "tpu.region"() ({
        %run_scoped3A_344 = tpu.sem_alloc : memref<!tpu.dma_semaphore, #tpu.memory_space<semaphore_mem>>
        %dma_start3A_345 = arith.constant 0 : i32
        %dma_start3A_346 = tpu.memref_slice %arg9[%run_scoped3A_321, %dma_start3A_345] : memref<8x64xi32, #tpu.memory_space<vmem>> -> memref<1x64xi32, #tpu.memory_space<vmem>>
        %dma_start3A_347 = tpu.memref_squeeze %dma_start3A_346 : memref<1x64xi32, #tpu.memory_space<vmem>> -> memref<64xi32, #tpu.memory_space<vmem>>
        %dma_start3A_348 = arith.constant 0 : i32
        %dma_start3A_349 = arith.constant 0 : i32
        %dma_start3A_350 = tpu.memref_slice %arg14[%dma_start3A_348, %dma_start3A_349] : memref<10240x128xf32, #tpu.memory_space<vmem_shared>> -> memref<10240x128xf32, #tpu.memory_space<vmem_shared>>
        tpu.enqueue_indirect_dma source(%arg11 : memref<64x128xf32, #tpu.memory_space<vmem>>) target(%dma_start3A_350 : memref<10240x128xf32, #tpu.memory_space<vmem_shared>>) offsets(%dma_start3A_347 : memref<64xi32, #tpu.memory_space<vmem>>) semaphore(%run_scoped3A_344 : memref<!tpu.dma_semaphore, #tpu.memory_space<semaphore_mem>>) {add = true}
        %dma_wait3A_351 = arith.constant 0 : i32
        %dma_wait3A_352 = tpu.memref_slice %arg9[%run_scoped3A_321, %dma_wait3A_351] : memref<8x64xi32, #tpu.memory_space<vmem>> -> memref<1x64xi32, #tpu.memory_space<vmem>>
        %dma_wait3A_353 = tpu.memref_squeeze %dma_wait3A_352 : memref<1x64xi32, #tpu.memory_space<vmem>> -> memref<64xi32, #tpu.memory_space<vmem>>
        %dma_wait3A_354 = arith.constant 0 : i32
        %dma_wait3A_355 = arith.constant 0 : i32
        %dma_wait3A_356 = tpu.memref_slice %arg14[%dma_wait3A_354, %dma_wait3A_355] : memref<10240x128xf32, #tpu.memory_space<vmem_shared>> -> memref<10240x128xf32, #tpu.memory_space<vmem_shared>>
        tpu.wait_indirect_dma semaphore(%run_scoped3A_344 : memref<!tpu.dma_semaphore, #tpu.memory_space<semaphore_mem>>) src(%arg11 : memref<64x128xf32, #tpu.memory_space<vmem>>) dst(%dma_wait3A_356 : memref<10240x128xf32, #tpu.memory_space<vmem_shared>>)
        tpu.yield
      }) : () -> ()
      %dma_wait3A_322 = arith.constant 6 : i32
      %dma_wait3A_323 = arith.constant 0 : i32
      %dma_wait3A_324 = tpu.memref_slice %arg8[%dma_wait3A_322, %dma_wait3A_323] : memref<8x64xi32, #tpu.memory_space<vmem>> -> memref<1x64xi32, #tpu.memory_space<vmem>>
      %dma_wait3A_325 = tpu.memref_squeeze %dma_wait3A_324 : memref<1x64xi32, #tpu.memory_space<vmem>> -> memref<64xi32, #tpu.memory_space<vmem>>
      %dma_wait3A_326 = arith.constant 0 : i32
      %dma_wait3A_327 = arith.constant 0 : i32
      %dma_wait3A_328 = tpu.memref_slice %arg2[%dma_wait3A_326, %dma_wait3A_327] : memref<10000x128xf32, #tpu.memory_space<hbm>> -> memref<10000x128xf32, #tpu.memory_space<hbm>>
      tpu.wait_indirect_dma semaphore(%arg17 : memref<!tpu.dma_semaphore, #tpu.memory_space<semaphore_mem>>) src(%dma_wait3A_328 : memref<10000x128xf32, #tpu.memory_space<hbm>>) dst(%arg12 : memref<64x128xf32, #tpu.memory_space<vmem>>)
      %run_scoped3A_329 = arith.constant 6 : i32
      "tpu.region"() ({
        %run_scoped3A_344 = tpu.sem_alloc : memref<!tpu.dma_semaphore, #tpu.memory_space<semaphore_mem>>
        %dma_start3A_345 = arith.constant 0 : i32
        %dma_start3A_346 = tpu.memref_slice %arg9[%run_scoped3A_329, %dma_start3A_345] : memref<8x64xi32, #tpu.memory_space<vmem>> -> memref<1x64xi32, #tpu.memory_space<vmem>>
        %dma_start3A_347 = tpu.memref_squeeze %dma_start3A_346 : memref<1x64xi32, #tpu.memory_space<vmem>> -> memref<64xi32, #tpu.memory_space<vmem>>
        %dma_start3A_348 = arith.constant 0 : i32
        %dma_start3A_349 = arith.constant 0 : i32
        %dma_start3A_350 = tpu.memref_slice %arg14[%dma_start3A_348, %dma_start3A_349] : memref<10240x128xf32, #tpu.memory_space<vmem_shared>> -> memref<10240x128xf32, #tpu.memory_space<vmem_shared>>
        tpu.enqueue_indirect_dma source(%arg12 : memref<64x128xf32, #tpu.memory_space<vmem>>) target(%dma_start3A_350 : memref<10240x128xf32, #tpu.memory_space<vmem_shared>>) offsets(%dma_start3A_347 : memref<64xi32, #tpu.memory_space<vmem>>) semaphore(%run_scoped3A_344 : memref<!tpu.dma_semaphore, #tpu.memory_space<semaphore_mem>>) {add = true}
        %dma_wait3A_351 = arith.constant 0 : i32
        %dma_wait3A_352 = tpu.memref_slice %arg9[%run_scoped3A_329, %dma_wait3A_351] : memref<8x64xi32, #tpu.memory_space<vmem>> -> memref<1x64xi32, #tpu.memory_space<vmem>>
        %dma_wait3A_353 = tpu.memref_squeeze %dma_wait3A_352 : memref<1x64xi32, #tpu.memory_space<vmem>> -> memref<64xi32, #tpu.memory_space<vmem>>
        %dma_wait3A_354 = arith.constant 0 : i32
        %dma_wait3A_355 = arith.constant 0 : i32
        %dma_wait3A_356 = tpu.memref_slice %arg14[%dma_wait3A_354, %dma_wait3A_355] : memref<10240x128xf32, #tpu.memory_space<vmem_shared>> -> memref<10240x128xf32, #tpu.memory_space<vmem_shared>>
        tpu.wait_indirect_dma semaphore(%run_scoped3A_344 : memref<!tpu.dma_semaphore, #tpu.memory_space<semaphore_mem>>) src(%arg12 : memref<64x128xf32, #tpu.memory_space<vmem>>) dst(%dma_wait3A_356 : memref<10240x128xf32, #tpu.memory_space<vmem_shared>>)
        tpu.yield
      }) : () -> ()
      %dma_wait3A_330 = arith.constant 7 : i32
      %dma_wait3A_331 = arith.constant 0 : i32
      %dma_wait3A_332 = tpu.memref_slice %arg8[%dma_wait3A_330, %dma_wait3A_331] : memref<8x64xi32, #tpu.memory_space<vmem>> -> memref<1x64xi32, #tpu.memory_space<vmem>>
      %dma_wait3A_333 = tpu.memref_squeeze %dma_wait3A_332 : memref<1x64xi32, #tpu.memory_space<vmem>> -> memref<64xi32, #tpu.memory_space<vmem>>
      %dma_wait3A_334 = arith.constant 0 : i32
      %dma_wait3A_335 = arith.constant 0 : i32
      %dma_wait3A_336 = tpu.memref_slice %arg2[%dma_wait3A_334, %dma_wait3A_335] : memref<10000x128xf32, #tpu.memory_space<hbm>> -> memref<10000x128xf32, #tpu.memory_space<hbm>>
      tpu.wait_indirect_dma semaphore(%arg18 : memref<!tpu.dma_semaphore, #tpu.memory_space<semaphore_mem>>) src(%dma_wait3A_336 : memref<10000x128xf32, #tpu.memory_space<hbm>>) dst(%arg13 : memref<64x128xf32, #tpu.memory_space<vmem>>)
      %run_scoped3A_337 = arith.constant 7 : i32
      "tpu.region"() ({
        %run_scoped3A_344 = tpu.sem_alloc : memref<!tpu.dma_semaphore, #tpu.memory_space<semaphore_mem>>
        %dma_start3A_345 = arith.constant 0 : i32
        %dma_start3A_346 = tpu.memref_slice %arg9[%run_scoped3A_337, %dma_start3A_345] : memref<8x64xi32, #tpu.memory_space<vmem>> -> memref<1x64xi32, #tpu.memory_space<vmem>>
        %dma_start3A_347 = tpu.memref_squeeze %dma_start3A_346 : memref<1x64xi32, #tpu.memory_space<vmem>> -> memref<64xi32, #tpu.memory_space<vmem>>
        %dma_start3A_348 = arith.constant 0 : i32
        %dma_start3A_349 = arith.constant 0 : i32
        %dma_start3A_350 = tpu.memref_slice %arg14[%dma_start3A_348, %dma_start3A_349] : memref<10240x128xf32, #tpu.memory_space<vmem_shared>> -> memref<10240x128xf32, #tpu.memory_space<vmem_shared>>
        tpu.enqueue_indirect_dma source(%arg13 : memref<64x128xf32, #tpu.memory_space<vmem>>) target(%dma_start3A_350 : memref<10240x128xf32, #tpu.memory_space<vmem_shared>>) offsets(%dma_start3A_347 : memref<64xi32, #tpu.memory_space<vmem>>) semaphore(%run_scoped3A_344 : memref<!tpu.dma_semaphore, #tpu.memory_space<semaphore_mem>>) {add = true}
        %dma_wait3A_351 = arith.constant 0 : i32
        %dma_wait3A_352 = tpu.memref_slice %arg9[%run_scoped3A_337, %dma_wait3A_351] : memref<8x64xi32, #tpu.memory_space<vmem>> -> memref<1x64xi32, #tpu.memory_space<vmem>>
        %dma_wait3A_353 = tpu.memref_squeeze %dma_wait3A_352 : memref<1x64xi32, #tpu.memory_space<vmem>> -> memref<64xi32, #tpu.memory_space<vmem>>
        %dma_wait3A_354 = arith.constant 0 : i32
        %dma_wait3A_355 = arith.constant 0 : i32
        %dma_wait3A_356 = tpu.memref_slice %arg14[%dma_wait3A_354, %dma_wait3A_355] : memref<10240x128xf32, #tpu.memory_space<vmem_shared>> -> memref<10240x128xf32, #tpu.memory_space<vmem_shared>>
        tpu.wait_indirect_dma semaphore(%run_scoped3A_344 : memref<!tpu.dma_semaphore, #tpu.memory_space<semaphore_mem>>) src(%arg13 : memref<64x128xf32, #tpu.memory_space<vmem>>) dst(%dma_wait3A_356 : memref<10240x128xf32, #tpu.memory_space<vmem_shared>>)
        tpu.yield
      }) : () -> ()
      %add3A_338 = arith.constant 3 : i32
      %add3A_339 = arith.addi %mul3A_80, %add3A_338 : i32
      %lt3A_340 = arith.cmpi slt, %add3A_339, %select_n3A_8 : i32
      %convert_element_type3A_341 = arith.extui %lt3A_340 : i1 to i32
      %cond3A_342 = arith.constant 0 : i32
      %cond3A_343 = arith.cmpi ne, %convert_element_type3A_341, %cond3A_342 : i32
      scf.if %cond3A_343 {
        %add3A_344 = arith.constant 3 : i32
        %add3A_345 = arith.addi %mul3A_80, %add3A_344 : i32
        %mul3A_346 = arith.constant 8 : i32
        %mul3A_347 = arith.muli %add3A_345, %mul3A_346 : i32
        %add3A_348 = arith.addi %multiple_of3A, %mul3A_347 : i32
        %multiple_of3A_349 = tpu.assume_multiple %add3A_348, 8 : i32
        %dma_start3A_350 = arith.constant 0 : i32
        %dma_start3A_351 = tpu.memref_slice %arg3[%multiple_of3A_349, %dma_start3A_350] : memref<5120x64xi32, #tpu.memory_space<hbm>> -> memref<8x64xi32, #tpu.memory_space<hbm>>
        %dma_start3A_352 = arith.constant 0 : i32
        %dma_start3A_353 = tpu.memref_slice %arg3[%multiple_of3A_349, %dma_start3A_352] : memref<5120x64xi32, #tpu.memory_space<hbm>> -> memref<8x64xi32, #tpu.memory_space<hbm>>
        tpu.enqueue_dma source(%dma_start3A_353 : memref<8x64xi32, #tpu.memory_space<hbm>>) target(%arg8 : memref<8x64xi32, #tpu.memory_space<vmem>>) target_semaphore(%arg20 : memref<!tpu.dma_semaphore, #tpu.memory_space<semaphore_mem>>)
        %dma_start3A_354 = arith.constant 0 : i32
        %dma_start3A_355 = tpu.memref_slice %arg4[%multiple_of3A_349, %dma_start3A_354] : memref<5120x64xi32, #tpu.memory_space<hbm>> -> memref<8x64xi32, #tpu.memory_space<hbm>>
        %dma_start3A_356 = arith.constant 0 : i32
        %dma_start3A_357 = tpu.memref_slice %arg4[%multiple_of3A_349, %dma_start3A_356] : memref<5120x64xi32, #tpu.memory_space<hbm>> -> memref<8x64xi32, #tpu.memory_space<hbm>>
        tpu.enqueue_dma source(%dma_start3A_357 : memref<8x64xi32, #tpu.memory_space<hbm>>) target(%arg9 : memref<8x64xi32, #tpu.memory_space<vmem>>) target_semaphore(%arg20 : memref<!tpu.dma_semaphore, #tpu.memory_space<semaphore_mem>>)
      } else {
      }
    }
    %while3A_71 = arith.constant 1 : i32
    scf.for %while3A_76 = %while3A_69 to %while3A_65 step %while3A_71  : i32 {
      %mul3A_77 = arith.muli %while3A_76, %while3A : i32
      %add3A_78 = arith.addi %while3A_62, %mul3A_77 : i32
      %mul3A_79 = arith.constant 2 : i32
      %mul3A_80 = arith.muli %add3A_78, %mul3A_79 : i32
      %dma_wait3A = arith.constant 0 : i32
      %dma_wait3A_81 = tpu.memref_slice %arg3[%multiple_of3A, %dma_wait3A] : memref<5120x64xi32, #tpu.memory_space<hbm>> -> memref<8x64xi32, #tpu.memory_space<hbm>>
      %dma_wait3A_82 = arith.constant 0 : i32
      %dma_wait3A_83 = tpu.memref_slice %arg3[%multiple_of3A, %dma_wait3A_82] : memref<5120x64xi32, #tpu.memory_space<hbm>> -> memref<8x64xi32, #tpu.memory_space<hbm>>
      tpu.wait_dma2 semaphore(%arg19 : memref<!tpu.dma_semaphore, #tpu.memory_space<semaphore_mem>>) src(%dma_wait3A_83 : memref<8x64xi32, #tpu.memory_space<hbm>>) dst(%arg6 : memref<8x64xi32, #tpu.memory_space<vmem>>)
      %dma_wait3A_84 = arith.constant 0 : i32
      %dma_wait3A_85 = tpu.memref_slice %arg4[%multiple_of3A, %dma_wait3A_84] : memref<5120x64xi32, #tpu.memory_space<hbm>> -> memref<8x64xi32, #tpu.memory_space<hbm>>
      %dma_wait3A_86 = arith.constant 0 : i32
      %dma_wait3A_87 = tpu.memref_slice %arg4[%multiple_of3A, %dma_wait3A_86] : memref<5120x64xi32, #tpu.memory_space<hbm>> -> memref<8x64xi32, #tpu.memory_space<hbm>>
      tpu.wait_dma2 semaphore(%arg19 : memref<!tpu.dma_semaphore, #tpu.memory_space<semaphore_mem>>) src(%dma_wait3A_87 : memref<8x64xi32, #tpu.memory_space<hbm>>) dst(%arg7 : memref<8x64xi32, #tpu.memory_space<vmem>>)
      %dma_start3A_88 = arith.constant 0 : i32
      %dma_start3A_89 = arith.constant 0 : i32
      %dma_start3A_90 = tpu.memref_slice %arg6[%dma_start3A_88, %dma_start3A_89] : memref<8x64xi32, #tpu.memory_space<vmem>> -> memref<1x64xi32, #tpu.memory_space<vmem>>
      %dma_start3A_91 = tpu.memref_squeeze %dma_start3A_90 : memref<1x64xi32, #tpu.memory_space<vmem>> -> memref<64xi32, #tpu.memory_space<vmem>>
      %dma_start3A_92 = arith.constant 0 : i32
      %dma_start3A_93 = arith.constant 0 : i32
      %dma_start3A_94 = tpu.memref_slice %arg2[%dma_start3A_92, %dma_start3A_93] : memref<10000x128xf32, #tpu.memory_space<hbm>> -> memref<10000x128xf32, #tpu.memory_space<hbm>>
      tpu.enqueue_indirect_dma source(%dma_start3A_94 : memref<10000x128xf32, #tpu.memory_space<hbm>>) target(%arg10 : memref<64x128xf32, #tpu.memory_space<vmem>>) offsets(%dma_start3A_91 : memref<64xi32, #tpu.memory_space<vmem>>) semaphore(%arg15 : memref<!tpu.dma_semaphore, #tpu.memory_space<semaphore_mem>>)
      %dma_start3A_95 = arith.constant 1 : i32
      %dma_start3A_96 = arith.constant 0 : i32
      %dma_start3A_97 = tpu.memref_slice %arg6[%dma_start3A_95, %dma_start3A_96] : memref<8x64xi32, #tpu.memory_space<vmem>> -> memref<1x64xi32, #tpu.memory_space<vmem>>
      %dma_start3A_98 = tpu.memref_squeeze %dma_start3A_97 : memref<1x64xi32, #tpu.memory_space<vmem>> -> memref<64xi32, #tpu.memory_space<vmem>>
      %dma_start3A_99 = arith.constant 0 : i32
      %dma_start3A_100 = arith.constant 0 : i32
      %dma_start3A_101 = tpu.memref_slice %arg2[%dma_start3A_99, %dma_start3A_100] : memref<10000x128xf32, #tpu.memory_space<hbm>> -> memref<10000x128xf32, #tpu.memory_space<hbm>>
      tpu.enqueue_indirect_dma source(%dma_start3A_101 : memref<10000x128xf32, #tpu.memory_space<hbm>>) target(%arg11 : memref<64x128xf32, #tpu.memory_space<vmem>>) offsets(%dma_start3A_98 : memref<64xi32, #tpu.memory_space<vmem>>) semaphore(%arg16 : memref<!tpu.dma_semaphore, #tpu.memory_space<semaphore_mem>>)
      %dma_start3A_102 = arith.constant 2 : i32
      %dma_start3A_103 = arith.constant 0 : i32
      %dma_start3A_104 = tpu.memref_slice %arg6[%dma_start3A_102, %dma_start3A_103] : memref<8x64xi32, #tpu.memory_space<vmem>> -> memref<1x64xi32, #tpu.memory_space<vmem>>
      %dma_start3A_105 = tpu.memref_squeeze %dma_start3A_104 : memref<1x64xi32, #tpu.memory_space<vmem>> -> memref<64xi32, #tpu.memory_space<vmem>>
      %dma_start3A_106 = arith.constant 0 : i32
      %dma_start3A_107 = arith.constant 0 : i32
      %dma_start3A_108 = tpu.memref_slice %arg2[%dma_start3A_106, %dma_start3A_107] : memref<10000x128xf32, #tpu.memory_space<hbm>> -> memref<10000x128xf32, #tpu.memory_space<hbm>>
      tpu.enqueue_indirect_dma source(%dma_start3A_108 : memref<10000x128xf32, #tpu.memory_space<hbm>>) target(%arg12 : memref<64x128xf32, #tpu.memory_space<vmem>>) offsets(%dma_start3A_105 : memref<64xi32, #tpu.memory_space<vmem>>) semaphore(%arg17 : memref<!tpu.dma_semaphore, #tpu.memory_space<semaphore_mem>>)
      %dma_start3A_109 = arith.constant 3 : i32
      %dma_start3A_110 = arith.constant 0 : i32
      %dma_start3A_111 = tpu.memref_slice %arg6[%dma_start3A_109, %dma_start3A_110] : memref<8x64xi32, #tpu.memory_space<vmem>> -> memref<1x64xi32, #tpu.memory_space<vmem>>
      %dma_start3A_112 = tpu.memref_squeeze %dma_start3A_111 : memref<1x64xi32, #tpu.memory_space<vmem>> -> memref<64xi32, #tpu.memory_space<vmem>>
      %dma_start3A_113 = arith.constant 0 : i32
      %dma_start3A_114 = arith.constant 0 : i32
      %dma_start3A_115 = tpu.memref_slice %arg2[%dma_start3A_113, %dma_start3A_114] : memref<10000x128xf32, #tpu.memory_space<hbm>> -> memref<10000x128xf32, #tpu.memory_space<hbm>>
      tpu.enqueue_indirect_dma source(%dma_start3A_115 : memref<10000x128xf32, #tpu.memory_space<hbm>>) target(%arg13 : memref<64x128xf32, #tpu.memory_space<vmem>>) offsets(%dma_start3A_112 : memref<64xi32, #tpu.memory_space<vmem>>) semaphore(%arg18 : memref<!tpu.dma_semaphore, #tpu.memory_space<semaphore_mem>>)
      %dma_wait3A_116 = arith.constant 0 : i32
      %dma_wait3A_117 = arith.constant 0 : i32
      %dma_wait3A_118 = tpu.memref_slice %arg6[%dma_wait3A_116, %dma_wait3A_117] : memref<8x64xi32, #tpu.memory_space<vmem>> -> memref<1x64xi32, #tpu.memory_space<vmem>>
      %dma_wait3A_119 = tpu.memref_squeeze %dma_wait3A_118 : memref<1x64xi32, #tpu.memory_space<vmem>> -> memref<64xi32, #tpu.memory_space<vmem>>
      %dma_wait3A_120 = arith.constant 0 : i32
      %dma_wait3A_121 = arith.constant 0 : i32
      %dma_wait3A_122 = tpu.memref_slice %arg2[%dma_wait3A_120, %dma_wait3A_121] : memref<10000x128xf32, #tpu.memory_space<hbm>> -> memref<10000x128xf32, #tpu.memory_space<hbm>>
      tpu.wait_indirect_dma semaphore(%arg15 : memref<!tpu.dma_semaphore, #tpu.memory_space<semaphore_mem>>) src(%dma_wait3A_122 : memref<10000x128xf32, #tpu.memory_space<hbm>>) dst(%arg10 : memref<64x128xf32, #tpu.memory_space<vmem>>)
      %run_scoped3A = arith.constant 0 : i32
      "tpu.region"() ({
        %run_scoped3A_344 = tpu.sem_alloc : memref<!tpu.dma_semaphore, #tpu.memory_space<semaphore_mem>>
        %dma_start3A_345 = arith.constant 0 : i32
        %dma_start3A_346 = tpu.memref_slice %arg7[%run_scoped3A, %dma_start3A_345] : memref<8x64xi32, #tpu.memory_space<vmem>> -> memref<1x64xi32, #tpu.memory_space<vmem>>
        %dma_start3A_347 = tpu.memref_squeeze %dma_start3A_346 : memref<1x64xi32, #tpu.memory_space<vmem>> -> memref<64xi32, #tpu.memory_space<vmem>>
        %dma_start3A_348 = arith.constant 0 : i32
        %dma_start3A_349 = arith.constant 0 : i32
        %dma_start3A_350 = tpu.memref_slice %arg14[%dma_start3A_348, %dma_start3A_349] : memref<10240x128xf32, #tpu.memory_space<vmem_shared>> -> memref<10240x128xf32, #tpu.memory_space<vmem_shared>>
        tpu.enqueue_indirect_dma source(%arg10 : memref<64x128xf32, #tpu.memory_space<vmem>>) target(%dma_start3A_350 : memref<10240x128xf32, #tpu.memory_space<vmem_shared>>) offsets(%dma_start3A_347 : memref<64xi32, #tpu.memory_space<vmem>>) semaphore(%run_scoped3A_344 : memref<!tpu.dma_semaphore, #tpu.memory_space<semaphore_mem>>) {add = true}
        %dma_wait3A_351 = arith.constant 0 : i32
        %dma_wait3A_352 = tpu.memref_slice %arg7[%run_scoped3A, %dma_wait3A_351] : memref<8x64xi32, #tpu.memory_space<vmem>> -> memref<1x64xi32, #tpu.memory_space<vmem>>
        %dma_wait3A_353 = tpu.memref_squeeze %dma_wait3A_352 : memref<1x64xi32, #tpu.memory_space<vmem>> -> memref<64xi32, #tpu.memory_space<vmem>>
        %dma_wait3A_354 = arith.constant 0 : i32
        %dma_wait3A_355 = arith.constant 0 : i32
        %dma_wait3A_356 = tpu.memref_slice %arg14[%dma_wait3A_354, %dma_wait3A_355] : memref<10240x128xf32, #tpu.memory_space<vmem_shared>> -> memref<10240x128xf32, #tpu.memory_space<vmem_shared>>
        tpu.wait_indirect_dma semaphore(%run_scoped3A_344 : memref<!tpu.dma_semaphore, #tpu.memory_space<semaphore_mem>>) src(%arg10 : memref<64x128xf32, #tpu.memory_space<vmem>>) dst(%dma_wait3A_356 : memref<10240x128xf32, #tpu.memory_space<vmem_shared>>)
        tpu.yield
      }) : () -> ()
      %dma_start3A_123 = arith.constant 4 : i32
      %dma_start3A_124 = arith.constant 0 : i32
      %dma_start3A_125 = tpu.memref_slice %arg6[%dma_start3A_123, %dma_start3A_124] : memref<8x64xi32, #tpu.memory_space<vmem>> -> memref<1x64xi32, #tpu.memory_space<vmem>>
      %dma_start3A_126 = tpu.memref_squeeze %dma_start3A_125 : memref<1x64xi32, #tpu.memory_space<vmem>> -> memref<64xi32, #tpu.memory_space<vmem>>
      %dma_start3A_127 = arith.constant 0 : i32
      %dma_start3A_128 = arith.constant 0 : i32
      %dma_start3A_129 = tpu.memref_slice %arg2[%dma_start3A_127, %dma_start3A_128] : memref<10000x128xf32, #tpu.memory_space<hbm>> -> memref<10000x128xf32, #tpu.memory_space<hbm>>
      tpu.enqueue_indirect_dma source(%dma_start3A_129 : memref<10000x128xf32, #tpu.memory_space<hbm>>) target(%arg10 : memref<64x128xf32, #tpu.memory_space<vmem>>) offsets(%dma_start3A_126 : memref<64xi32, #tpu.memory_space<vmem>>) semaphore(%arg15 : memref<!tpu.dma_semaphore, #tpu.memory_space<semaphore_mem>>)
      %dma_wait3A_130 = arith.constant 1 : i32
      %dma_wait3A_131 = arith.constant 0 : i32
      %dma_wait3A_132 = tpu.memref_slice %arg6[%dma_wait3A_130, %dma_wait3A_131] : memref<8x64xi32, #tpu.memory_space<vmem>> -> memref<1x64xi32, #tpu.memory_space<vmem>>
      %dma_wait3A_133 = tpu.memref_squeeze %dma_wait3A_132 : memref<1x64xi32, #tpu.memory_space<vmem>> -> memref<64xi32, #tpu.memory_space<vmem>>
      %dma_wait3A_134 = arith.constant 0 : i32
      %dma_wait3A_135 = arith.constant 0 : i32
      %dma_wait3A_136 = tpu.memref_slice %arg2[%dma_wait3A_134, %dma_wait3A_135] : memref<10000x128xf32, #tpu.memory_space<hbm>> -> memref<10000x128xf32, #tpu.memory_space<hbm>>
      tpu.wait_indirect_dma semaphore(%arg16 : memref<!tpu.dma_semaphore, #tpu.memory_space<semaphore_mem>>) src(%dma_wait3A_136 : memref<10000x128xf32, #tpu.memory_space<hbm>>) dst(%arg11 : memref<64x128xf32, #tpu.memory_space<vmem>>)
      %run_scoped3A_137 = arith.constant 1 : i32
      "tpu.region"() ({
        %run_scoped3A_344 = tpu.sem_alloc : memref<!tpu.dma_semaphore, #tpu.memory_space<semaphore_mem>>
        %dma_start3A_345 = arith.constant 0 : i32
        %dma_start3A_346 = tpu.memref_slice %arg7[%run_scoped3A_137, %dma_start3A_345] : memref<8x64xi32, #tpu.memory_space<vmem>> -> memref<1x64xi32, #tpu.memory_space<vmem>>
        %dma_start3A_347 = tpu.memref_squeeze %dma_start3A_346 : memref<1x64xi32, #tpu.memory_space<vmem>> -> memref<64xi32, #tpu.memory_space<vmem>>
        %dma_start3A_348 = arith.constant 0 : i32
        %dma_start3A_349 = arith.constant 0 : i32
        %dma_start3A_350 = tpu.memref_slice %arg14[%dma_start3A_348, %dma_start3A_349] : memref<10240x128xf32, #tpu.memory_space<vmem_shared>> -> memref<10240x128xf32, #tpu.memory_space<vmem_shared>>
        tpu.enqueue_indirect_dma source(%arg11 : memref<64x128xf32, #tpu.memory_space<vmem>>) target(%dma_start3A_350 : memref<10240x128xf32, #tpu.memory_space<vmem_shared>>) offsets(%dma_start3A_347 : memref<64xi32, #tpu.memory_space<vmem>>) semaphore(%run_scoped3A_344 : memref<!tpu.dma_semaphore, #tpu.memory_space<semaphore_mem>>) {add = true}
        %dma_wait3A_351 = arith.constant 0 : i32
        %dma_wait3A_352 = tpu.memref_slice %arg7[%run_scoped3A_137, %dma_wait3A_351] : memref<8x64xi32, #tpu.memory_space<vmem>> -> memref<1x64xi32, #tpu.memory_space<vmem>>
        %dma_wait3A_353 = tpu.memref_squeeze %dma_wait3A_352 : memref<1x64xi32, #tpu.memory_space<vmem>> -> memref<64xi32, #tpu.memory_space<vmem>>
        %dma_wait3A_354 = arith.constant 0 : i32
        %dma_wait3A_355 = arith.constant 0 : i32
        %dma_wait3A_356 = tpu.memref_slice %arg14[%dma_wait3A_354, %dma_wait3A_355] : memref<10240x128xf32, #tpu.memory_space<vmem_shared>> -> memref<10240x128xf32, #tpu.memory_space<vmem_shared>>
        tpu.wait_indirect_dma semaphore(%run_scoped3A_344 : memref<!tpu.dma_semaphore, #tpu.memory_space<semaphore_mem>>) src(%arg11 : memref<64x128xf32, #tpu.memory_space<vmem>>) dst(%dma_wait3A_356 : memref<10240x128xf32, #tpu.memory_space<vmem_shared>>)
        tpu.yield
      }) : () -> ()
      %dma_start3A_138 = arith.constant 5 : i32
      %dma_start3A_139 = arith.constant 0 : i32
      %dma_start3A_140 = tpu.memref_slice %arg6[%dma_start3A_138, %dma_start3A_139] : memref<8x64xi32, #tpu.memory_space<vmem>> -> memref<1x64xi32, #tpu.memory_space<vmem>>
      %dma_start3A_141 = tpu.memref_squeeze %dma_start3A_140 : memref<1x64xi32, #tpu.memory_space<vmem>> -> memref<64xi32, #tpu.memory_space<vmem>>
      %dma_start3A_142 = arith.constant 0 : i32
      %dma_start3A_143 = arith.constant 0 : i32
      %dma_start3A_144 = tpu.memref_slice %arg2[%dma_start3A_142, %dma_start3A_143] : memref<10000x128xf32, #tpu.memory_space<hbm>> -> memref<10000x128xf32, #tpu.memory_space<hbm>>
      tpu.enqueue_indirect_dma source(%dma_start3A_144 : memref<10000x128xf32, #tpu.memory_space<hbm>>) target(%arg11 : memref<64x128xf32, #tpu.memory_space<vmem>>) offsets(%dma_start3A_141 : memref<64xi32, #tpu.memory_space<vmem>>) semaphore(%arg16 : memref<!tpu.dma_semaphore, #tpu.memory_space<semaphore_mem>>)
      %dma_wait3A_145 = arith.constant 2 : i32
      %dma_wait3A_146 = arith.constant 0 : i32
      %dma_wait3A_147 = tpu.memref_slice %arg6[%dma_wait3A_145, %dma_wait3A_146] : memref<8x64xi32, #tpu.memory_space<vmem>> -> memref<1x64xi32, #tpu.memory_space<vmem>>
      %dma_wait3A_148 = tpu.memref_squeeze %dma_wait3A_147 : memref<1x64xi32, #tpu.memory_space<vmem>> -> memref<64xi32, #tpu.memory_space<vmem>>
      %dma_wait3A_149 = arith.constant 0 : i32
      %dma_wait3A_150 = arith.constant 0 : i32
      %dma_wait3A_151 = tpu.memref_slice %arg2[%dma_wait3A_149, %dma_wait3A_150] : memref<10000x128xf32, #tpu.memory_space<hbm>> -> memref<10000x128xf32, #tpu.memory_space<hbm>>
      tpu.wait_indirect_dma semaphore(%arg17 : memref<!tpu.dma_semaphore, #tpu.memory_space<semaphore_mem>>) src(%dma_wait3A_151 : memref<10000x128xf32, #tpu.memory_space<hbm>>) dst(%arg12 : memref<64x128xf32, #tpu.memory_space<vmem>>)
      %run_scoped3A_152 = arith.constant 2 : i32
      "tpu.region"() ({
        %run_scoped3A_344 = tpu.sem_alloc : memref<!tpu.dma_semaphore, #tpu.memory_space<semaphore_mem>>
        %dma_start3A_345 = arith.constant 0 : i32
        %dma_start3A_346 = tpu.memref_slice %arg7[%run_scoped3A_152, %dma_start3A_345] : memref<8x64xi32, #tpu.memory_space<vmem>> -> memref<1x64xi32, #tpu.memory_space<vmem>>
        %dma_start3A_347 = tpu.memref_squeeze %dma_start3A_346 : memref<1x64xi32, #tpu.memory_space<vmem>> -> memref<64xi32, #tpu.memory_space<vmem>>
        %dma_start3A_348 = arith.constant 0 : i32
        %dma_start3A_349 = arith.constant 0 : i32
        %dma_start3A_350 = tpu.memref_slice %arg14[%dma_start3A_348, %dma_start3A_349] : memref<10240x128xf32, #tpu.memory_space<vmem_shared>> -> memref<10240x128xf32, #tpu.memory_space<vmem_shared>>
        tpu.enqueue_indirect_dma source(%arg12 : memref<64x128xf32, #tpu.memory_space<vmem>>) target(%dma_start3A_350 : memref<10240x128xf32, #tpu.memory_space<vmem_shared>>) offsets(%dma_start3A_347 : memref<64xi32, #tpu.memory_space<vmem>>) semaphore(%run_scoped3A_344 : memref<!tpu.dma_semaphore, #tpu.memory_space<semaphore_mem>>) {add = true}
        %dma_wait3A_351 = arith.constant 0 : i32
        %dma_wait3A_352 = tpu.memref_slice %arg7[%run_scoped3A_152, %dma_wait3A_351] : memref<8x64xi32, #tpu.memory_space<vmem>> -> memref<1x64xi32, #tpu.memory_space<vmem>>
        %dma_wait3A_353 = tpu.memref_squeeze %dma_wait3A_352 : memref<1x64xi32, #tpu.memory_space<vmem>> -> memref<64xi32, #tpu.memory_space<vmem>>
        %dma_wait3A_354 = arith.constant 0 : i32
        %dma_wait3A_355 = arith.constant 0 : i32
        %dma_wait3A_356 = tpu.memref_slice %arg14[%dma_wait3A_354, %dma_wait3A_355] : memref<10240x128xf32, #tpu.memory_space<vmem_shared>> -> memref<10240x128xf32, #tpu.memory_space<vmem_shared>>
        tpu.wait_indirect_dma semaphore(%run_scoped3A_344 : memref<!tpu.dma_semaphore, #tpu.memory_space<semaphore_mem>>) src(%arg12 : memref<64x128xf32, #tpu.memory_space<vmem>>) dst(%dma_wait3A_356 : memref<10240x128xf32, #tpu.memory_space<vmem_shared>>)
        tpu.yield
      }) : () -> ()
      %dma_start3A_153 = arith.constant 6 : i32
      %dma_start3A_154 = arith.constant 0 : i32
      %dma_start3A_155 = tpu.memref_slice %arg6[%dma_start3A_153, %dma_start3A_154] : memref<8x64xi32, #tpu.memory_space<vmem>> -> memref<1x64xi32, #tpu.memory_space<vmem>>
      %dma_start3A_156 = tpu.memref_squeeze %dma_start3A_155 : memref<1x64xi32, #tpu.memory_space<vmem>> -> memref<64xi32, #tpu.memory_space<vmem>>
      %dma_start3A_157 = arith.constant 0 : i32
      %dma_start3A_158 = arith.constant 0 : i32
      %dma_start3A_159 = tpu.memref_slice %arg2[%dma_start3A_157, %dma_start3A_158] : memref<10000x128xf32, #tpu.memory_space<hbm>> -> memref<10000x128xf32, #tpu.memory_space<hbm>>
      tpu.enqueue_indirect_dma source(%dma_start3A_159 : memref<10000x128xf32, #tpu.memory_space<hbm>>) target(%arg12 : memref<64x128xf32, #tpu.memory_space<vmem>>) offsets(%dma_start3A_156 : memref<64xi32, #tpu.memory_space<vmem>>) semaphore(%arg17 : memref<!tpu.dma_semaphore, #tpu.memory_space<semaphore_mem>>)
      %dma_wait3A_160 = arith.constant 3 : i32
      %dma_wait3A_161 = arith.constant 0 : i32
      %dma_wait3A_162 = tpu.memref_slice %arg6[%dma_wait3A_160, %dma_wait3A_161] : memref<8x64xi32, #tpu.memory_space<vmem>> -> memref<1x64xi32, #tpu.memory_space<vmem>>
      %dma_wait3A_163 = tpu.memref_squeeze %dma_wait3A_162 : memref<1x64xi32, #tpu.memory_space<vmem>> -> memref<64xi32, #tpu.memory_space<vmem>>
      %dma_wait3A_164 = arith.constant 0 : i32
      %dma_wait3A_165 = arith.constant 0 : i32
      %dma_wait3A_166 = tpu.memref_slice %arg2[%dma_wait3A_164, %dma_wait3A_165] : memref<10000x128xf32, #tpu.memory_space<hbm>> -> memref<10000x128xf32, #tpu.memory_space<hbm>>
      tpu.wait_indirect_dma semaphore(%arg18 : memref<!tpu.dma_semaphore, #tpu.memory_space<semaphore_mem>>) src(%dma_wait3A_166 : memref<10000x128xf32, #tpu.memory_space<hbm>>) dst(%arg13 : memref<64x128xf32, #tpu.memory_space<vmem>>)
      %run_scoped3A_167 = arith.constant 3 : i32
      "tpu.region"() ({
        %run_scoped3A_344 = tpu.sem_alloc : memref<!tpu.dma_semaphore, #tpu.memory_space<semaphore_mem>>
        %dma_start3A_345 = arith.constant 0 : i32
        %dma_start3A_346 = tpu.memref_slice %arg7[%run_scoped3A_167, %dma_start3A_345] : memref<8x64xi32, #tpu.memory_space<vmem>> -> memref<1x64xi32, #tpu.memory_space<vmem>>
        %dma_start3A_347 = tpu.memref_squeeze %dma_start3A_346 : memref<1x64xi32, #tpu.memory_space<vmem>> -> memref<64xi32, #tpu.memory_space<vmem>>
        %dma_start3A_348 = arith.constant 0 : i32
        %dma_start3A_349 = arith.constant 0 : i32
        %dma_start3A_350 = tpu.memref_slice %arg14[%dma_start3A_348, %dma_start3A_349] : memref<10240x128xf32, #tpu.memory_space<vmem_shared>> -> memref<10240x128xf32, #tpu.memory_space<vmem_shared>>
        tpu.enqueue_indirect_dma source(%arg13 : memref<64x128xf32, #tpu.memory_space<vmem>>) target(%dma_start3A_350 : memref<10240x128xf32, #tpu.memory_space<vmem_shared>>) offsets(%dma_start3A_347 : memref<64xi32, #tpu.memory_space<vmem>>) semaphore(%run_scoped3A_344 : memref<!tpu.dma_semaphore, #tpu.memory_space<semaphore_mem>>) {add = true}
        %dma_wait3A_351 = arith.constant 0 : i32
        %dma_wait3A_352 = tpu.memref_slice %arg7[%run_scoped3A_167, %dma_wait3A_351] : memref<8x64xi32, #tpu.memory_space<vmem>> -> memref<1x64xi32, #tpu.memory_space<vmem>>
        %dma_wait3A_353 = tpu.memref_squeeze %dma_wait3A_352 : memref<1x64xi32, #tpu.memory_space<vmem>> -> memref<64xi32, #tpu.memory_space<vmem>>
        %dma_wait3A_354 = arith.constant 0 : i32
        %dma_wait3A_355 = arith.constant 0 : i32
        %dma_wait3A_356 = tpu.memref_slice %arg14[%dma_wait3A_354, %dma_wait3A_355] : memref<10240x128xf32, #tpu.memory_space<vmem_shared>> -> memref<10240x128xf32, #tpu.memory_space<vmem_shared>>
        tpu.wait_indirect_dma semaphore(%run_scoped3A_344 : memref<!tpu.dma_semaphore, #tpu.memory_space<semaphore_mem>>) src(%arg13 : memref<64x128xf32, #tpu.memory_space<vmem>>) dst(%dma_wait3A_356 : memref<10240x128xf32, #tpu.memory_space<vmem_shared>>)
        tpu.yield
      }) : () -> ()
      %dma_start3A_168 = arith.constant 7 : i32
      %dma_start3A_169 = arith.constant 0 : i32
      %dma_start3A_170 = tpu.memref_slice %arg6[%dma_start3A_168, %dma_start3A_169] : memref<8x64xi32, #tpu.memory_space<vmem>> -> memref<1x64xi32, #tpu.memory_space<vmem>>
      %dma_start3A_171 = tpu.memref_squeeze %dma_start3A_170 : memref<1x64xi32, #tpu.memory_space<vmem>> -> memref<64xi32, #tpu.memory_space<vmem>>
      %dma_start3A_172 = arith.constant 0 : i32
      %dma_start3A_173 = arith.constant 0 : i32
      %dma_start3A_174 = tpu.memref_slice %arg2[%dma_start3A_172, %dma_start3A_173] : memref<10000x128xf32, #tpu.memory_space<hbm>> -> memref<10000x128xf32, #tpu.memory_space<hbm>>
      tpu.enqueue_indirect_dma source(%dma_start3A_174 : memref<10000x128xf32, #tpu.memory_space<hbm>>) target(%arg13 : memref<64x128xf32, #tpu.memory_space<vmem>>) offsets(%dma_start3A_171 : memref<64xi32, #tpu.memory_space<vmem>>) semaphore(%arg18 : memref<!tpu.dma_semaphore, #tpu.memory_space<semaphore_mem>>)
      %dma_wait3A_175 = arith.constant 4 : i32
      %dma_wait3A_176 = arith.constant 0 : i32
      %dma_wait3A_177 = tpu.memref_slice %arg6[%dma_wait3A_175, %dma_wait3A_176] : memref<8x64xi32, #tpu.memory_space<vmem>> -> memref<1x64xi32, #tpu.memory_space<vmem>>
      %dma_wait3A_178 = tpu.memref_squeeze %dma_wait3A_177 : memref<1x64xi32, #tpu.memory_space<vmem>> -> memref<64xi32, #tpu.memory_space<vmem>>
      %dma_wait3A_179 = arith.constant 0 : i32
      %dma_wait3A_180 = arith.constant 0 : i32
      %dma_wait3A_181 = tpu.memref_slice %arg2[%dma_wait3A_179, %dma_wait3A_180] : memref<10000x128xf32, #tpu.memory_space<hbm>> -> memref<10000x128xf32, #tpu.memory_space<hbm>>
      tpu.wait_indirect_dma semaphore(%arg15 : memref<!tpu.dma_semaphore, #tpu.memory_space<semaphore_mem>>) src(%dma_wait3A_181 : memref<10000x128xf32, #tpu.memory_space<hbm>>) dst(%arg10 : memref<64x128xf32, #tpu.memory_space<vmem>>)
      %run_scoped3A_182 = arith.constant 4 : i32
      "tpu.region"() ({
        %run_scoped3A_344 = tpu.sem_alloc : memref<!tpu.dma_semaphore, #tpu.memory_space<semaphore_mem>>
        %dma_start3A_345 = arith.constant 0 : i32
        %dma_start3A_346 = tpu.memref_slice %arg7[%run_scoped3A_182, %dma_start3A_345] : memref<8x64xi32, #tpu.memory_space<vmem>> -> memref<1x64xi32, #tpu.memory_space<vmem>>
        %dma_start3A_347 = tpu.memref_squeeze %dma_start3A_346 : memref<1x64xi32, #tpu.memory_space<vmem>> -> memref<64xi32, #tpu.memory_space<vmem>>
        %dma_start3A_348 = arith.constant 0 : i32
        %dma_start3A_349 = arith.constant 0 : i32
        %dma_start3A_350 = tpu.memref_slice %arg14[%dma_start3A_348, %dma_start3A_349] : memref<10240x128xf32, #tpu.memory_space<vmem_shared>> -> memref<10240x128xf32, #tpu.memory_space<vmem_shared>>
        tpu.enqueue_indirect_dma source(%arg10 : memref<64x128xf32, #tpu.memory_space<vmem>>) target(%dma_start3A_350 : memref<10240x128xf32, #tpu.memory_space<vmem_shared>>) offsets(%dma_start3A_347 : memref<64xi32, #tpu.memory_space<vmem>>) semaphore(%run_scoped3A_344 : memref<!tpu.dma_semaphore, #tpu.memory_space<semaphore_mem>>) {add = true}
        %dma_wait3A_351 = arith.constant 0 : i32
        %dma_wait3A_352 = tpu.memref_slice %arg7[%run_scoped3A_182, %dma_wait3A_351] : memref<8x64xi32, #tpu.memory_space<vmem>> -> memref<1x64xi32, #tpu.memory_space<vmem>>
        %dma_wait3A_353 = tpu.memref_squeeze %dma_wait3A_352 : memref<1x64xi32, #tpu.memory_space<vmem>> -> memref<64xi32, #tpu.memory_space<vmem>>
        %dma_wait3A_354 = arith.constant 0 : i32
        %dma_wait3A_355 = arith.constant 0 : i32
        %dma_wait3A_356 = tpu.memref_slice %arg14[%dma_wait3A_354, %dma_wait3A_355] : memref<10240x128xf32, #tpu.memory_space<vmem_shared>> -> memref<10240x128xf32, #tpu.memory_space<vmem_shared>>
        tpu.wait_indirect_dma semaphore(%run_scoped3A_344 : memref<!tpu.dma_semaphore, #tpu.memory_space<semaphore_mem>>) src(%arg10 : memref<64x128xf32, #tpu.memory_space<vmem>>) dst(%dma_wait3A_356 : memref<10240x128xf32, #tpu.memory_space<vmem_shared>>)
        tpu.yield
      }) : () -> ()
      %dma_wait3A_183 = arith.constant 5 : i32
      %dma_wait3A_184 = arith.constant 0 : i32
      %dma_wait3A_185 = tpu.memref_slice %arg6[%dma_wait3A_183, %dma_wait3A_184] : memref<8x64xi32, #tpu.memory_space<vmem>> -> memref<1x64xi32, #tpu.memory_space<vmem>>
      %dma_wait3A_186 = tpu.memref_squeeze %dma_wait3A_185 : memref<1x64xi32, #tpu.memory_space<vmem>> -> memref<64xi32, #tpu.memory_space<vmem>>
      %dma_wait3A_187 = arith.constant 0 : i32
      %dma_wait3A_188 = arith.constant 0 : i32
      %dma_wait3A_189 = tpu.memref_slice %arg2[%dma_wait3A_187, %dma_wait3A_188] : memref<10000x128xf32, #tpu.memory_space<hbm>> -> memref<10000x128xf32, #tpu.memory_space<hbm>>
      tpu.wait_indirect_dma semaphore(%arg16 : memref<!tpu.dma_semaphore, #tpu.memory_space<semaphore_mem>>) src(%dma_wait3A_189 : memref<10000x128xf32, #tpu.memory_space<hbm>>) dst(%arg11 : memref<64x128xf32, #tpu.memory_space<vmem>>)
      %run_scoped3A_190 = arith.constant 5 : i32
      "tpu.region"() ({
        %run_scoped3A_344 = tpu.sem_alloc : memref<!tpu.dma_semaphore, #tpu.memory_space<semaphore_mem>>
        %dma_start3A_345 = arith.constant 0 : i32
        %dma_start3A_346 = tpu.memref_slice %arg7[%run_scoped3A_190, %dma_start3A_345] : memref<8x64xi32, #tpu.memory_space<vmem>> -> memref<1x64xi32, #tpu.memory_space<vmem>>
        %dma_start3A_347 = tpu.memref_squeeze %dma_start3A_346 : memref<1x64xi32, #tpu.memory_space<vmem>> -> memref<64xi32, #tpu.memory_space<vmem>>
        %dma_start3A_348 = arith.constant 0 : i32
        %dma_start3A_349 = arith.constant 0 : i32
        %dma_start3A_350 = tpu.memref_slice %arg14[%dma_start3A_348, %dma_start3A_349] : memref<10240x128xf32, #tpu.memory_space<vmem_shared>> -> memref<10240x128xf32, #tpu.memory_space<vmem_shared>>
        tpu.enqueue_indirect_dma source(%arg11 : memref<64x128xf32, #tpu.memory_space<vmem>>) target(%dma_start3A_350 : memref<10240x128xf32, #tpu.memory_space<vmem_shared>>) offsets(%dma_start3A_347 : memref<64xi32, #tpu.memory_space<vmem>>) semaphore(%run_scoped3A_344 : memref<!tpu.dma_semaphore, #tpu.memory_space<semaphore_mem>>) {add = true}
        %dma_wait3A_351 = arith.constant 0 : i32
        %dma_wait3A_352 = tpu.memref_slice %arg7[%run_scoped3A_190, %dma_wait3A_351] : memref<8x64xi32, #tpu.memory_space<vmem>> -> memref<1x64xi32, #tpu.memory_space<vmem>>
        %dma_wait3A_353 = tpu.memref_squeeze %dma_wait3A_352 : memref<1x64xi32, #tpu.memory_space<vmem>> -> memref<64xi32, #tpu.memory_space<vmem>>
        %dma_wait3A_354 = arith.constant 0 : i32
        %dma_wait3A_355 = arith.constant 0 : i32
        %dma_wait3A_356 = tpu.memref_slice %arg14[%dma_wait3A_354, %dma_wait3A_355] : memref<10240x128xf32, #tpu.memory_space<vmem_shared>> -> memref<10240x128xf32, #tpu.memory_space<vmem_shared>>
        tpu.wait_indirect_dma semaphore(%run_scoped3A_344 : memref<!tpu.dma_semaphore, #tpu.memory_space<semaphore_mem>>) src(%arg11 : memref<64x128xf32, #tpu.memory_space<vmem>>) dst(%dma_wait3A_356 : memref<10240x128xf32, #tpu.memory_space<vmem_shared>>)
        tpu.yield
      }) : () -> ()
      %dma_wait3A_191 = arith.constant 6 : i32
      %dma_wait3A_192 = arith.constant 0 : i32
      %dma_wait3A_193 = tpu.memref_slice %arg6[%dma_wait3A_191, %dma_wait3A_192] : memref<8x64xi32, #tpu.memory_space<vmem>> -> memref<1x64xi32, #tpu.memory_space<vmem>>
      %dma_wait3A_194 = tpu.memref_squeeze %dma_wait3A_193 : memref<1x64xi32, #tpu.memory_space<vmem>> -> memref<64xi32, #tpu.memory_space<vmem>>
      %dma_wait3A_195 = arith.constant 0 : i32
      %dma_wait3A_196 = arith.constant 0 : i32
      %dma_wait3A_197 = tpu.memref_slice %arg2[%dma_wait3A_195, %dma_wait3A_196] : memref<10000x128xf32, #tpu.memory_space<hbm>> -> memref<10000x128xf32, #tpu.memory_space<hbm>>
      tpu.wait_indirect_dma semaphore(%arg17 : memref<!tpu.dma_semaphore, #tpu.memory_space<semaphore_mem>>) src(%dma_wait3A_197 : memref<10000x128xf32, #tpu.memory_space<hbm>>) dst(%arg12 : memref<64x128xf32, #tpu.memory_space<vmem>>)
      %run_scoped3A_198 = arith.constant 6 : i32
      "tpu.region"() ({
        %run_scoped3A_344 = tpu.sem_alloc : memref<!tpu.dma_semaphore, #tpu.memory_space<semaphore_mem>>
        %dma_start3A_345 = arith.constant 0 : i32
        %dma_start3A_346 = tpu.memref_slice %arg7[%run_scoped3A_198, %dma_start3A_345] : memref<8x64xi32, #tpu.memory_space<vmem>> -> memref<1x64xi32, #tpu.memory_space<vmem>>
        %dma_start3A_347 = tpu.memref_squeeze %dma_start3A_346 : memref<1x64xi32, #tpu.memory_space<vmem>> -> memref<64xi32, #tpu.memory_space<vmem>>
        %dma_start3A_348 = arith.constant 0 : i32
        %dma_start3A_349 = arith.constant 0 : i32
        %dma_start3A_350 = tpu.memref_slice %arg14[%dma_start3A_348, %dma_start3A_349] : memref<10240x128xf32, #tpu.memory_space<vmem_shared>> -> memref<10240x128xf32, #tpu.memory_space<vmem_shared>>
        tpu.enqueue_indirect_dma source(%arg12 : memref<64x128xf32, #tpu.memory_space<vmem>>) target(%dma_start3A_350 : memref<10240x128xf32, #tpu.memory_space<vmem_shared>>) offsets(%dma_start3A_347 : memref<64xi32, #tpu.memory_space<vmem>>) semaphore(%run_scoped3A_344 : memref<!tpu.dma_semaphore, #tpu.memory_space<semaphore_mem>>) {add = true}
        %dma_wait3A_351 = arith.constant 0 : i32
        %dma_wait3A_352 = tpu.memref_slice %arg7[%run_scoped3A_198, %dma_wait3A_351] : memref<8x64xi32, #tpu.memory_space<vmem>> -> memref<1x64xi32, #tpu.memory_space<vmem>>
        %dma_wait3A_353 = tpu.memref_squeeze %dma_wait3A_352 : memref<1x64xi32, #tpu.memory_space<vmem>> -> memref<64xi32, #tpu.memory_space<vmem>>
        %dma_wait3A_354 = arith.constant 0 : i32
        %dma_wait3A_355 = arith.constant 0 : i32
        %dma_wait3A_356 = tpu.memref_slice %arg14[%dma_wait3A_354, %dma_wait3A_355] : memref<10240x128xf32, #tpu.memory_space<vmem_shared>> -> memref<10240x128xf32, #tpu.memory_space<vmem_shared>>
        tpu.wait_indirect_dma semaphore(%run_scoped3A_344 : memref<!tpu.dma_semaphore, #tpu.memory_space<semaphore_mem>>) src(%arg12 : memref<64x128xf32, #tpu.memory_space<vmem>>) dst(%dma_wait3A_356 : memref<10240x128xf32, #tpu.memory_space<vmem_shared>>)
        tpu.yield
      }) : () -> ()
      %dma_wait3A_199 = arith.constant 7 : i32
      %dma_wait3A_200 = arith.constant 0 : i32
      %dma_wait3A_201 = tpu.memref_slice %arg6[%dma_wait3A_199, %dma_wait3A_200] : memref<8x64xi32, #tpu.memory_space<vmem>> -> memref<1x64xi32, #tpu.memory_space<vmem>>
      %dma_wait3A_202 = tpu.memref_squeeze %dma_wait3A_201 : memref<1x64xi32, #tpu.memory_space<vmem>> -> memref<64xi32, #tpu.memory_space<vmem>>
      %dma_wait3A_203 = arith.constant 0 : i32
      %dma_wait3A_204 = arith.constant 0 : i32
      %dma_wait3A_205 = tpu.memref_slice %arg2[%dma_wait3A_203, %dma_wait3A_204] : memref<10000x128xf32, #tpu.memory_space<hbm>> -> memref<10000x128xf32, #tpu.memory_space<hbm>>
      tpu.wait_indirect_dma semaphore(%arg18 : memref<!tpu.dma_semaphore, #tpu.memory_space<semaphore_mem>>) src(%dma_wait3A_205 : memref<10000x128xf32, #tpu.memory_space<hbm>>) dst(%arg13 : memref<64x128xf32, #tpu.memory_space<vmem>>)
      %run_scoped3A_206 = arith.constant 7 : i32
      "tpu.region"() ({
        %run_scoped3A_344 = tpu.sem_alloc : memref<!tpu.dma_semaphore, #tpu.memory_space<semaphore_mem>>
        %dma_start3A_345 = arith.constant 0 : i32
        %dma_start3A_346 = tpu.memref_slice %arg7[%run_scoped3A_206, %dma_start3A_345] : memref<8x64xi32, #tpu.memory_space<vmem>> -> memref<1x64xi32, #tpu.memory_space<vmem>>
        %dma_start3A_347 = tpu.memref_squeeze %dma_start3A_346 : memref<1x64xi32, #tpu.memory_space<vmem>> -> memref<64xi32, #tpu.memory_space<vmem>>
        %dma_start3A_348 = arith.constant 0 : i32
        %dma_start3A_349 = arith.constant 0 : i32
        %dma_start3A_350 = tpu.memref_slice %arg14[%dma_start3A_348, %dma_start3A_349] : memref<10240x128xf32, #tpu.memory_space<vmem_shared>> -> memref<10240x128xf32, #tpu.memory_space<vmem_shared>>
        tpu.enqueue_indirect_dma source(%arg13 : memref<64x128xf32, #tpu.memory_space<vmem>>) target(%dma_start3A_350 : memref<10240x128xf32, #tpu.memory_space<vmem_shared>>) offsets(%dma_start3A_347 : memref<64xi32, #tpu.memory_space<vmem>>) semaphore(%run_scoped3A_344 : memref<!tpu.dma_semaphore, #tpu.memory_space<semaphore_mem>>) {add = true}
        %dma_wait3A_351 = arith.constant 0 : i32
        %dma_wait3A_352 = tpu.memref_slice %arg7[%run_scoped3A_206, %dma_wait3A_351] : memref<8x64xi32, #tpu.memory_space<vmem>> -> memref<1x64xi32, #tpu.memory_space<vmem>>
        %dma_wait3A_353 = tpu.memref_squeeze %dma_wait3A_352 : memref<1x64xi32, #tpu.memory_space<vmem>> -> memref<64xi32, #tpu.memory_space<vmem>>
        %dma_wait3A_354 = arith.constant 0 : i32
        %dma_wait3A_355 = arith.constant 0 : i32
        %dma_wait3A_356 = tpu.memref_slice %arg14[%dma_wait3A_354, %dma_wait3A_355] : memref<10240x128xf32, #tpu.memory_space<vmem_shared>> -> memref<10240x128xf32, #tpu.memory_space<vmem_shared>>
        tpu.wait_indirect_dma semaphore(%run_scoped3A_344 : memref<!tpu.dma_semaphore, #tpu.memory_space<semaphore_mem>>) src(%arg13 : memref<64x128xf32, #tpu.memory_space<vmem>>) dst(%dma_wait3A_356 : memref<10240x128xf32, #tpu.memory_space<vmem_shared>>)
        tpu.yield
      }) : () -> ()
      %add3A_207 = arith.constant 2 : i32
      %add3A_208 = arith.addi %mul3A_80, %add3A_207 : i32
      %lt3A = arith.cmpi slt, %add3A_208, %select_n3A_8 : i32
      %convert_element_type3A = arith.extui %lt3A : i1 to i32
      %cond3A = arith.constant 0 : i32
      %cond3A_209 = arith.cmpi ne, %convert_element_type3A, %cond3A : i32
      scf.if %cond3A_209 {
        %add3A_344 = arith.constant 2 : i32
        %add3A_345 = arith.addi %mul3A_80, %add3A_344 : i32
        %mul3A_346 = arith.constant 8 : i32
        %mul3A_347 = arith.muli %add3A_345, %mul3A_346 : i32
        %add3A_348 = arith.addi %multiple_of3A, %mul3A_347 : i32
        %multiple_of3A_349 = tpu.assume_multiple %add3A_348, 8 : i32
        %dma_start3A_350 = arith.constant 0 : i32
        %dma_start3A_351 = tpu.memref_slice %arg3[%multiple_of3A_349, %dma_start3A_350] : memref<5120x64xi32, #tpu.memory_space<hbm>> -> memref<8x64xi32, #tpu.memory_space<hbm>>
        %dma_start3A_352 = arith.constant 0 : i32
        %dma_start3A_353 = tpu.memref_slice %arg3[%multiple_of3A_349, %dma_start3A_352] : memref<5120x64xi32, #tpu.memory_space<hbm>> -> memref<8x64xi32, #tpu.memory_space<hbm>>
        tpu.enqueue_dma source(%dma_start3A_353 : memref<8x64xi32, #tpu.memory_space<hbm>>) target(%arg6 : memref<8x64xi32, #tpu.memory_space<vmem>>) target_semaphore(%arg19 : memref<!tpu.dma_semaphore, #tpu.memory_space<semaphore_mem>>)
        %dma_start3A_354 = arith.constant 0 : i32
        %dma_start3A_355 = tpu.memref_slice %arg4[%multiple_of3A_349, %dma_start3A_354] : memref<5120x64xi32, #tpu.memory_space<hbm>> -> memref<8x64xi32, #tpu.memory_space<hbm>>
        %dma_start3A_356 = arith.constant 0 : i32
        %dma_start3A_357 = tpu.memref_slice %arg4[%multiple_of3A_349, %dma_start3A_356] : memref<5120x64xi32, #tpu.memory_space<hbm>> -> memref<8x64xi32, #tpu.memory_space<hbm>>
        tpu.enqueue_dma source(%dma_start3A_357 : memref<8x64xi32, #tpu.memory_space<hbm>>) target(%arg7 : memref<8x64xi32, #tpu.memory_space<vmem>>) target_semaphore(%arg19 : memref<!tpu.dma_semaphore, #tpu.memory_space<semaphore_mem>>)
      } else {
      }
      %dma_wait3A_210 = arith.constant 0 : i32
      %dma_wait3A_211 = tpu.memref_slice %arg3[%multiple_of3A, %dma_wait3A_210] : memref<5120x64xi32, #tpu.memory_space<hbm>> -> memref<8x64xi32, #tpu.memory_space<hbm>>
      %dma_wait3A_212 = arith.constant 0 : i32
      %dma_wait3A_213 = tpu.memref_slice %arg3[%multiple_of3A, %dma_wait3A_212] : memref<5120x64xi32, #tpu.memory_space<hbm>> -> memref<8x64xi32, #tpu.memory_space<hbm>>
      tpu.wait_dma2 semaphore(%arg20 : memref<!tpu.dma_semaphore, #tpu.memory_space<semaphore_mem>>) src(%dma_wait3A_213 : memref<8x64xi32, #tpu.memory_space<hbm>>) dst(%arg8 : memref<8x64xi32, #tpu.memory_space<vmem>>)
      %dma_wait3A_214 = arith.constant 0 : i32
      %dma_wait3A_215 = tpu.memref_slice %arg4[%multiple_of3A, %dma_wait3A_214] : memref<5120x64xi32, #tpu.memory_space<hbm>> -> memref<8x64xi32, #tpu.memory_space<hbm>>
      %dma_wait3A_216 = arith.constant 0 : i32
      %dma_wait3A_217 = tpu.memref_slice %arg4[%multiple_of3A, %dma_wait3A_216] : memref<5120x64xi32, #tpu.memory_space<hbm>> -> memref<8x64xi32, #tpu.memory_space<hbm>>
      tpu.wait_dma2 semaphore(%arg20 : memref<!tpu.dma_semaphore, #tpu.memory_space<semaphore_mem>>) src(%dma_wait3A_217 : memref<8x64xi32, #tpu.memory_space<hbm>>) dst(%arg9 : memref<8x64xi32, #tpu.memory_space<vmem>>)
      %dma_start3A_218 = arith.constant 0 : i32
      %dma_start3A_219 = arith.constant 0 : i32
      %dma_start3A_220 = tpu.memref_slice %arg8[%dma_start3A_218, %dma_start3A_219] : memref<8x64xi32, #tpu.memory_space<vmem>> -> memref<1x64xi32, #tpu.memory_space<vmem>>
      %dma_start3A_221 = tpu.memref_squeeze %dma_start3A_220 : memref<1x64xi32, #tpu.memory_space<vmem>> -> memref<64xi32, #tpu.memory_space<vmem>>
      %dma_start3A_222 = arith.constant 0 : i32
      %dma_start3A_223 = arith.constant 0 : i32
      %dma_start3A_224 = tpu.memref_slice %arg2[%dma_start3A_222, %dma_start3A_223] : memref<10000x128xf32, #tpu.memory_space<hbm>> -> memref<10000x128xf32, #tpu.memory_space<hbm>>
      tpu.enqueue_indirect_dma source(%dma_start3A_224 : memref<10000x128xf32, #tpu.memory_space<hbm>>) target(%arg10 : memref<64x128xf32, #tpu.memory_space<vmem>>) offsets(%dma_start3A_221 : memref<64xi32, #tpu.memory_space<vmem>>) semaphore(%arg15 : memref<!tpu.dma_semaphore, #tpu.memory_space<semaphore_mem>>)
      %dma_start3A_225 = arith.constant 1 : i32
      %dma_start3A_226 = arith.constant 0 : i32
      %dma_start3A_227 = tpu.memref_slice %arg8[%dma_start3A_225, %dma_start3A_226] : memref<8x64xi32, #tpu.memory_space<vmem>> -> memref<1x64xi32, #tpu.memory_space<vmem>>
      %dma_start3A_228 = tpu.memref_squeeze %dma_start3A_227 : memref<1x64xi32, #tpu.memory_space<vmem>> -> memref<64xi32, #tpu.memory_space<vmem>>
      %dma_start3A_229 = arith.constant 0 : i32
      %dma_start3A_230 = arith.constant 0 : i32
      %dma_start3A_231 = tpu.memref_slice %arg2[%dma_start3A_229, %dma_start3A_230] : memref<10000x128xf32, #tpu.memory_space<hbm>> -> memref<10000x128xf32, #tpu.memory_space<hbm>>
      tpu.enqueue_indirect_dma source(%dma_start3A_231 : memref<10000x128xf32, #tpu.memory_space<hbm>>) target(%arg11 : memref<64x128xf32, #tpu.memory_space<vmem>>) offsets(%dma_start3A_228 : memref<64xi32, #tpu.memory_space<vmem>>) semaphore(%arg16 : memref<!tpu.dma_semaphore, #tpu.memory_space<semaphore_mem>>)
      %dma_start3A_232 = arith.constant 2 : i32
      %dma_start3A_233 = arith.constant 0 : i32
      %dma_start3A_234 = tpu.memref_slice %arg8[%dma_start3A_232, %dma_start3A_233] : memref<8x64xi32, #tpu.memory_space<vmem>> -> memref<1x64xi32, #tpu.memory_space<vmem>>
      %dma_start3A_235 = tpu.memref_squeeze %dma_start3A_234 : memref<1x64xi32, #tpu.memory_space<vmem>> -> memref<64xi32, #tpu.memory_space<vmem>>
      %dma_start3A_236 = arith.constant 0 : i32
      %dma_start3A_237 = arith.constant 0 : i32
      %dma_start3A_238 = tpu.memref_slice %arg2[%dma_start3A_236, %dma_start3A_237] : memref<10000x128xf32, #tpu.memory_space<hbm>> -> memref<10000x128xf32, #tpu.memory_space<hbm>>
      tpu.enqueue_indirect_dma source(%dma_start3A_238 : memref<10000x128xf32, #tpu.memory_space<hbm>>) target(%arg12 : memref<64x128xf32, #tpu.memory_space<vmem>>) offsets(%dma_start3A_235 : memref<64xi32, #tpu.memory_space<vmem>>) semaphore(%arg17 : memref<!tpu.dma_semaphore, #tpu.memory_space<semaphore_mem>>)
      %dma_start3A_239 = arith.constant 3 : i32
      %dma_start3A_240 = arith.constant 0 : i32
      %dma_start3A_241 = tpu.memref_slice %arg8[%dma_start3A_239, %dma_start3A_240] : memref<8x64xi32, #tpu.memory_space<vmem>> -> memref<1x64xi32, #tpu.memory_space<vmem>>
      %dma_start3A_242 = tpu.memref_squeeze %dma_start3A_241 : memref<1x64xi32, #tpu.memory_space<vmem>> -> memref<64xi32, #tpu.memory_space<vmem>>
      %dma_start3A_243 = arith.constant 0 : i32
      %dma_start3A_244 = arith.constant 0 : i32
      %dma_start3A_245 = tpu.memref_slice %arg2[%dma_start3A_243, %dma_start3A_244] : memref<10000x128xf32, #tpu.memory_space<hbm>> -> memref<10000x128xf32, #tpu.memory_space<hbm>>
      tpu.enqueue_indirect_dma source(%dma_start3A_245 : memref<10000x128xf32, #tpu.memory_space<hbm>>) target(%arg13 : memref<64x128xf32, #tpu.memory_space<vmem>>) offsets(%dma_start3A_242 : memref<64xi32, #tpu.memory_space<vmem>>) semaphore(%arg18 : memref<!tpu.dma_semaphore, #tpu.memory_space<semaphore_mem>>)
      %dma_wait3A_246 = arith.constant 0 : i32
      %dma_wait3A_247 = arith.constant 0 : i32
      %dma_wait3A_248 = tpu.memref_slice %arg8[%dma_wait3A_246, %dma_wait3A_247] : memref<8x64xi32, #tpu.memory_space<vmem>> -> memref<1x64xi32, #tpu.memory_space<vmem>>
      %dma_wait3A_249 = tpu.memref_squeeze %dma_wait3A_248 : memref<1x64xi32, #tpu.memory_space<vmem>> -> memref<64xi32, #tpu.memory_space<vmem>>
      %dma_wait3A_250 = arith.constant 0 : i32
      %dma_wait3A_251 = arith.constant 0 : i32
      %dma_wait3A_252 = tpu.memref_slice %arg2[%dma_wait3A_250, %dma_wait3A_251] : memref<10000x128xf32, #tpu.memory_space<hbm>> -> memref<10000x128xf32, #tpu.memory_space<hbm>>
      tpu.wait_indirect_dma semaphore(%arg15 : memref<!tpu.dma_semaphore, #tpu.memory_space<semaphore_mem>>) src(%dma_wait3A_252 : memref<10000x128xf32, #tpu.memory_space<hbm>>) dst(%arg10 : memref<64x128xf32, #tpu.memory_space<vmem>>)
      %run_scoped3A_253 = arith.constant 0 : i32
      "tpu.region"() ({
        %run_scoped3A_344 = tpu.sem_alloc : memref<!tpu.dma_semaphore, #tpu.memory_space<semaphore_mem>>
        %dma_start3A_345 = arith.constant 0 : i32
        %dma_start3A_346 = tpu.memref_slice %arg9[%run_scoped3A_253, %dma_start3A_345] : memref<8x64xi32, #tpu.memory_space<vmem>> -> memref<1x64xi32, #tpu.memory_space<vmem>>
        %dma_start3A_347 = tpu.memref_squeeze %dma_start3A_346 : memref<1x64xi32, #tpu.memory_space<vmem>> -> memref<64xi32, #tpu.memory_space<vmem>>
        %dma_start3A_348 = arith.constant 0 : i32
        %dma_start3A_349 = arith.constant 0 : i32
        %dma_start3A_350 = tpu.memref_slice %arg14[%dma_start3A_348, %dma_start3A_349] : memref<10240x128xf32, #tpu.memory_space<vmem_shared>> -> memref<10240x128xf32, #tpu.memory_space<vmem_shared>>
        tpu.enqueue_indirect_dma source(%arg10 : memref<64x128xf32, #tpu.memory_space<vmem>>) target(%dma_start3A_350 : memref<10240x128xf32, #tpu.memory_space<vmem_shared>>) offsets(%dma_start3A_347 : memref<64xi32, #tpu.memory_space<vmem>>) semaphore(%run_scoped3A_344 : memref<!tpu.dma_semaphore, #tpu.memory_space<semaphore_mem>>) {add = true}
        %dma_wait3A_351 = arith.constant 0 : i32
        %dma_wait3A_352 = tpu.memref_slice %arg9[%run_scoped3A_253, %dma_wait3A_351] : memref<8x64xi32, #tpu.memory_space<vmem>> -> memref<1x64xi32, #tpu.memory_space<vmem>>
        %dma_wait3A_353 = tpu.memref_squeeze %dma_wait3A_352 : memref<1x64xi32, #tpu.memory_space<vmem>> -> memref<64xi32, #tpu.memory_space<vmem>>
        %dma_wait3A_354 = arith.constant 0 : i32
        %dma_wait3A_355 = arith.constant 0 : i32
        %dma_wait3A_356 = tpu.memref_slice %arg14[%dma_wait3A_354, %dma_wait3A_355] : memref<10240x128xf32, #tpu.memory_space<vmem_shared>> -> memref<10240x128xf32, #tpu.memory_space<vmem_shared>>
        tpu.wait_indirect_dma semaphore(%run_scoped3A_344 : memref<!tpu.dma_semaphore, #tpu.memory_space<semaphore_mem>>) src(%arg10 : memref<64x128xf32, #tpu.memory_space<vmem>>) dst(%dma_wait3A_356 : memref<10240x128xf32, #tpu.memory_space<vmem_shared>>)
        tpu.yield
      }) : () -> ()
      %dma_start3A_254 = arith.constant 4 : i32
      %dma_start3A_255 = arith.constant 0 : i32
      %dma_start3A_256 = tpu.memref_slice %arg8[%dma_start3A_254, %dma_start3A_255] : memref<8x64xi32, #tpu.memory_space<vmem>> -> memref<1x64xi32, #tpu.memory_space<vmem>>
      %dma_start3A_257 = tpu.memref_squeeze %dma_start3A_256 : memref<1x64xi32, #tpu.memory_space<vmem>> -> memref<64xi32, #tpu.memory_space<vmem>>
      %dma_start3A_258 = arith.constant 0 : i32
      %dma_start3A_259 = arith.constant 0 : i32
      %dma_start3A_260 = tpu.memref_slice %arg2[%dma_start3A_258, %dma_start3A_259] : memref<10000x128xf32, #tpu.memory_space<hbm>> -> memref<10000x128xf32, #tpu.memory_space<hbm>>
      tpu.enqueue_indirect_dma source(%dma_start3A_260 : memref<10000x128xf32, #tpu.memory_space<hbm>>) target(%arg10 : memref<64x128xf32, #tpu.memory_space<vmem>>) offsets(%dma_start3A_257 : memref<64xi32, #tpu.memory_space<vmem>>) semaphore(%arg15 : memref<!tpu.dma_semaphore, #tpu.memory_space<semaphore_mem>>)
      %dma_wait3A_261 = arith.constant 1 : i32
      %dma_wait3A_262 = arith.constant 0 : i32
      %dma_wait3A_263 = tpu.memref_slice %arg8[%dma_wait3A_261, %dma_wait3A_262] : memref<8x64xi32, #tpu.memory_space<vmem>> -> memref<1x64xi32, #tpu.memory_space<vmem>>
      %dma_wait3A_264 = tpu.memref_squeeze %dma_wait3A_263 : memref<1x64xi32, #tpu.memory_space<vmem>> -> memref<64xi32, #tpu.memory_space<vmem>>
      %dma_wait3A_265 = arith.constant 0 : i32
      %dma_wait3A_266 = arith.constant 0 : i32
      %dma_wait3A_267 = tpu.memref_slice %arg2[%dma_wait3A_265, %dma_wait3A_266] : memref<10000x128xf32, #tpu.memory_space<hbm>> -> memref<10000x128xf32, #tpu.memory_space<hbm>>
      tpu.wait_indirect_dma semaphore(%arg16 : memref<!tpu.dma_semaphore, #tpu.memory_space<semaphore_mem>>) src(%dma_wait3A_267 : memref<10000x128xf32, #tpu.memory_space<hbm>>) dst(%arg11 : memref<64x128xf32, #tpu.memory_space<vmem>>)
      %run_scoped3A_268 = arith.constant 1 : i32
      "tpu.region"() ({
        %run_scoped3A_344 = tpu.sem_alloc : memref<!tpu.dma_semaphore, #tpu.memory_space<semaphore_mem>>
        %dma_start3A_345 = arith.constant 0 : i32
        %dma_start3A_346 = tpu.memref_slice %arg9[%run_scoped3A_268, %dma_start3A_345] : memref<8x64xi32, #tpu.memory_space<vmem>> -> memref<1x64xi32, #tpu.memory_space<vmem>>
        %dma_start3A_347 = tpu.memref_squeeze %dma_start3A_346 : memref<1x64xi32, #tpu.memory_space<vmem>> -> memref<64xi32, #tpu.memory_space<vmem>>
        %dma_start3A_348 = arith.constant 0 : i32
        %dma_start3A_349 = arith.constant 0 : i32
        %dma_start3A_350 = tpu.memref_slice %arg14[%dma_start3A_348, %dma_start3A_349] : memref<10240x128xf32, #tpu.memory_space<vmem_shared>> -> memref<10240x128xf32, #tpu.memory_space<vmem_shared>>
        tpu.enqueue_indirect_dma source(%arg11 : memref<64x128xf32, #tpu.memory_space<vmem>>) target(%dma_start3A_350 : memref<10240x128xf32, #tpu.memory_space<vmem_shared>>) offsets(%dma_start3A_347 : memref<64xi32, #tpu.memory_space<vmem>>) semaphore(%run_scoped3A_344 : memref<!tpu.dma_semaphore, #tpu.memory_space<semaphore_mem>>) {add = true}
        %dma_wait3A_351 = arith.constant 0 : i32
        %dma_wait3A_352 = tpu.memref_slice %arg9[%run_scoped3A_268, %dma_wait3A_351] : memref<8x64xi32, #tpu.memory_space<vmem>> -> memref<1x64xi32, #tpu.memory_space<vmem>>
        %dma_wait3A_353 = tpu.memref_squeeze %dma_wait3A_352 : memref<1x64xi32, #tpu.memory_space<vmem>> -> memref<64xi32, #tpu.memory_space<vmem>>
        %dma_wait3A_354 = arith.constant 0 : i32
        %dma_wait3A_355 = arith.constant 0 : i32
        %dma_wait3A_356 = tpu.memref_slice %arg14[%dma_wait3A_354, %dma_wait3A_355] : memref<10240x128xf32, #tpu.memory_space<vmem_shared>> -> memref<10240x128xf32, #tpu.memory_space<vmem_shared>>
        tpu.wait_indirect_dma semaphore(%run_scoped3A_344 : memref<!tpu.dma_semaphore, #tpu.memory_space<semaphore_mem>>) src(%arg11 : memref<64x128xf32, #tpu.memory_space<vmem>>) dst(%dma_wait3A_356 : memref<10240x128xf32, #tpu.memory_space<vmem_shared>>)
        tpu.yield
      }) : () -> ()
      %dma_start3A_269 = arith.constant 5 : i32
      %dma_start3A_270 = arith.constant 0 : i32
      %dma_start3A_271 = tpu.memref_slice %arg8[%dma_start3A_269, %dma_start3A_270] : memref<8x64xi32, #tpu.memory_space<vmem>> -> memref<1x64xi32, #tpu.memory_space<vmem>>
      %dma_start3A_272 = tpu.memref_squeeze %dma_start3A_271 : memref<1x64xi32, #tpu.memory_space<vmem>> -> memref<64xi32, #tpu.memory_space<vmem>>
      %dma_start3A_273 = arith.constant 0 : i32
      %dma_start3A_274 = arith.constant 0 : i32
      %dma_start3A_275 = tpu.memref_slice %arg2[%dma_start3A_273, %dma_start3A_274] : memref<10000x128xf32, #tpu.memory_space<hbm>> -> memref<10000x128xf32, #tpu.memory_space<hbm>>
      tpu.enqueue_indirect_dma source(%dma_start3A_275 : memref<10000x128xf32, #tpu.memory_space<hbm>>) target(%arg11 : memref<64x128xf32, #tpu.memory_space<vmem>>) offsets(%dma_start3A_272 : memref<64xi32, #tpu.memory_space<vmem>>) semaphore(%arg16 : memref<!tpu.dma_semaphore, #tpu.memory_space<semaphore_mem>>)
      %dma_wait3A_276 = arith.constant 2 : i32
      %dma_wait3A_277 = arith.constant 0 : i32
      %dma_wait3A_278 = tpu.memref_slice %arg8[%dma_wait3A_276, %dma_wait3A_277] : memref<8x64xi32, #tpu.memory_space<vmem>> -> memref<1x64xi32, #tpu.memory_space<vmem>>
      %dma_wait3A_279 = tpu.memref_squeeze %dma_wait3A_278 : memref<1x64xi32, #tpu.memory_space<vmem>> -> memref<64xi32, #tpu.memory_space<vmem>>
      %dma_wait3A_280 = arith.constant 0 : i32
      %dma_wait3A_281 = arith.constant 0 : i32
      %dma_wait3A_282 = tpu.memref_slice %arg2[%dma_wait3A_280, %dma_wait3A_281] : memref<10000x128xf32, #tpu.memory_space<hbm>> -> memref<10000x128xf32, #tpu.memory_space<hbm>>
      tpu.wait_indirect_dma semaphore(%arg17 : memref<!tpu.dma_semaphore, #tpu.memory_space<semaphore_mem>>) src(%dma_wait3A_282 : memref<10000x128xf32, #tpu.memory_space<hbm>>) dst(%arg12 : memref<64x128xf32, #tpu.memory_space<vmem>>)
      %run_scoped3A_283 = arith.constant 2 : i32
      "tpu.region"() ({
        %run_scoped3A_344 = tpu.sem_alloc : memref<!tpu.dma_semaphore, #tpu.memory_space<semaphore_mem>>
        %dma_start3A_345 = arith.constant 0 : i32
        %dma_start3A_346 = tpu.memref_slice %arg9[%run_scoped3A_283, %dma_start3A_345] : memref<8x64xi32, #tpu.memory_space<vmem>> -> memref<1x64xi32, #tpu.memory_space<vmem>>
        %dma_start3A_347 = tpu.memref_squeeze %dma_start3A_346 : memref<1x64xi32, #tpu.memory_space<vmem>> -> memref<64xi32, #tpu.memory_space<vmem>>
        %dma_start3A_348 = arith.constant 0 : i32
        %dma_start3A_349 = arith.constant 0 : i32
        %dma_start3A_350 = tpu.memref_slice %arg14[%dma_start3A_348, %dma_start3A_349] : memref<10240x128xf32, #tpu.memory_space<vmem_shared>> -> memref<10240x128xf32, #tpu.memory_space<vmem_shared>>
        tpu.enqueue_indirect_dma source(%arg12 : memref<64x128xf32, #tpu.memory_space<vmem>>) target(%dma_start3A_350 : memref<10240x128xf32, #tpu.memory_space<vmem_shared>>) offsets(%dma_start3A_347 : memref<64xi32, #tpu.memory_space<vmem>>) semaphore(%run_scoped3A_344 : memref<!tpu.dma_semaphore, #tpu.memory_space<semaphore_mem>>) {add = true}
        %dma_wait3A_351 = arith.constant 0 : i32
        %dma_wait3A_352 = tpu.memref_slice %arg9[%run_scoped3A_283, %dma_wait3A_351] : memref<8x64xi32, #tpu.memory_space<vmem>> -> memref<1x64xi32, #tpu.memory_space<vmem>>
        %dma_wait3A_353 = tpu.memref_squeeze %dma_wait3A_352 : memref<1x64xi32, #tpu.memory_space<vmem>> -> memref<64xi32, #tpu.memory_space<vmem>>
        %dma_wait3A_354 = arith.constant 0 : i32
        %dma_wait3A_355 = arith.constant 0 : i32
        %dma_wait3A_356 = tpu.memref_slice %arg14[%dma_wait3A_354, %dma_wait3A_355] : memref<10240x128xf32, #tpu.memory_space<vmem_shared>> -> memref<10240x128xf32, #tpu.memory_space<vmem_shared>>
        tpu.wait_indirect_dma semaphore(%run_scoped3A_344 : memref<!tpu.dma_semaphore, #tpu.memory_space<semaphore_mem>>) src(%arg12 : memref<64x128xf32, #tpu.memory_space<vmem>>) dst(%dma_wait3A_356 : memref<10240x128xf32, #tpu.memory_space<vmem_shared>>)
        tpu.yield
      }) : () -> ()
      %dma_start3A_284 = arith.constant 6 : i32
      %dma_start3A_285 = arith.constant 0 : i32
      %dma_start3A_286 = tpu.memref_slice %arg8[%dma_start3A_284, %dma_start3A_285] : memref<8x64xi32, #tpu.memory_space<vmem>> -> memref<1x64xi32, #tpu.memory_space<vmem>>
      %dma_start3A_287 = tpu.memref_squeeze %dma_start3A_286 : memref<1x64xi32, #tpu.memory_space<vmem>> -> memref<64xi32, #tpu.memory_space<vmem>>
      %dma_start3A_288 = arith.constant 0 : i32
      %dma_start3A_289 = arith.constant 0 : i32
      %dma_start3A_290 = tpu.memref_slice %arg2[%dma_start3A_288, %dma_start3A_289] : memref<10000x128xf32, #tpu.memory_space<hbm>> -> memref<10000x128xf32, #tpu.memory_space<hbm>>
      tpu.enqueue_indirect_dma source(%dma_start3A_290 : memref<10000x128xf32, #tpu.memory_space<hbm>>) target(%arg12 : memref<64x128xf32, #tpu.memory_space<vmem>>) offsets(%dma_start3A_287 : memref<64xi32, #tpu.memory_space<vmem>>) semaphore(%arg17 : memref<!tpu.dma_semaphore, #tpu.memory_space<semaphore_mem>>)
      %dma_wait3A_291 = arith.constant 3 : i32
      %dma_wait3A_292 = arith.constant 0 : i32
      %dma_wait3A_293 = tpu.memref_slice %arg8[%dma_wait3A_291, %dma_wait3A_292] : memref<8x64xi32, #tpu.memory_space<vmem>> -> memref<1x64xi32, #tpu.memory_space<vmem>>
      %dma_wait3A_294 = tpu.memref_squeeze %dma_wait3A_293 : memref<1x64xi32, #tpu.memory_space<vmem>> -> memref<64xi32, #tpu.memory_space<vmem>>
      %dma_wait3A_295 = arith.constant 0 : i32
      %dma_wait3A_296 = arith.constant 0 : i32
      %dma_wait3A_297 = tpu.memref_slice %arg2[%dma_wait3A_295, %dma_wait3A_296] : memref<10000x128xf32, #tpu.memory_space<hbm>> -> memref<10000x128xf32, #tpu.memory_space<hbm>>
      tpu.wait_indirect_dma semaphore(%arg18 : memref<!tpu.dma_semaphore, #tpu.memory_space<semaphore_mem>>) src(%dma_wait3A_297 : memref<10000x128xf32, #tpu.memory_space<hbm>>) dst(%arg13 : memref<64x128xf32, #tpu.memory_space<vmem>>)
      %run_scoped3A_298 = arith.constant 3 : i32
      "tpu.region"() ({
        %run_scoped3A_344 = tpu.sem_alloc : memref<!tpu.dma_semaphore, #tpu.memory_space<semaphore_mem>>
        %dma_start3A_345 = arith.constant 0 : i32
        %dma_start3A_346 = tpu.memref_slice %arg9[%run_scoped3A_298, %dma_start3A_345] : memref<8x64xi32, #tpu.memory_space<vmem>> -> memref<1x64xi32, #tpu.memory_space<vmem>>
        %dma_start3A_347 = tpu.memref_squeeze %dma_start3A_346 : memref<1x64xi32, #tpu.memory_space<vmem>> -> memref<64xi32, #tpu.memory_space<vmem>>
        %dma_start3A_348 = arith.constant 0 : i32
        %dma_start3A_349 = arith.constant 0 : i32
        %dma_start3A_350 = tpu.memref_slice %arg14[%dma_start3A_348, %dma_start3A_349] : memref<10240x128xf32, #tpu.memory_space<vmem_shared>> -> memref<10240x128xf32, #tpu.memory_space<vmem_shared>>
        tpu.enqueue_indirect_dma source(%arg13 : memref<64x128xf32, #tpu.memory_space<vmem>>) target(%dma_start3A_350 : memref<10240x128xf32, #tpu.memory_space<vmem_shared>>) offsets(%dma_start3A_347 : memref<64xi32, #tpu.memory_space<vmem>>) semaphore(%run_scoped3A_344 : memref<!tpu.dma_semaphore, #tpu.memory_space<semaphore_mem>>) {add = true}
        %dma_wait3A_351 = arith.constant 0 : i32
        %dma_wait3A_352 = tpu.memref_slice %arg9[%run_scoped3A_298, %dma_wait3A_351] : memref<8x64xi32, #tpu.memory_space<vmem>> -> memref<1x64xi32, #tpu.memory_space<vmem>>
        %dma_wait3A_353 = tpu.memref_squeeze %dma_wait3A_352 : memref<1x64xi32, #tpu.memory_space<vmem>> -> memref<64xi32, #tpu.memory_space<vmem>>
        %dma_wait3A_354 = arith.constant 0 : i32
        %dma_wait3A_355 = arith.constant 0 : i32
        %dma_wait3A_356 = tpu.memref_slice %arg14[%dma_wait3A_354, %dma_wait3A_355] : memref<10240x128xf32, #tpu.memory_space<vmem_shared>> -> memref<10240x128xf32, #tpu.memory_space<vmem_shared>>
        tpu.wait_indirect_dma semaphore(%run_scoped3A_344 : memref<!tpu.dma_semaphore, #tpu.memory_space<semaphore_mem>>) src(%arg13 : memref<64x128xf32, #tpu.memory_space<vmem>>) dst(%dma_wait3A_356 : memref<10240x128xf32, #tpu.memory_space<vmem_shared>>)
        tpu.yield
      }) : () -> ()
      %dma_start3A_299 = arith.constant 7 : i32
      %dma_start3A_300 = arith.constant 0 : i32
      %dma_start3A_301 = tpu.memref_slice %arg8[%dma_start3A_299, %dma_start3A_300] : memref<8x64xi32, #tpu.memory_space<vmem>> -> memref<1x64xi32, #tpu.memory_space<vmem>>
      %dma_start3A_302 = tpu.memref_squeeze %dma_start3A_301 : memref<1x64xi32, #tpu.memory_space<vmem>> -> memref<64xi32, #tpu.memory_space<vmem>>
      %dma_start3A_303 = arith.constant 0 : i32
      %dma_start3A_304 = arith.constant 0 : i32
      %dma_start3A_305 = tpu.memref_slice %arg2[%dma_start3A_303, %dma_start3A_304] : memref<10000x128xf32, #tpu.memory_space<hbm>> -> memref<10000x128xf32, #tpu.memory_space<hbm>>
      tpu.enqueue_indirect_dma source(%dma_start3A_305 : memref<10000x128xf32, #tpu.memory_space<hbm>>) target(%arg13 : memref<64x128xf32, #tpu.memory_space<vmem>>) offsets(%dma_start3A_302 : memref<64xi32, #tpu.memory_space<vmem>>) semaphore(%arg18 : memref<!tpu.dma_semaphore, #tpu.memory_space<semaphore_mem>>)
      %dma_wait3A_306 = arith.constant 4 : i32
      %dma_wait3A_307 = arith.constant 0 : i32
      %dma_wait3A_308 = tpu.memref_slice %arg8[%dma_wait3A_306, %dma_wait3A_307] : memref<8x64xi32, #tpu.memory_space<vmem>> -> memref<1x64xi32, #tpu.memory_space<vmem>>
      %dma_wait3A_309 = tpu.memref_squeeze %dma_wait3A_308 : memref<1x64xi32, #tpu.memory_space<vmem>> -> memref<64xi32, #tpu.memory_space<vmem>>
      %dma_wait3A_310 = arith.constant 0 : i32
      %dma_wait3A_311 = arith.constant 0 : i32
      %dma_wait3A_312 = tpu.memref_slice %arg2[%dma_wait3A_310, %dma_wait3A_311] : memref<10000x128xf32, #tpu.memory_space<hbm>> -> memref<10000x128xf32, #tpu.memory_space<hbm>>
      tpu.wait_indirect_dma semaphore(%arg15 : memref<!tpu.dma_semaphore, #tpu.memory_space<semaphore_mem>>) src(%dma_wait3A_312 : memref<10000x128xf32, #tpu.memory_space<hbm>>) dst(%arg10 : memref<64x128xf32, #tpu.memory_space<vmem>>)
      %run_scoped3A_313 = arith.constant 4 : i32
      "tpu.region"() ({
        %run_scoped3A_344 = tpu.sem_alloc : memref<!tpu.dma_semaphore, #tpu.memory_space<semaphore_mem>>
        %dma_start3A_345 = arith.constant 0 : i32
        %dma_start3A_346 = tpu.memref_slice %arg9[%run_scoped3A_313, %dma_start3A_345] : memref<8x64xi32, #tpu.memory_space<vmem>> -> memref<1x64xi32, #tpu.memory_space<vmem>>
        %dma_start3A_347 = tpu.memref_squeeze %dma_start3A_346 : memref<1x64xi32, #tpu.memory_space<vmem>> -> memref<64xi32, #tpu.memory_space<vmem>>
        %dma_start3A_348 = arith.constant 0 : i32
        %dma_start3A_349 = arith.constant 0 : i32
        %dma_start3A_350 = tpu.memref_slice %arg14[%dma_start3A_348, %dma_start3A_349] : memref<10240x128xf32, #tpu.memory_space<vmem_shared>> -> memref<10240x128xf32, #tpu.memory_space<vmem_shared>>
        tpu.enqueue_indirect_dma source(%arg10 : memref<64x128xf32, #tpu.memory_space<vmem>>) target(%dma_start3A_350 : memref<10240x128xf32, #tpu.memory_space<vmem_shared>>) offsets(%dma_start3A_347 : memref<64xi32, #tpu.memory_space<vmem>>) semaphore(%run_scoped3A_344 : memref<!tpu.dma_semaphore, #tpu.memory_space<semaphore_mem>>) {add = true}
        %dma_wait3A_351 = arith.constant 0 : i32
        %dma_wait3A_352 = tpu.memref_slice %arg9[%run_scoped3A_313, %dma_wait3A_351] : memref<8x64xi32, #tpu.memory_space<vmem>> -> memref<1x64xi32, #tpu.memory_space<vmem>>
        %dma_wait3A_353 = tpu.memref_squeeze %dma_wait3A_352 : memref<1x64xi32, #tpu.memory_space<vmem>> -> memref<64xi32, #tpu.memory_space<vmem>>
        %dma_wait3A_354 = arith.constant 0 : i32
        %dma_wait3A_355 = arith.constant 0 : i32
        %dma_wait3A_356 = tpu.memref_slice %arg14[%dma_wait3A_354, %dma_wait3A_355] : memref<10240x128xf32, #tpu.memory_space<vmem_shared>> -> memref<10240x128xf32, #tpu.memory_space<vmem_shared>>
        tpu.wait_indirect_dma semaphore(%run_scoped3A_344 : memref<!tpu.dma_semaphore, #tpu.memory_space<semaphore_mem>>) src(%arg10 : memref<64x128xf32, #tpu.memory_space<vmem>>) dst(%dma_wait3A_356 : memref<10240x128xf32, #tpu.memory_space<vmem_shared>>)
        tpu.yield
      }) : () -> ()
      %dma_wait3A_314 = arith.constant 5 : i32
      %dma_wait3A_315 = arith.constant 0 : i32
      %dma_wait3A_316 = tpu.memref_slice %arg8[%dma_wait3A_314, %dma_wait3A_315] : memref<8x64xi32, #tpu.memory_space<vmem>> -> memref<1x64xi32, #tpu.memory_space<vmem>>
      %dma_wait3A_317 = tpu.memref_squeeze %dma_wait3A_316 : memref<1x64xi32, #tpu.memory_space<vmem>> -> memref<64xi32, #tpu.memory_space<vmem>>
      %dma_wait3A_318 = arith.constant 0 : i32
      %dma_wait3A_319 = arith.constant 0 : i32
      %dma_wait3A_320 = tpu.memref_slice %arg2[%dma_wait3A_318, %dma_wait3A_319] : memref<10000x128xf32, #tpu.memory_space<hbm>> -> memref<10000x128xf32, #tpu.memory_space<hbm>>
      tpu.wait_indirect_dma semaphore(%arg16 : memref<!tpu.dma_semaphore, #tpu.memory_space<semaphore_mem>>) src(%dma_wait3A_320 : memref<10000x128xf32, #tpu.memory_space<hbm>>) dst(%arg11 : memref<64x128xf32, #tpu.memory_space<vmem>>)
      %run_scoped3A_321 = arith.constant 5 : i32
      "tpu.region"() ({
        %run_scoped3A_344 = tpu.sem_alloc : memref<!tpu.dma_semaphore, #tpu.memory_space<semaphore_mem>>
        %dma_start3A_345 = arith.constant 0 : i32
        %dma_start3A_346 = tpu.memref_slice %arg9[%run_scoped3A_321, %dma_start3A_345] : memref<8x64xi32, #tpu.memory_space<vmem>> -> memref<1x64xi32, #tpu.memory_space<vmem>>
        %dma_start3A_347 = tpu.memref_squeeze %dma_start3A_346 : memref<1x64xi32, #tpu.memory_space<vmem>> -> memref<64xi32, #tpu.memory_space<vmem>>
        %dma_start3A_348 = arith.constant 0 : i32
        %dma_start3A_349 = arith.constant 0 : i32
        %dma_start3A_350 = tpu.memref_slice %arg14[%dma_start3A_348, %dma_start3A_349] : memref<10240x128xf32, #tpu.memory_space<vmem_shared>> -> memref<10240x128xf32, #tpu.memory_space<vmem_shared>>
        tpu.enqueue_indirect_dma source(%arg11 : memref<64x128xf32, #tpu.memory_space<vmem>>) target(%dma_start3A_350 : memref<10240x128xf32, #tpu.memory_space<vmem_shared>>) offsets(%dma_start3A_347 : memref<64xi32, #tpu.memory_space<vmem>>) semaphore(%run_scoped3A_344 : memref<!tpu.dma_semaphore, #tpu.memory_space<semaphore_mem>>) {add = true}
        %dma_wait3A_351 = arith.constant 0 : i32
        %dma_wait3A_352 = tpu.memref_slice %arg9[%run_scoped3A_321, %dma_wait3A_351] : memref<8x64xi32, #tpu.memory_space<vmem>> -> memref<1x64xi32, #tpu.memory_space<vmem>>
        %dma_wait3A_353 = tpu.memref_squeeze %dma_wait3A_352 : memref<1x64xi32, #tpu.memory_space<vmem>> -> memref<64xi32, #tpu.memory_space<vmem>>
        %dma_wait3A_354 = arith.constant 0 : i32
        %dma_wait3A_355 = arith.constant 0 : i32
        %dma_wait3A_356 = tpu.memref_slice %arg14[%dma_wait3A_354, %dma_wait3A_355] : memref<10240x128xf32, #tpu.memory_space<vmem_shared>> -> memref<10240x128xf32, #tpu.memory_space<vmem_shared>>
        tpu.wait_indirect_dma semaphore(%run_scoped3A_344 : memref<!tpu.dma_semaphore, #tpu.memory_space<semaphore_mem>>) src(%arg11 : memref<64x128xf32, #tpu.memory_space<vmem>>) dst(%dma_wait3A_356 : memref<10240x128xf32, #tpu.memory_space<vmem_shared>>)
        tpu.yield
      }) : () -> ()
      %dma_wait3A_322 = arith.constant 6 : i32
      %dma_wait3A_323 = arith.constant 0 : i32
      %dma_wait3A_324 = tpu.memref_slice %arg8[%dma_wait3A_322, %dma_wait3A_323] : memref<8x64xi32, #tpu.memory_space<vmem>> -> memref<1x64xi32, #tpu.memory_space<vmem>>
      %dma_wait3A_325 = tpu.memref_squeeze %dma_wait3A_324 : memref<1x64xi32, #tpu.memory_space<vmem>> -> memref<64xi32, #tpu.memory_space<vmem>>
      %dma_wait3A_326 = arith.constant 0 : i32
      %dma_wait3A_327 = arith.constant 0 : i32
      %dma_wait3A_328 = tpu.memref_slice %arg2[%dma_wait3A_326, %dma_wait3A_327] : memref<10000x128xf32, #tpu.memory_space<hbm>> -> memref<10000x128xf32, #tpu.memory_space<hbm>>
      tpu.wait_indirect_dma semaphore(%arg17 : memref<!tpu.dma_semaphore, #tpu.memory_space<semaphore_mem>>) src(%dma_wait3A_328 : memref<10000x128xf32, #tpu.memory_space<hbm>>) dst(%arg12 : memref<64x128xf32, #tpu.memory_space<vmem>>)
      %run_scoped3A_329 = arith.constant 6 : i32
      "tpu.region"() ({
        %run_scoped3A_344 = tpu.sem_alloc : memref<!tpu.dma_semaphore, #tpu.memory_space<semaphore_mem>>
        %dma_start3A_345 = arith.constant 0 : i32
        %dma_start3A_346 = tpu.memref_slice %arg9[%run_scoped3A_329, %dma_start3A_345] : memref<8x64xi32, #tpu.memory_space<vmem>> -> memref<1x64xi32, #tpu.memory_space<vmem>>
        %dma_start3A_347 = tpu.memref_squeeze %dma_start3A_346 : memref<1x64xi32, #tpu.memory_space<vmem>> -> memref<64xi32, #tpu.memory_space<vmem>>
        %dma_start3A_348 = arith.constant 0 : i32
        %dma_start3A_349 = arith.constant 0 : i32
        %dma_start3A_350 = tpu.memref_slice %arg14[%dma_start3A_348, %dma_start3A_349] : memref<10240x128xf32, #tpu.memory_space<vmem_shared>> -> memref<10240x128xf32, #tpu.memory_space<vmem_shared>>
        tpu.enqueue_indirect_dma source(%arg12 : memref<64x128xf32, #tpu.memory_space<vmem>>) target(%dma_start3A_350 : memref<10240x128xf32, #tpu.memory_space<vmem_shared>>) offsets(%dma_start3A_347 : memref<64xi32, #tpu.memory_space<vmem>>) semaphore(%run_scoped3A_344 : memref<!tpu.dma_semaphore, #tpu.memory_space<semaphore_mem>>) {add = true}
        %dma_wait3A_351 = arith.constant 0 : i32
        %dma_wait3A_352 = tpu.memref_slice %arg9[%run_scoped3A_329, %dma_wait3A_351] : memref<8x64xi32, #tpu.memory_space<vmem>> -> memref<1x64xi32, #tpu.memory_space<vmem>>
        %dma_wait3A_353 = tpu.memref_squeeze %dma_wait3A_352 : memref<1x64xi32, #tpu.memory_space<vmem>> -> memref<64xi32, #tpu.memory_space<vmem>>
        %dma_wait3A_354 = arith.constant 0 : i32
        %dma_wait3A_355 = arith.constant 0 : i32
        %dma_wait3A_356 = tpu.memref_slice %arg14[%dma_wait3A_354, %dma_wait3A_355] : memref<10240x128xf32, #tpu.memory_space<vmem_shared>> -> memref<10240x128xf32, #tpu.memory_space<vmem_shared>>
        tpu.wait_indirect_dma semaphore(%run_scoped3A_344 : memref<!tpu.dma_semaphore, #tpu.memory_space<semaphore_mem>>) src(%arg12 : memref<64x128xf32, #tpu.memory_space<vmem>>) dst(%dma_wait3A_356 : memref<10240x128xf32, #tpu.memory_space<vmem_shared>>)
        tpu.yield
      }) : () -> ()
      %dma_wait3A_330 = arith.constant 7 : i32
      %dma_wait3A_331 = arith.constant 0 : i32
      %dma_wait3A_332 = tpu.memref_slice %arg8[%dma_wait3A_330, %dma_wait3A_331] : memref<8x64xi32, #tpu.memory_space<vmem>> -> memref<1x64xi32, #tpu.memory_space<vmem>>
      %dma_wait3A_333 = tpu.memref_squeeze %dma_wait3A_332 : memref<1x64xi32, #tpu.memory_space<vmem>> -> memref<64xi32, #tpu.memory_space<vmem>>
      %dma_wait3A_334 = arith.constant 0 : i32
      %dma_wait3A_335 = arith.constant 0 : i32
      %dma_wait3A_336 = tpu.memref_slice %arg2[%dma_wait3A_334, %dma_wait3A_335] : memref<10000x128xf32, #tpu.memory_space<hbm>> -> memref<10000x128xf32, #tpu.memory_space<hbm>>
      tpu.wait_indirect_dma semaphore(%arg18 : memref<!tpu.dma_semaphore, #tpu.memory_space<semaphore_mem>>) src(%dma_wait3A_336 : memref<10000x128xf32, #tpu.memory_space<hbm>>) dst(%arg13 : memref<64x128xf32, #tpu.memory_space<vmem>>)
      %run_scoped3A_337 = arith.constant 7 : i32
      "tpu.region"() ({
        %run_scoped3A_344 = tpu.sem_alloc : memref<!tpu.dma_semaphore, #tpu.memory_space<semaphore_mem>>
        %dma_start3A_345 = arith.constant 0 : i32
        %dma_start3A_346 = tpu.memref_slice %arg9[%run_scoped3A_337, %dma_start3A_345] : memref<8x64xi32, #tpu.memory_space<vmem>> -> memref<1x64xi32, #tpu.memory_space<vmem>>
        %dma_start3A_347 = tpu.memref_squeeze %dma_start3A_346 : memref<1x64xi32, #tpu.memory_space<vmem>> -> memref<64xi32, #tpu.memory_space<vmem>>
        %dma_start3A_348 = arith.constant 0 : i32
        %dma_start3A_349 = arith.constant 0 : i32
        %dma_start3A_350 = tpu.memref_slice %arg14[%dma_start3A_348, %dma_start3A_349] : memref<10240x128xf32, #tpu.memory_space<vmem_shared>> -> memref<10240x128xf32, #tpu.memory_space<vmem_shared>>
        tpu.enqueue_indirect_dma source(%arg13 : memref<64x128xf32, #tpu.memory_space<vmem>>) target(%dma_start3A_350 : memref<10240x128xf32, #tpu.memory_space<vmem_shared>>) offsets(%dma_start3A_347 : memref<64xi32, #tpu.memory_space<vmem>>) semaphore(%run_scoped3A_344 : memref<!tpu.dma_semaphore, #tpu.memory_space<semaphore_mem>>) {add = true}
        %dma_wait3A_351 = arith.constant 0 : i32
        %dma_wait3A_352 = tpu.memref_slice %arg9[%run_scoped3A_337, %dma_wait3A_351] : memref<8x64xi32, #tpu.memory_space<vmem>> -> memref<1x64xi32, #tpu.memory_space<vmem>>
        %dma_wait3A_353 = tpu.memref_squeeze %dma_wait3A_352 : memref<1x64xi32, #tpu.memory_space<vmem>> -> memref<64xi32, #tpu.memory_space<vmem>>
        %dma_wait3A_354 = arith.constant 0 : i32
        %dma_wait3A_355 = arith.constant 0 : i32
        %dma_wait3A_356 = tpu.memref_slice %arg14[%dma_wait3A_354, %dma_wait3A_355] : memref<10240x128xf32, #tpu.memory_space<vmem_shared>> -> memref<10240x128xf32, #tpu.memory_space<vmem_shared>>
        tpu.wait_indirect_dma semaphore(%run_scoped3A_344 : memref<!tpu.dma_semaphore, #tpu.memory_space<semaphore_mem>>) src(%arg13 : memref<64x128xf32, #tpu.memory_space<vmem>>) dst(%dma_wait3A_356 : memref<10240x128xf32, #tpu.memory_space<vmem_shared>>)
        tpu.yield
      }) : () -> ()
      %add3A_338 = arith.constant 3 : i32
      %add3A_339 = arith.addi %mul3A_80, %add3A_338 : i32
      %lt3A_340 = arith.cmpi slt, %add3A_339, %select_n3A_8 : i32
      %convert_element_type3A_341 = arith.extui %lt3A_340 : i1 to i32
      %cond3A_342 = arith.constant 0 : i32
      %cond3A_343 = arith.cmpi ne, %convert_element_type3A_341, %cond3A_342 : i32
      scf.if %cond3A_343 {
        %add3A_344 = arith.constant 3 : i32
        %add3A_345 = arith.addi %mul3A_80, %add3A_344 : i32
        %mul3A_346 = arith.constant 8 : i32
        %mul3A_347 = arith.muli %add3A_345, %mul3A_346 : i32
        %add3A_348 = arith.addi %multiple_of3A, %mul3A_347 : i32
        %multiple_of3A_349 = tpu.assume_multiple %add3A_348, 8 : i32
        %dma_start3A_350 = arith.constant 0 : i32
        %dma_start3A_351 = tpu.memref_slice %arg3[%multiple_of3A_349, %dma_start3A_350] : memref<5120x64xi32, #tpu.memory_space<hbm>> -> memref<8x64xi32, #tpu.memory_space<hbm>>
        %dma_start3A_352 = arith.constant 0 : i32
        %dma_start3A_353 = tpu.memref_slice %arg3[%multiple_of3A_349, %dma_start3A_352] : memref<5120x64xi32, #tpu.memory_space<hbm>> -> memref<8x64xi32, #tpu.memory_space<hbm>>
        tpu.enqueue_dma source(%dma_start3A_353 : memref<8x64xi32, #tpu.memory_space<hbm>>) target(%arg8 : memref<8x64xi32, #tpu.memory_space<vmem>>) target_semaphore(%arg20 : memref<!tpu.dma_semaphore, #tpu.memory_space<semaphore_mem>>)
        %dma_start3A_354 = arith.constant 0 : i32
        %dma_start3A_355 = tpu.memref_slice %arg4[%multiple_of3A_349, %dma_start3A_354] : memref<5120x64xi32, #tpu.memory_space<hbm>> -> memref<8x64xi32, #tpu.memory_space<hbm>>
        %dma_start3A_356 = arith.constant 0 : i32
        %dma_start3A_357 = tpu.memref_slice %arg4[%multiple_of3A_349, %dma_start3A_356] : memref<5120x64xi32, #tpu.memory_space<hbm>> -> memref<8x64xi32, #tpu.memory_space<hbm>>
        tpu.enqueue_dma source(%dma_start3A_357 : memref<8x64xi32, #tpu.memory_space<hbm>>) target(%arg9 : memref<8x64xi32, #tpu.memory_space<vmem>>) target_semaphore(%arg20 : memref<!tpu.dma_semaphore, #tpu.memory_space<semaphore_mem>>)
      } else {
      }
    }
    %barrier3A_72 = arith.constant 0 : index
    tpu.barrier barrier_id(%barrier3A_72)
    %mul3A_73 = arith.constant 640 : i32
    %mul3A_74 = arith.muli %arg1, %mul3A_73 : i32
    %multiple_of3A_75 = tpu.assume_multiple %mul3A_74, 8 : i32
    "tpu.region"() ({
      %run_scoped3A = tpu.sem_alloc : memref<!tpu.dma_semaphore, #tpu.memory_space<semaphore_mem>>
      %dma_start3A_76 = arith.constant 0 : i32
      %dma_start3A_77 = arith.constant 0 : i32
      %dma_start3A_78 = tpu.memref_slice %arg5[%arg0, %dma_start3A_76, %dma_start3A_77] : memref<2x10240x128xf32, #tpu.memory_space<hbm>> -> memref<1x10240x128xf32, #tpu.memory_space<hbm>>
      %dma_start3A_79 = tpu.memref_squeeze %dma_start3A_78 : memref<1x10240x128xf32, #tpu.memory_space<hbm>> -> memref<10240x128xf32, #tpu.memory_space<hbm>>
      %dma_start3A_80 = arith.constant 0 : i32
      %dma_start3A_81 = tpu.memref_slice %dma_start3A_79[%multiple_of3A_75, %dma_start3A_80] : memref<10240x128xf32, #tpu.memory_space<hbm>> -> memref<640x128xf32, #tpu.memory_space<hbm>>
      %dma_start3A_82 = arith.constant 0 : i32
      %dma_start3A_83 = tpu.memref_slice %arg14[%multiple_of3A_75, %dma_start3A_82] : memref<10240x128xf32, #tpu.memory_space<vmem_shared>> -> memref<640x128xf32, #tpu.memory_space<vmem_shared>>
      tpu.enqueue_dma source(%dma_start3A_83 : memref<640x128xf32, #tpu.memory_space<vmem_shared>>) target(%dma_start3A_81 : memref<640x128xf32, #tpu.memory_space<hbm>>) target_semaphore(%run_scoped3A : memref<!tpu.dma_semaphore, #tpu.memory_space<semaphore_mem>>)
      %dma_wait3A = arith.constant 0 : i32
      %dma_wait3A_84 = arith.constant 0 : i32
      %dma_wait3A_85 = tpu.memref_slice %arg5[%arg0, %dma_wait3A, %dma_wait3A_84] : memref<2x10240x128xf32, #tpu.memory_space<hbm>> -> memref<1x10240x128xf32, #tpu.memory_space<hbm>>
      %dma_wait3A_86 = tpu.memref_squeeze %dma_wait3A_85 : memref<1x10240x128xf32, #tpu.memory_space<hbm>> -> memref<10240x128xf32, #tpu.memory_space<hbm>>
      %dma_wait3A_87 = arith.constant 0 : i32
      %dma_wait3A_88 = tpu.memref_slice %dma_wait3A_86[%multiple_of3A_75, %dma_wait3A_87] : memref<10240x128xf32, #tpu.memory_space<hbm>> -> memref<640x128xf32, #tpu.memory_space<hbm>>
      %dma_wait3A_89 = arith.constant 0 : i32
      %dma_wait3A_90 = tpu.memref_slice %arg14[%multiple_of3A_75, %dma_wait3A_89] : memref<10240x128xf32, #tpu.memory_space<vmem_shared>> -> memref<640x128xf32, #tpu.memory_space<vmem_shared>>
      tpu.wait_dma2 semaphore(%run_scoped3A : memref<!tpu.dma_semaphore, #tpu.memory_space<semaphore_mem>>) src(%dma_wait3A_90 : memref<640x128xf32, #tpu.memory_space<vmem_shared>>) dst(%dma_wait3A_88 : memref<640x128xf32, #tpu.memory_space<hbm>>)
      tpu.yield
    }) : () -> ()
    return
  }
}

module attributes {stable_mosaic.version = 14 : i64} {
  func.func @_tc1_body(%arg0: i32, %arg1: memref<400x2xf32, #tpu.memory_space<vmem>>, %arg2: memref<400x128xf32, #tpu.memory_space<vmem>>, %arg3: memref<128x128xf32, #tpu.memory_space<vmem>>, %arg4: memref<128x128xf32, #tpu.memory_space<vmem>>, %arg5: memref<1x128xf32, #tpu.memory_space<vmem>>, %arg6: memref<1x128xf32, #tpu.memory_space<vmem>>, %arg7: memref<400x128xf32, #tpu.memory_space<vmem>>, %arg8: memref<400x128xf32, #tpu.memory_space<vmem>>) attributes {dimension_semantics = [#tpu.dimension_semantics<arbitrary>], iteration_bounds = array<i64: 25>, scalar_prefetch = 0 : i64, scratch_operands = 0 : i64, tpu.core_type = #tpu.core_type<tc>, window_params = [{transform_indices = @transform_0, window_bounds = array<i64: 400, 2>}, {transform_indices = @transform_1, window_bounds = array<i64: 400, 128>}, {pipeline_mode = #tpu.pipeline_mode<synchronous>, transform_indices = @transform_2, window_bounds = array<i64: 128, 128>}, {pipeline_mode = #tpu.pipeline_mode<synchronous>, transform_indices = @transform_3, window_bounds = array<i64: 128, 128>}, {pipeline_mode = #tpu.pipeline_mode<synchronous>, transform_indices = @transform_4, window_bounds = array<i64: 1, 128>}, {pipeline_mode = #tpu.pipeline_mode<synchronous>, transform_indices = @transform_5, window_bounds = array<i64: 1, 128>}, {transform_indices = @transform_6, window_bounds = array<i64: 400, 128>}, {transform_indices = @transform_7, window_bounds = array<i64: 400, 128>}]} {
    %get3A = arith.constant 0 : index
    %get3A_0 = arith.constant 0 : index
    %get3A_1 = vector.load %arg5[%get3A, %get3A_0] : memref<1x128xf32, #tpu.memory_space<vmem>>, vector<1x128xf32>
    %get3A_2 = arith.constant 0 : index
    %get3A_3 = arith.constant 0 : index
    %get3A_4 = vector.load %arg6[%get3A_2, %get3A_3] : memref<1x128xf32, #tpu.memory_space<vmem>>, vector<1x128xf32>
    %add3A = arith.constant 1.000000e-03 : f32
    %add3A_5 = vector.broadcast %add3A : f32 to vector<1x128xf32>
    %add3A_6 = arith.addf %get3A_4, %add3A_5 : vector<1x128xf32>
    %rsqrt3A = math.rsqrt %add3A_6 : vector<1x128xf32>
    %mul3A = arith.mulf %get3A_1, %rsqrt3A : vector<1x128xf32>
    %get3A_7 = arith.constant 0 : index
    %get3A_8 = arith.constant 0 : index
    %get3A_9 = vector.load %arg3[%get3A_7, %get3A_8] : memref<128x128xf32, #tpu.memory_space<vmem>>, vector<128x128xf32>
    %mul3A_10 = vector.broadcast %mul3A : vector<1x128xf32> to vector<128x128xf32>
    %mul3A_11 = arith.mulf %get3A_9, %mul3A_10 : vector<128x128xf32>
    %get3A_12 = arith.constant 0 : index
    %get3A_13 = arith.constant 0 : index
    %get3A_14 = vector.load %arg4[%get3A_12, %get3A_13] : memref<128x128xf32, #tpu.memory_space<vmem>>, vector<128x128xf32>
    %mul3A_15 = vector.broadcast %mul3A : vector<1x128xf32> to vector<128x128xf32>
    %mul3A_16 = arith.mulf %get3A_14, %mul3A_15 : vector<128x128xf32>
    %get3A_17 = arith.constant 0 : index
    %get3A_18 = arith.constant 0 : index
    %get3A_19 = vector.load %arg1[%get3A_17, %get3A_18] : memref<400x2xf32, #tpu.memory_space<vmem>>, vector<400x1xf32>
    %get3A_20 = arith.constant 0 : index
    %get3A_21 = arith.constant 1 : index
    %get3A_22 = vector.load %arg1[%get3A_20, %get3A_21] : memref<400x2xf32, #tpu.memory_space<vmem>>, vector<400x1xf32>
    %add3A_23 = arith.addf %get3A_19, %get3A_22 : vector<400x1xf32>
    %gt3A = arith.constant 0.000000e+00 : f32
    %gt3A_24 = vector.broadcast %gt3A : f32 to vector<400x1xf32>
    %gt3A_25 = arith.cmpf ogt, %add3A_23, %gt3A_24 : vector<400x1xf32>
    %rsqrt3A_26 = math.rsqrt %add3A_23 : vector<400x1xf32>
    %jit3A = arith.constant 0.000000e+00 : f32
    %broadcast_in_dim3A = vector.broadcast %jit3A : f32 to vector<400x1xf32>
    %select_n3A = arith.select %gt3A_25, %rsqrt3A_26, %broadcast_in_dim3A : vector<400x1xi1>, vector<400x1xf32>
    %get3A_27 = arith.constant 0 : index
    %get3A_28 = arith.constant 0 : index
    %get3A_29 = vector.load %arg2[%get3A_27, %get3A_28] : memref<400x128xf32, #tpu.memory_space<vmem>>, vector<400x128xf32>
    %dot_general3A = arith.constant dense<0.000000e+00> : vector<400x128xf32>
    %dot_general3A_30 = tpu.matmul %get3A_29, %mul3A_11, %dot_general3A {dimension_numbers = #tpu.dot_dimension_numbers<[1], [0], [0], [1], [0, 0, 1, 1], [], []>, precision = #tpu.contract_precision<fp32>, transpose_lhs_hint = false} : vector<400x128xf32>, vector<128x128xf32>, vector<400x128xf32> -> vector<400x128xf32>
    %mul3A_31 = vector.broadcast %select_n3A : vector<400x1xf32> to vector<400x128xf32>
    %mul3A_32 = arith.mulf %dot_general3A_30, %mul3A_31 : vector<400x128xf32>
    %swap3A = arith.constant 0 : index
    %swap3A_33 = arith.constant 0 : index
    %swap3A_34 = vector.load %arg7[%swap3A, %swap3A_33] : memref<400x128xf32, #tpu.memory_space<vmem>>, vector<400x128xf32>
    tpu.vector_store %arg7[%swap3A, %swap3A_33], %mul3A_32 {strides = array<i32>} : memref<400x128xf32, #tpu.memory_space<vmem>>, vector<400x128xf32>,
    %dot_general3A_35 = arith.constant dense<0.000000e+00> : vector<400x128xf32>
    %dot_general3A_36 = tpu.matmul %get3A_29, %mul3A_16, %dot_general3A_35 {dimension_numbers = #tpu.dot_dimension_numbers<[1], [0], [0], [1], [0, 0, 1, 1], [], []>, precision = #tpu.contract_precision<fp32>, transpose_lhs_hint = false} : vector<400x128xf32>, vector<128x128xf32>, vector<400x128xf32> -> vector<400x128xf32>
    %add3A_37 = arith.addf %dot_general3A_30, %dot_general3A_36 : vector<400x128xf32>
    %swap3A_38 = arith.constant 0 : index
    %swap3A_39 = arith.constant 0 : index
    %swap3A_40 = vector.load %arg8[%swap3A_38, %swap3A_39] : memref<400x128xf32, #tpu.memory_space<vmem>>, vector<400x128xf32>
    tpu.vector_store %arg8[%swap3A_38, %swap3A_39], %add3A_37 {strides = array<i32>} : memref<400x128xf32, #tpu.memory_space<vmem>>, vector<400x128xf32>,
    return
  }
  func.func @transform_0(%arg0: i32) -> (i32, i32) {
    %c0_i32 = arith.constant 0 : i32
    %c0_i32_0 = arith.constant 0 : i32
    return %arg0, %c0_i32 : i32, i32
  }
  func.func @transform_1(%arg0: i32) -> (i32, i32) {
    %c0_i32 = arith.constant 0 : i32
    %c0_i32_0 = arith.constant 0 : i32
    return %arg0, %c0_i32 : i32, i32
  }
  func.func @transform_2(%arg0: i32) -> (i32, i32) {
    %c0_i32 = arith.constant 0 : i32
    %c0_i32_0 = arith.constant 0 : i32
    %c0_i32_1 = arith.constant 0 : i32
    return %c0_i32, %c0_i32_0 : i32, i32
  }
  func.func @transform_3(%arg0: i32) -> (i32, i32) {
    %c0_i32 = arith.constant 0 : i32
    %c0_i32_0 = arith.constant 0 : i32
    %c0_i32_1 = arith.constant 0 : i32
    return %c0_i32, %c0_i32_0 : i32, i32
  }
  func.func @transform_4(%arg0: i32) -> (i32, i32) {
    %c0_i32 = arith.constant 0 : i32
    %c0_i32_0 = arith.constant 0 : i32
    %c0_i32_1 = arith.constant 0 : i32
    return %c0_i32, %c0_i32_0 : i32, i32
  }
  func.func @transform_5(%arg0: i32) -> (i32, i32) {
    %c0_i32 = arith.constant 0 : i32
    %c0_i32_0 = arith.constant 0 : i32
    %c0_i32_1 = arith.constant 0 : i32
    return %c0_i32, %c0_i32_0 : i32, i32
  }
  func.func @transform_6(%arg0: i32) -> (i32, i32) {
    %c0_i32 = arith.constant 0 : i32
    %c0_i32_0 = arith.constant 0 : i32
    return %arg0, %c0_i32 : i32, i32
  }
  func.func @transform_7(%arg0: i32) -> (i32, i32) {
    %c0_i32 = arith.constant 0 : i32
    %c0_i32_0 = arith.constant 0 : i32
    return %arg0, %c0_i32 : i32, i32
  }
}

module attributes {stable_mosaic.version = 14 : i64} {
  func.func @_tc2_body(%arg0: i32, %arg1: memref<2x400x128xf32, #tpu.memory_space<vmem>>, %arg2: memref<400x128xf32, #tpu.memory_space<vmem>>, %arg3: memref<400x2xf32, #tpu.memory_space<vmem>>, %arg4: memref<1x128xf32, #tpu.memory_space<vmem>>, %arg5: memref<1x128xf32, #tpu.memory_space<vmem>>, %arg6: memref<1x128xf32, #tpu.memory_space<vmem>>, %arg7: memref<1x128xf32, #tpu.memory_space<vmem>>, %arg8: memref<1x128xf32, #tpu.memory_space<vmem>>, %arg9: memref<400x128xf32, #tpu.memory_space<vmem>>) attributes {dimension_semantics = [#tpu.dimension_semantics<arbitrary>], iteration_bounds = array<i64: 25>, scalar_prefetch = 0 : i64, scratch_operands = 0 : i64, tpu.core_type = #tpu.core_type<tc>, window_params = [{transform_indices = @transform_0, window_bounds = array<i64: 2, 400, 128>}, {transform_indices = @transform_1, window_bounds = array<i64: 400, 128>}, {transform_indices = @transform_2, window_bounds = array<i64: 400, 2>}, {pipeline_mode = #tpu.pipeline_mode<synchronous>, transform_indices = @transform_3, window_bounds = array<i64: 1, 128>}, {pipeline_mode = #tpu.pipeline_mode<synchronous>, transform_indices = @transform_4, window_bounds = array<i64: 1, 128>}, {pipeline_mode = #tpu.pipeline_mode<synchronous>, transform_indices = @transform_5, window_bounds = array<i64: 1, 128>}, {pipeline_mode = #tpu.pipeline_mode<synchronous>, transform_indices = @transform_6, window_bounds = array<i64: 1, 128>}, {pipeline_mode = #tpu.pipeline_mode<synchronous>, transform_indices = @transform_7, window_bounds = array<i64: 1, 128>}, {transform_indices = @transform_8, window_bounds = array<i64: 400, 128>}]} {
    %get3A = arith.constant 0 : index
    %get3A_0 = arith.constant 0 : index
    %get3A_1 = vector.load %arg4[%get3A, %get3A_0] : memref<1x128xf32, #tpu.memory_space<vmem>>, vector<1x128xf32>
    %get3A_2 = arith.constant 0 : index
    %get3A_3 = arith.constant 0 : index
    %get3A_4 = vector.load %arg5[%get3A_2, %get3A_3] : memref<1x128xf32, #tpu.memory_space<vmem>>, vector<1x128xf32>
    %add3A = arith.constant 1.000000e-03 : f32
    %add3A_5 = vector.broadcast %add3A : f32 to vector<1x128xf32>
    %add3A_6 = arith.addf %get3A_4, %add3A_5 : vector<1x128xf32>
    %rsqrt3A = math.rsqrt %add3A_6 : vector<1x128xf32>
    %mul3A = arith.mulf %get3A_1, %rsqrt3A : vector<1x128xf32>
    %get3A_7 = arith.constant 0 : index
    %get3A_8 = arith.constant 0 : index
    %get3A_9 = vector.load %arg6[%get3A_7, %get3A_8] : memref<1x128xf32, #tpu.memory_space<vmem>>, vector<1x128xf32>
    %get3A_10 = arith.constant 0 : index
    %get3A_11 = arith.constant 0 : index
    %get3A_12 = vector.load %arg7[%get3A_10, %get3A_11] : memref<1x128xf32, #tpu.memory_space<vmem>>, vector<1x128xf32>
    %get3A_13 = arith.constant 0 : index
    %get3A_14 = arith.constant 0 : index
    %get3A_15 = vector.load %arg8[%get3A_13, %get3A_14] : memref<1x128xf32, #tpu.memory_space<vmem>>, vector<1x128xf32>
    %sub3A = arith.subf %get3A_12, %get3A_15 : vector<1x128xf32>
    %mul3A_16 = arith.mulf %mul3A, %sub3A : vector<1x128xf32>
    %add3A_17 = arith.addf %get3A_9, %mul3A_16 : vector<1x128xf32>
    %get3A_18 = arith.constant 0 : index
    %get3A_19 = arith.constant 0 : index
    %get3A_20 = vector.load %arg3[%get3A_18, %get3A_19] : memref<400x2xf32, #tpu.memory_space<vmem>>, vector<400x1xf32>
    %get3A_21 = arith.constant 0 : index
    %get3A_22 = arith.constant 1 : index
    %get3A_23 = vector.load %arg3[%get3A_21, %get3A_22] : memref<400x2xf32, #tpu.memory_space<vmem>>, vector<400x1xf32>
    %add3A_24 = arith.addf %get3A_20, %get3A_23 : vector<400x1xf32>
    %gt3A = arith.constant 0.000000e+00 : f32
    %gt3A_25 = vector.broadcast %gt3A : f32 to vector<400x1xf32>
    %gt3A_26 = arith.cmpf ogt, %add3A_24, %gt3A_25 : vector<400x1xf32>
    %rsqrt3A_27 = math.rsqrt %add3A_24 : vector<400x1xf32>
    %jit3A = arith.constant 0.000000e+00 : f32
    %broadcast_in_dim3A = vector.broadcast %jit3A : f32 to vector<400x1xf32>
    %select_n3A = arith.select %gt3A_26, %rsqrt3A_27, %broadcast_in_dim3A : vector<400x1xi1>, vector<400x1xf32>
    %get3A_28 = arith.constant 0 : index
    %get3A_29 = arith.constant 0 : index
    %get3A_30 = arith.constant 0 : index
    %get3A_31 = vector.load %arg1[%get3A_28, %get3A_29, %get3A_30] : memref<2x400x128xf32, #tpu.memory_space<vmem>>, vector<1x400x128xf32>
    %get3A_32 = vector.shape_cast %get3A_31 : vector<1x400x128xf32> to vector<400x128xf32>
    %get3A_33 = arith.constant 1 : index
    %get3A_34 = arith.constant 0 : index
    %get3A_35 = arith.constant 0 : index
    %get3A_36 = vector.load %arg1[%get3A_33, %get3A_34, %get3A_35] : memref<2x400x128xf32, #tpu.memory_space<vmem>>, vector<1x400x128xf32>
    %get3A_37 = vector.shape_cast %get3A_36 : vector<1x400x128xf32> to vector<400x128xf32>
    %add3A_38 = arith.addf %get3A_32, %get3A_37 : vector<400x128xf32>
    %mul3A_39 = vector.broadcast %select_n3A : vector<400x1xf32> to vector<400x128xf32>
    %mul3A_40 = arith.mulf %mul3A_39, %add3A_38 : vector<400x128xf32>
    %get3A_41 = arith.constant 0 : index
    %get3A_42 = arith.constant 0 : index
    %get3A_43 = vector.load %arg2[%get3A_41, %get3A_42] : memref<400x128xf32, #tpu.memory_space<vmem>>, vector<400x128xf32>
    %add3A_44 = arith.addf %mul3A_40, %get3A_43 : vector<400x128xf32>
    %add3A_45 = vector.broadcast %add3A_17 : vector<1x128xf32> to vector<400x128xf32>
    %add3A_46 = arith.addf %add3A_44, %add3A_45 : vector<400x128xf32>
    %swap3A = arith.constant 0 : index
    %swap3A_47 = arith.constant 0 : index
    %swap3A_48 = vector.load %arg9[%swap3A, %swap3A_47] : memref<400x128xf32, #tpu.memory_space<vmem>>, vector<400x128xf32>
    tpu.vector_store %arg9[%swap3A, %swap3A_47], %add3A_46 {strides = array<i32>} : memref<400x128xf32, #tpu.memory_space<vmem>>, vector<400x128xf32>,
    return
  }
  func.func @transform_0(%arg0: i32) -> (i32, i32, i32) {
    %c0_i32 = arith.constant 0 : i32
    %c0_i32_0 = arith.constant 0 : i32
    %c0_i32_1 = arith.constant 0 : i32
    return %c0_i32, %arg0, %c0_i32_0 : i32, i32, i32
  }
  func.func @transform_1(%arg0: i32) -> (i32, i32) {
    %c0_i32 = arith.constant 0 : i32
    %c0_i32_0 = arith.constant 0 : i32
    return %arg0, %c0_i32 : i32, i32
  }
  func.func @transform_2(%arg0: i32) -> (i32, i32) {
    %c0_i32 = arith.constant 0 : i32
    %c0_i32_0 = arith.constant 0 : i32
    return %arg0, %c0_i32 : i32, i32
  }
  func.func @transform_3(%arg0: i32) -> (i32, i32) {
    %c0_i32 = arith.constant 0 : i32
    %c0_i32_0 = arith.constant 0 : i32
    %c0_i32_1 = arith.constant 0 : i32
    return %c0_i32, %c0_i32_0 : i32, i32
  }
  func.func @transform_4(%arg0: i32) -> (i32, i32) {
    %c0_i32 = arith.constant 0 : i32
    %c0_i32_0 = arith.constant 0 : i32
    %c0_i32_1 = arith.constant 0 : i32
    return %c0_i32, %c0_i32_0 : i32, i32
  }
  func.func @transform_5(%arg0: i32) -> (i32, i32) {
    %c0_i32 = arith.constant 0 : i32
    %c0_i32_0 = arith.constant 0 : i32
    %c0_i32_1 = arith.constant 0 : i32
    return %c0_i32, %c0_i32_0 : i32, i32
  }
  func.func @transform_6(%arg0: i32) -> (i32, i32) {
    %c0_i32 = arith.constant 0 : i32
    %c0_i32_0 = arith.constant 0 : i32
    %c0_i32_1 = arith.constant 0 : i32
    return %c0_i32, %c0_i32_0 : i32, i32
  }
  func.func @transform_7(%arg0: i32) -> (i32, i32) {
    %c0_i32 = arith.constant 0 : i32
    %c0_i32_0 = arith.constant 0 : i32
    %c0_i32_1 = arith.constant 0 : i32
    return %c0_i32, %c0_i32_0 : i32, i32
  }
  func.func @transform_8(%arg0: i32) -> (i32, i32) {
    %c0_i32 = arith.constant 0 : i32
    %c0_i32_0 = arith.constant 0 : i32
    return %arg0, %c0_i32 : i32, i32
  }
}

</mosaic_0001>

<sc_bundles>
// kernel: kernel.6.cloned.1.call-start
scs
__scs_entry_jumppad:
0x0: {  	(pc) =	sbr.rel $0x88, $3  }
0x1: {  	(tag) =	ssettag $0x0;
	lr =	simm.s32 $0x1  }
0x2: {  	[smem:$0x3F98] =	sst lr;
	_ =	strace $0xD0000000  }
0x3: {  	_ = 	snop  }
0x4: {  	_ = 	snop  }
0x5: {  	_ = 	snop  }
0x6: {  	_ = 	snop  }
0x7: {  	_ = 	snop  }
__scs_overlays_trampoline_lowered:
0x8: {  	[smem:$0x3FA7] =	sst s0  }
0x9: {  	[smem:$0x3FA8] =	sst s1  }
0xa: {  	[smem:$0x3FA9] =	sst s2  }
0xb: {  	[smem:$0x3FAA] =	sst s3  }
0xc: {  	[smem:$0x3FAB] =	sst s4  }
0xd: {  	[smem:$0x3FAC] =	sst s5  }
0xe: {  	[smem:$0x3FAD] =	sst s6  }
0xf: {  	[smem:$0x3FAE] =	sst s7  }
0x10: {  	[smem:$0x3FAF] =	sst s8  }
0x11: {  	[smem:$0x3FB0] =	sst s9;
	s0 =	simm.s32 @!p0 $0x0  }
0x12: {  	s1 =	sld [smem:$0x3F96];
	s0 =	simm.s32 @p0 $0x1  }
0x13: {  	[smem:$0x3FB1] =	sst s0;
	s0 =	simm.s32 @!p1 $0x0  }
0x14: {  	s2 =	sld [smem:$0x3F95];
	s0 =	simm.s32 @p1 $0x1  }
0x15: {  	[smem:$0x3FB2] =	sst s0;
	s0 =	simm.s32 @!p2 $0x0  }
0x16: {  	s3 =	sld [smem:$0x3FDB];
	s0 =	simm.s32 @p2 $0x1  }
0x17: {  	s4 =	simm.s32 $0x1BF5;
	[smem:$0x3FB4] =	sst s0  }
0x18: {  	s0 =	sld [smem:$0x3F97];
	_ =	swait.ge [sflag:s4], $0x0  }
0x19: {  	s7 =	sld [smem:$0x3F98]  }
0x1a: {  	s8 =	sadd.s32 $0xFFFFE003, lr  }
0x1b: {  	s9 =	sadd.s32 $0xFFFFFEF7, lr;
	s5 =	simm.s32 $0xFFFFFFFF;
	p2 =	slt.u32 s8, $0xFFFFF086  }
0x1c: {  	p1 =	slt.u32 s9, $0xF7A;
	s5 =	simm.s32 @!p2 $0x0  }
0x1d: {  	s5 =	simm.s32 @p1 $0x1;
	p0 =	seq.s32 s7, s2  }
0x1e: {  	s7 =	smul.u32 @!p0 $0xF7A, s2;
	p2 =	seq.s32 @!p0 s5, $0x0  }
0x1f: {  	s9 =	smul.u32 $0xF7A, s1;
	s8 =	simm.s32 @!p0 $0x1BF5;
	p2 =	por !p2, p0  }
0x20: {  	[sflag:s8] =	ssyncset.s32 @!p0 $0xFFFFF086;
	s6 =	sadd.s32 @!p0 s3, s7;
	s7 =	simm.s32 @!p0 $0x108  }
0x21: {  	s3 =	sadd.s32 s3, s9;
	s6 =	sadd.s32 @!p0 $0x88, s6;
	s7 =	simm.s32 @p2 $0x1082  }
0x22: {  	[simem:s7], [sflag:s8] =	dma.local @!p0 [hbm:s6], $0xF7A  }
0x23: {  	s9 =	sor.u32 $0xD0000000, s2;
	s6 =	simm.s32 $0x108;
	_ =	swait.ge @!p0 [sflag:s8], $0x0  }
0x24: {  	s3 =	sadd.s32 $0x88, s3;
	s6 =	simm.s32 @!p1 $0x1082;
	[sflag:s4] =	ssyncset.s32 $0xFFFFF086  }
0x25: {  	[simem:s6], [sflag:s4] =	dma.local [hbm:s3], $0xF7A  }
0x26: {  	[smem:$0x3F98] =	sst s1;
	(tag) =	ssettag s2;
	_ =	strace s9  }
0x27: {  	s1 =	sld [smem:$0x3FA8]  }
0x28: {  	s2 =	sld [smem:$0x3FA9]  }
0x29: {  	s4 =	sld [smem:$0x3FAB]  }
0x2a: {  	p0 =	seq.s32 s5, $0x0;
	s5 =	sld [smem:$0x3FAC]  }
0x2b: {  	s6 =	sld [smem:$0x3FAD]  }
0x2c: {  	s7 =	sld [smem:$0x3FAE]  }
0x2d: {  	s3 =	simm.s32 $0x108;
	s8 =	sld [smem:$0x3FAF]  }
0x2e: {  	s3 =	simm.s32 @!p0 $0x1082;
	s9 =	sld [smem:$0x3FB0]  }
0x2f: {  	lr =	sadd.s32 s0, s3;
	s0 =	sld [smem:$0x3FA7]  }
0x30: {  	s3 =	sld [smem:$0x3FAA]  }
0x31: {  	[smem:$0x3FB3] =	sst s10  }
0x32: {  	s10 =	sld [smem:$0x3FB1];
	_ =	sdelay $0x3  }
0x33: {  	p0 =	seq.s32 s10, $0x1;
	s10 =	sld [smem:$0x3FB3];
	_ =	sdelay $0x3  }
0x34: {  	[smem:$0x3FB3] =	sst s10  }
0x35: {  	s10 =	sld [smem:$0x3FB2];
	_ =	sdelay $0x3  }
0x36: {  	p1 =	seq.s32 s10, $0x1;
	s10 =	sld [smem:$0x3FB3];
	_ =	sdelay $0x3  }
0x37: {  	[smem:$0x3FB3] =	sst s10  }
0x38: {  	s10 =	sld [smem:$0x3FB4]  }
0x39: {  	_ = 	snop;
	(pc) =	sbr.ind lr, $3  }
0x3a: {  	_ = 	snop  }
0x3b: {  	_ = 	snop  }
0x3c: {  	p2 =	seq.s32 s10, $0x1;
	s10 =	sld [smem:$0x3FB3]  }
0x3d: {  	_ =	shalt  }
0x3e: {  	_ =	shalt  }
0x3f: {  	_ =	shalt  }
0x40: {  	_ =	shalt  }
0x41: {  	_ =	shalt  }
0x42: {  	_ =	shalt  }
0x43: {  	_ =	shalt  }
0x44: {  	_ =	shalt  }
0x45: {  	_ =	shalt  }
0x46: {  	_ =	shalt  }
0x47: {  	_ =	shalt  }
0x48: {  	_ =	shalt  }
0x49: {  	_ =	shalt  }
0x4a: {  	_ =	shalt  }
0x4b: {  	_ =	shalt  }
0x4c: {  	_ =	shalt  }
0x4d: {  	_ =	shalt  }
0x4e: {  	_ =	shalt  }
0x4f: {  	_ =	shalt  }
0x50: {  	_ =	shalt  }
0x51: {  	_ =	shalt  }
0x52: {  	_ =	shalt  }
0x53: {  	_ =	shalt  }
0x54: {  	_ =	shalt  }
0x55: {  	_ =	shalt  }
0x56: {  	_ =	shalt  }
0x57: {  	_ =	shalt  }
0x58: {  	_ =	shalt  }
0x59: {  	_ =	shalt  }
0x5a: {  	_ =	shalt  }
0x5b: {  	_ =	shalt  }
0x5c: {  	_ =	shalt  }
0x5d: {  	_ =	shalt  }
0x5e: {  	_ =	shalt  }
0x5f: {  	_ =	shalt  }
0x60: {  	_ =	shalt  }
0x61: {  	_ =	shalt  }
0x62: {  	_ =	shalt  }
0x63: {  	_ =	shalt  }
0x64: {  	_ =	shalt  }
0x65: {  	_ =	shalt  }
0x66: {  	_ =	shalt  }
0x67: {  	_ =	shalt  }
0x68: {  	_ =	shalt  }
0x69: {  	_ =	shalt  }
0x6a: {  	_ =	shalt  }
0x6b: {  	_ =	shalt  }
0x6c: {  	_ =	shalt  }
0x6d: {  	_ =	shalt  }
0x6e: {  	_ =	shalt  }
0x6f: {  	_ =	shalt  }
0x70: {  	_ =	shalt  }
0x71: {  	_ =	shalt  }
0x72: {  	_ =	shalt  }
0x73: {  	_ =	shalt  }
0x74: {  	_ =	shalt  }
0x75: {  	_ =	shalt  }
0x76: {  	_ =	shalt  }
0x77: {  	_ =	shalt  }
0x78: {  	_ =	shalt  }
0x79: {  	_ =	shalt  }
0x7a: {  	_ =	shalt  }
0x7b: {  	_ =	shalt  }
0x7c: {  	_ =	shalt  }
0x7d: {  	_ =	shalt  }
0x7e: {  	_ =	shalt  }
0x7f: {  	_ =	shalt  }
0x80: {  	_ =	shalt  }
0x81: {  	_ =	shalt  }
0x82: {  	_ =	shalt  }
0x83: {  	_ =	shalt  }
0x84: {  	_ =	shalt  }
0x85: {  	_ =	shalt  }
0x86: {  	_ =	shalt  }
0x87: {  	_ =	shalt  }
.Lfunc_end0:
.L_simem_size_0:
called_computation_lowered:
.L_overlay_start_0:
0x88: {  	s2 =	sld [smem:$0x3FD9]  }
0x89: {  	s3 =	sld [smem:$0x3FFE];
	_ =	sdelay $0x1  }
0x8a: {  	s1 =	srdreg.scid  }
0x8b: {  	s0 =	sand.u32 $0x1, s1  }
0x8c: {  	s17 =	sshll.u32 s0, $0xA;
	s2 =	sadd.s32 s3, s2  }
0x8d: {  	s2 =	sadd.s32 s2, s17  }
0x8e: {  	[smem:$0x3FBF] =	sst s2  }
0x8f: {  	_ = 	snop  }
0x90: {  	s2 =	sld [smem:$0x3FD0];
	(tm) =	ssettm $0x1  }
0x91: {  	s18 =	sld [smem:$0x3FFB];
	_ =	sdelay $0x3  }
0x92: {  	_ =	strace s18  }
0x93: {  	s3 =	sld [smem:$0x3FFC];
	_ =	sdelay $0x3  }
0x94: {  	_ =	strace s3  }
0x95: {  	s3 =	sld [smem:$0x3FFD];
	_ =	sdelay $0x3  }
0x96: {  	_ =	strace s3  }
0x97: {  	_ =	strace $0x8FFFFFFF  }
0x98: {  	s19 =	sld [smem:$0x3FDB];
	_ =	sdelay $0x1  }
0x99: {  	s4 =	simm.s32 $_scs_section_size  }
0x9a: {  	s5 =	simm.s32 $_size__tile_overlayer_lowered;
	s6 =	simm.s32 $_tile_overlayer_lowered  }
0x9b: {  	s22 =	simm.s32 $0x1BFF;
	s21 =	sshll.u32 s6, $0x1;
	s3 =	sadd.s32 s4, s19  }
0x9c: {  	s7 =	simm.s32 $0x0;
	s20 =	sshll.u32 s5, $0x1;
	s5 =	sadd.s32 s21, s3  }
0x9d: {  	[timem:s7], [sflag:s22] =	dma.local [hbm:s5], s20  }
0x9e: {  	_ =	swait.ge [sflag:s22], s20  }
0x9f: {  	s4 =	ssub.s32 $0x0, s20;
	[sflag:s22] =	ssyncset.done $0x0  }
0xa0: {  	[sflag:s22] =	ssyncadd.s32 s4;
	_ =	sdelay $0x1  }
0xa1: {  	s23 =	simm.s32 $0x1B8B  }
0xa2: {  	_ =	swait.ge [sflag:s23], $0x1  }
0xa3: {  	[sflag:s23] =	ssyncset.done $0x0  }
0xa4: {  	s25 =	simm.s32 $0x1B8E;
	s24 =	sld [smem:$0x3FFE];
	[sflag:s23] =	ssyncadd.s32 $0xFFFFFFFF  }
0xa5: {  	s26 =	simm.s32 $execute0_lowered;
	[smem:$0x3FD2] =	sst s25  }
0xa6: {  	s5 =	sshll.u32 s26, $0x1;
	_ =	strace $0x80000046;
	[dreg:$0x1] =	wrdreg $0xFFFFFFFF  }
0xa7: {  	s28 =	simm.s32 $_size_execute0_lowered;
	s3 =	sadd.s32 s3, s5;
	[dreg:$0x0] =	wrdreg $0x0  }
0xa8: {  	s5 =	sshll.u32 s28, $0x1;
	[dreg:$0x2] =	wrdreg s3  }
0xa9: {  	[dreg:$0x3] =	wrdreg s5  }
0xaa: {  	[dreg:$0x4] =	wrdreg $0xC0  }
0xab: {  	_ =	task [dreg:s7], $0x5FFFF  }
0xac: {  	[dreg:$0x1] =	wrdreg $0xFFFFFFFF  }
0xad: {  	[dreg:$0x0] =	wrdreg $0x60  }
0xae: {  	[dreg:$0x2] =	wrdreg s2  }
0xaf: {  	[dreg:$0x3] =	wrdreg s24  }
0xb0: {  	[dreg:$0x4] =	wrdreg $0x30800  }
0xb1: {  	[dreg:$0x5] =	wrdreg $0x9  }
0xb2: {  	_ =	task.clear_ibuf [dreg:s7], $0x6FFFF;
	_ =	strace $0x90000046  }
0xb3: {  	s29 =	simm.s32 $0x9;
	_ =	strace $0x80000048  }
0xb4: {  	_ =	swait.ge [sflag:s29], $0x1  }
0xb5: {  	[sflag:s29] =	ssyncadd.s32 $0xFFFFFFFF  }
0xb6: {  	_ =	strace $0x90000048  }
0xb7: {  	_ =	sfence  }
0xb8: {  	s30 =	sld [smem:$0x0];
	_ =	sdelay $0x2  }
0xb9: {  	s31 =	sshll.u32 s1, $0xD;
	s1 =	sshrl.u32 s1, $0x2  }
0xba: {  	s3 =	sand.u32 $0x4000, s31;
	s1 =	sadd.s32 s1, s30  }
0xbb: {  	s0 =	sor.u32 s3, s0;
	s1 =	sshll.u32 s1, $0x11  }
0xbc: {  	s0 =	sor.u32 s1, s0  }
0xbd: {  	s0 =	sadd.s32 $0x8F2B, s0  }
0xbe: {  	[sflag:s0] =	ssyncadd.remote.s32 $0x1  }
0xbf: {  	_ =	sfence.sel $0xFFFF  }
0xc0: {  	[dreg:$0x0] =	wrdreg $0xFFFFFFFF;
	(pc) =	sbr.abs _section_cstart, $3  }
0xc1: {  	[dreg:$0x1] =	wrdreg $0xFFFFFFFF  }
0xc2: {  	_ =	task.clear_ibuf [dreg:s7], $0x2FFFF;
	_ =	strace $0x9FFFFFFF  }
0xc3: {  	(tm) =	ssettm $0x7FFFFFFF  }
tec
execute0_lowered:
.L_overlay_start_1:
0x0: {  	(tag) =	ssettag $0x1  }
0x1: {  	s5 =	rddreg [dreg:$0x0]  }
0x2: {  	s3 =	rddreg [dreg:$0x1]  }
0x3: {  	s1 =	rddreg [dreg:$0x2];
	s2 =	srdreg.scid  }
0x4: {  	s10 =	stileid.u32;
	s0 =	rddreg [dreg:$0x3];
	s11 =	simm.s32 $0x800  }
0x5: {  	s12 =	simm.s32 $0x50;
	s4 =	sand.u32 $0x1, s2;
	s6 =	sshll.u32 s10, $0x1  }
0x6: {  	s13 =	simm.s32 $0x3000;
	s2 =	simm.s32 $0x0;
	s6 =	sor.u32 s4, s6  }
0x7: {  	p0 =	sne.s32 s10, $0x0;
	s10 =	simm.s32 $0x1;
	s6 =	smul.u32 $0x2800, s6  }
0x8: {  	s7 =	smul.u32 $0x500, s4;
	[smem:$0x7FF] =	sst s2;
	s4 =	ssub.s32 $0x2, s4  }
0x9: {  	_ =	strace $0x80000047;
	s8 =	sshrl.u32 s4, $0x1;
	s6 =	sshrl.u32 s6, $0x3  }
0xa: {  	v0 =	vlaneseq.u32;
	s3 =	sadd.s32 s7, s3;
	s4 =	ssub.s32 s4, s8;
	s5 =	sadd.s32 s5, s6  }
0xb: {  	v1 =	vimm.f32 $0.0e+00;
	v6 =	vimm.f32 $1.000000000e+00;
	v2 =	vor.u32 $0x10, v0;
	s3 =	sadd.s32 $0x1E00, s3;
	s4 =	smax.u32 s4, $0x1;
	s6 =	sadd.s32 $0x100, s5  }
0xc: {  	v3 =	vor.u32 $0x20, v0;
	v4 =	vor.u32 $0x30, v0;
	v5 =	vor.u32 $0x40, v0;
	s7 =	sadd.s32 $0x200, s5;
	s8 =	sadd.s32 $0x300, s5;
	s9 =	sadd.s32 $0x400, s5  }
.LBB2_1:
0xd: {  	s14 =	simm.s32 $0x70;
	s15 =	simm.s32 $0x3C0  }
.LBB2_2:
0xe: {  	p1 =	sne.s32 s15, $0x9FC0;
	[tilespmem:s14+$0x800] =	vst v1  }
0xf: {  	[tilespmem:s14+$0x790] =	vst v1  }
0x10: {  	[tilespmem:s14+$0x7A0] =	vst v1  }
.Ltmp0:
0x11: {  	[tilespmem:s14+$0x7B0] =	vst v1;
	(pc) =	sbr.rel @p1 .LBB2_2-.Ltmp0, $4  }
0x12: {  	[tilespmem:s14+$0x7C0] =	vst v1  }
0x13: {  	[tilespmem:s14+$0x7D0] =	vst v1  }
0x14: {  	[tilespmem:s14+$0x7E0] =	vst v1  }
0x15: {  	[tilespmem:s14+$0x7F0] =	vst v1;
	s14 =	sshra.s32 s15, $0x2;
	s15 =	sadd.s32 $0x200, s15  }
0x16: {  	[tilespmem:s14+$0x800] =	vst v1  }
0x17: {  	[tilespmem:s14+$0x790] =	vst v1  }
0x18: {  	[tilespmem:s14+$0x7A0] =	vst v1  }
0x19: {  	[tilespmem:s14+$0x7B0] =	vst v1  }
0x1a: {  	[tilespmem:s14+$0x7C0] =	vst v1  }
0x1b: {  	[tilespmem:s14+$0x7D0] =	vst v1  }
0x1c: {  	[tilespmem:s14+$0x7E0] =	vst v1  }
0x1d: {  	[tilespmem:s14+$0x7F0] =	vst v1;
	s14 =	simm.s32 @!p0 $0x800  }
0x1e: {  	[spmem:s1] =	stream.linear.scatter @!p0 [tilespmem:s14], [sflag:$0x1], $0x2800, $0x38;
	[tilespmem:$0x3300] =	vst v63  }
0x1f: {  	s14 =	simm.s32 @!p0 $0x1  }
0x20: {  	_ =	swait.ge @!p0 [sflag:s14], $0x2800  }
0x21: {  	[sflag:s14] =	ssyncset.done @!p0 $0x0  }
0x22: {  	[sflag:s14] =	ssyncadd.s32 @!p0 $0xFFFFD800  }
0x23: {  	[tilespmem:$0x3000] =	vst v0  }
0x24: {  	[tilespmem:$0x3010] =	vst v2  }
0x25: {  	[tilespmem:$0x3020] =	vst v3  }
0x26: {  	[tilespmem:$0x3030] =	vst v4  }
0x27: {  	[tilespmem:$0x3040] =	vst v5  }
0x28: {  	s31 =	simm.s32 $0x0;
	[bflag:$0x0] =	sbarrier.arrive $0xFFFF  }
0x29: {  	[tilespmem:s31], [sflag:$0x1] =	stream.linear.gather [hbm4b:s5+s31], $0x800, $0x38;
	[tilespmem:$0x3300] =	vst v63  }
0x2a: {  	_ =	swait.ge [sflag:s10], $0x800  }
0x2b: {  	[sflag:s10] =	ssyncset.done $0x0  }
0x2c: {  	s15 =	simm.s32 $0x0;
	s14 =	simm.s32 $0x40;
	[sflag:s10] =	ssyncadd.s32 $0xFFFFF800  }
.LBB2_4:
0x2d: {  	p1 =	sne.s32 s14, $0x1FC0;
	v7 =	vld [tilespmem:s15+$0x0];
	_ =	sdelay $0x3  }
.Ltmp1:
0x2e: {  	(pc) =	sbr.rel @p1 .LBB2_4-.Ltmp1, $2  }
0x2f: {  	_ =	sdelay $0x2  }
0x30: {  	s15 =	sshra.s32 s14, $0x2;
	s14 =	sadd.s32 $0x40, s14;
	[tilespmem:v7+s11+$0x0] =	vst.idx.add.f32.msk $0xffff, v6  }
0x31: {  	v7 =	vld [tilespmem:s15+$0x0];
	_ =	sdelay $0x7  }
0x32: {  	s14 =	simm.s32 $0x0;
	[tilespmem:v7+s11+$0x0] =	vst.idx.add.f32.msk $0xffff, v6  }
0x33: {  	[tilespmem:s14], [sflag:$0x1] =	stream.linear.gather [hbm4b:s6+s14], $0x800, $0x38;
	[tilespmem:$0x3300] =	vst v63  }
0x34: {  	_ =	swait.ge [sflag:s10], $0x800  }
0x35: {  	[sflag:s10] =	ssyncset.done $0x0  }
0x36: {  	s15 =	simm.s32 $0x0;
	s14 =	simm.s32 $0x40;
	[sflag:s10] =	ssyncadd.s32 $0xFFFFF800  }
.LBB2_6:
0x37: {  	p1 =	sne.s32 s14, $0x1FC0;
	v7 =	vld [tilespmem:s15+$0x0];
	_ =	sdelay $0x3  }
.Ltmp2:
0x38: {  	(pc) =	sbr.rel @p1 .LBB2_6-.Ltmp2, $2  }
0x39: {  	_ =	sdelay $0x2  }
0x3a: {  	s15 =	sshra.s32 s14, $0x2;
	s14 =	sadd.s32 $0x40, s14;
	[tilespmem:v7+s11+$0x0] =	vst.idx.add.f32.msk $0xffff, v6  }
0x3b: {  	v7 =	vld [tilespmem:s15+$0x0];
	_ =	sdelay $0x7  }
0x3c: {  	s14 =	simm.s32 $0x0;
	[tilespmem:v7+s11+$0x0] =	vst.idx.add.f32.msk $0xffff, v6  }
0x3d: {  	[tilespmem:s14], [sflag:$0x1] =	stream.linear.gather [hbm4b:s7+s14], $0x800, $0x38;
	[tilespmem:$0x3300] =	vst v63  }
0x3e: {  	_ =	swait.ge [sflag:s10], $0x800  }
0x3f: {  	[sflag:s10] =	ssyncset.done $0x0  }
0x40: {  	s15 =	simm.s32 $0x0;
	s14 =	simm.s32 $0x40;
	[sflag:s10] =	ssyncadd.s32 $0xFFFFF800  }
.LBB2_8:
0x41: {  	p1 =	sne.s32 s14, $0x1FC0;
	v7 =	vld [tilespmem:s15+$0x0];
	_ =	sdelay $0x3  }
.Ltmp3:
0x42: {  	(pc) =	sbr.rel @p1 .LBB2_8-.Ltmp3, $2  }
0x43: {  	_ =	sdelay $0x2  }
0x44: {  	s15 =	sshra.s32 s14, $0x2;
	s14 =	sadd.s32 $0x40, s14;
	[tilespmem:v7+s11+$0x0] =	vst.idx.add.f32.msk $0xffff, v6  }
0x45: {  	v7 =	vld [tilespmem:s15+$0x0];
	_ =	sdelay $0x7  }
0x46: {  	s14 =	simm.s32 $0x0;
	[tilespmem:v7+s11+$0x0] =	vst.idx.add.f32.msk $0xffff, v6  }
0x47: {  	[tilespmem:s14], [sflag:$0x1] =	stream.linear.gather [hbm4b:s8+s14], $0x800, $0x38;
	[tilespmem:$0x3300] =	vst v63  }
0x48: {  	_ =	swait.ge [sflag:s10], $0x800  }
0x49: {  	[sflag:s10] =	ssyncset.done $0x0  }
0x4a: {  	s15 =	simm.s32 $0x0;
	s14 =	simm.s32 $0x40;
	[sflag:s10] =	ssyncadd.s32 $0xFFFFF800  }
.LBB2_10:
0x4b: {  	p1 =	sne.s32 s14, $0x1FC0;
	v7 =	vld [tilespmem:s15+$0x0];
	_ =	sdelay $0x3  }
.Ltmp4:
0x4c: {  	(pc) =	sbr.rel @p1 .LBB2_10-.Ltmp4, $2  }
0x4d: {  	_ =	sdelay $0x2  }
0x4e: {  	s15 =	sshra.s32 s14, $0x2;
	s14 =	sadd.s32 $0x40, s14;
	[tilespmem:v7+s11+$0x0] =	vst.idx.add.f32.msk $0xffff, v6  }
0x4f: {  	v7 =	vld [tilespmem:s15+$0x0];
	_ =	sdelay $0x7  }
0x50: {  	s14 =	simm.s32 $0x0;
	[tilespmem:v7+s11+$0x0] =	vst.idx.add.f32.msk $0xffff, v6  }
0x51: {  	[tilespmem:s14], [sflag:$0x1] =	stream.linear.gather [hbm4b:s9+s14], $0x800, $0x38;
	[tilespmem:$0x3300] =	vst v63  }
0x52: {  	_ =	swait.ge [sflag:s10], $0x800  }
0x53: {  	[sflag:s10] =	ssyncset.done $0x0  }
0x54: {  	s15 =	simm.s32 $0x0;
	s14 =	simm.s32 $0x40;
	[sflag:s10] =	ssyncadd.s32 $0xFFFFF800  }
.LBB2_12:
0x55: {  	p1 =	sne.s32 s14, $0x1FC0;
	v7 =	vld [tilespmem:s15+$0x0];
	_ =	sdelay $0x3  }
.Ltmp5:
0x56: {  	(pc) =	sbr.rel @p1 .LBB2_12-.Ltmp5, $2  }
0x57: {  	_ =	sdelay $0x2  }
0x58: {  	s15 =	sshra.s32 s14, $0x2;
	s14 =	sadd.s32 $0x40, s14;
	[tilespmem:v7+s11+$0x0] =	vst.idx.add.f32.msk $0xffff, v6  }
0x59: {  	v7 =	vld [tilespmem:s15+$0x0];
	_ =	sdelay $0x7  }
0x5a: {  	[tilespmem:v7+s11+$0x0] =	vst.idx.add.f32.msk $0xffff, v6  }
0x5b: {  	[spmem:s1] =	stream.indirect.scatter.add.f32 [tilespmem:s11], [sflag:$0x1], $0x80, s13, s12, $0xb8;
	[tilespmem:$0x3300] =	vst v63  }
0x5c: {  	_ =	swait.ge [sflag:s10], $0x2800  }
0x5d: {  	[sflag:s10] =	ssyncset.done $0x0  }
0x5e: {  	s14 =	sshrl.u32 @!p0 s1, $0x3;
	s2 =	sadd.s32 $0x1, s2;
	[sflag:s10] =	ssyncadd.s32 $0xFFFFD800  }
0x5f: {  	s15 =	simm.s32 @!p0 $0x1C01;
	p1 =	sne.s32 s2, s4;
	[bflag:$0x0] =	sbarrier.arrive $0xFFFF  }
0x60: {  	[hbm:s3], [sflag:s15] =	dma.local @!p0 [spmem:s14], $0x500  }
.Ltmp6:
0x61: {  	_ = 	snop;
	(pc) =	sbr.rel @p1 .LBB2_1-.Ltmp6, $4  }
0x62: {  	s14 =	simm.s32 @!p0 $0x1  }
0x63: {  	_ =	swait.ge @!p0 [sflag:s14], $0x500  }
0x64: {  	[sflag:s14] =	ssyncset.done @!p0 $0x0  }
0x65: {  	[sflag:s14] =	ssyncadd.s32 @!p0 $0xFFFFFB00  }
0x66: {  	_ =	sfence.sel $0x180000  }
0x67: {  	[bflag:$0x0] =	sbarrier.arrive $0xFFFF  }
0x68: {  	_ =	strace $0x90000047  }
0x69: {  	s0 =	sadd.s32 @!p0 $0x100000, s0;
	[bflag:$0x2] =	sbarrier.arrive $0xFFFF  }
0x6a: {  	[sflag:s0] =	ssyncadd.tile.s32 @!p0 $0x1;
	_ =	shalt  }
.Lfunc_end2:
_tile_overlayer_lowered:
.L_overlay_start_2:
0x6b: {  	(tag) =	ssettag $0x2  }
0x6c: {  	s0 =	rddreg [dreg:$0x0];
	s2 =	stileid.u32  }
0x6d: {  	s1 =	rddreg [dreg:$0x1];
	p0 =	sne.s32 s2, $0x0  }
0x6e: {  	s3 =	rddreg [dreg:$0x2];
	[bflag:$0x3] =	sbarrier.arrive $0xFFFF;
	s2 =	simm.s32 @!p0 $0x1C01  }
0x6f: {  	[timem:s3], [sflag:s2] =	dma.local @!p0 [hbm:s0], s1  }
0x70: {  	s0 =	simm.s32 @!p0 $0x1  }
0x71: {  	_ =	swait.ge @!p0 [sflag:s0], s1  }
0x72: {  	s1 =	ssub.s32 @!p0 $0x0, s1;
	[sflag:s0] =	ssyncset.done @!p0 $0x0  }
0x73: {  	[sflag:s0] =	ssyncadd.s32 @!p0 s1  }
0x74: {  	[bflag:$0x3] =	sbarrier.arrive $0xFFFF  }
0x75: {  	_ =	shalt  }

// kernel: kernel.9.cloned.1.call-start
scs
__scs_entry_jumppad:
0x0: {  	(pc) =	sbr.rel $0x88, $3  }
0x1: {  	(tag) =	ssettag $0x0;
	lr =	simm.s32 $0x1  }
0x2: {  	[smem:$0x3F98] =	sst lr;
	_ =	strace $0xD0000000  }
0x3: {  	_ = 	snop  }
0x4: {  	_ = 	snop  }
0x5: {  	_ = 	snop  }
0x6: {  	_ = 	snop  }
0x7: {  	_ = 	snop  }
__scs_overlays_trampoline_lowered:
0x8: {  	[smem:$0x3FA7] =	sst s0  }
0x9: {  	[smem:$0x3FA8] =	sst s1  }
0xa: {  	[smem:$0x3FA9] =	sst s2  }
0xb: {  	[smem:$0x3FAA] =	sst s3  }
0xc: {  	[smem:$0x3FAB] =	sst s4  }
0xd: {  	[smem:$0x3FAC] =	sst s5  }
0xe: {  	[smem:$0x3FAD] =	sst s6  }
0xf: {  	[smem:$0x3FAE] =	sst s7  }
0x10: {  	[smem:$0x3FAF] =	sst s8  }
0x11: {  	[smem:$0x3FB0] =	sst s9;
	s0 =	simm.s32 @!p0 $0x0  }
0x12: {  	s1 =	sld [smem:$0x3F96];
	s0 =	simm.s32 @p0 $0x1  }
0x13: {  	[smem:$0x3FB1] =	sst s0;
	s0 =	simm.s32 @!p1 $0x0  }
0x14: {  	s2 =	sld [smem:$0x3F95];
	s0 =	simm.s32 @p1 $0x1  }
0x15: {  	[smem:$0x3FB2] =	sst s0;
	s0 =	simm.s32 @!p2 $0x0  }
0x16: {  	s3 =	sld [smem:$0x3FDB];
	s0 =	simm.s32 @p2 $0x1  }
0x17: {  	s4 =	simm.s32 $0x1BF5;
	[smem:$0x3FB4] =	sst s0  }
0x18: {  	s0 =	sld [smem:$0x3F97];
	_ =	swait.ge [sflag:s4], $0x0  }
0x19: {  	s7 =	sld [smem:$0x3F98]  }
0x1a: {  	s8 =	sadd.s32 $0xFFFFE003, lr  }
0x1b: {  	s9 =	sadd.s32 $0xFFFFFEF7, lr;
	s5 =	simm.s32 $0xFFFFFFFF;
	p2 =	slt.u32 s8, $0xFFFFF086  }
0x1c: {  	p1 =	slt.u32 s9, $0xF7A;
	s5 =	simm.s32 @!p2 $0x0  }
0x1d: {  	s5 =	simm.s32 @p1 $0x1;
	p0 =	seq.s32 s7, s2  }
0x1e: {  	s7 =	smul.u32 @!p0 $0xF7A, s2;
	p2 =	seq.s32 @!p0 s5, $0x0  }
0x1f: {  	s9 =	smul.u32 $0xF7A, s1;
	s8 =	simm.s32 @!p0 $0x1BF5;
	p2 =	por !p2, p0  }
0x20: {  	[sflag:s8] =	ssyncset.s32 @!p0 $0xFFFFF086;
	s6 =	sadd.s32 @!p0 s3, s7;
	s7 =	simm.s32 @!p0 $0x108  }
0x21: {  	s3 =	sadd.s32 s3, s9;
	s6 =	sadd.s32 @!p0 $0x88, s6;
	s7 =	simm.s32 @p2 $0x1082  }
0x22: {  	[simem:s7], [sflag:s8] =	dma.local @!p0 [hbm:s6], $0xF7A  }
0x23: {  	s9 =	sor.u32 $0xD0000000, s2;
	s6 =	simm.s32 $0x108;
	_ =	swait.ge @!p0 [sflag:s8], $0x0  }
0x24: {  	s3 =	sadd.s32 $0x88, s3;
	s6 =	simm.s32 @!p1 $0x1082;
	[sflag:s4] =	ssyncset.s32 $0xFFFFF086  }
0x25: {  	[simem:s6], [sflag:s4] =	dma.local [hbm:s3], $0xF7A  }
0x26: {  	[smem:$0x3F98] =	sst s1;
	(tag) =	ssettag s2;
	_ =	strace s9  }
0x27: {  	s1 =	sld [smem:$0x3FA8]  }
0x28: {  	s2 =	sld [smem:$0x3FA9]  }
0x29: {  	s4 =	sld [smem:$0x3FAB]  }
0x2a: {  	p0 =	seq.s32 s5, $0x0;
	s5 =	sld [smem:$0x3FAC]  }
0x2b: {  	s6 =	sld [smem:$0x3FAD]  }
0x2c: {  	s7 =	sld [smem:$0x3FAE]  }
0x2d: {  	s3 =	simm.s32 $0x108;
	s8 =	sld [smem:$0x3FAF]  }
0x2e: {  	s3 =	simm.s32 @!p0 $0x1082;
	s9 =	sld [smem:$0x3FB0]  }
0x2f: {  	lr =	sadd.s32 s0, s3;
	s0 =	sld [smem:$0x3FA7]  }
0x30: {  	s3 =	sld [smem:$0x3FAA]  }
0x31: {  	[smem:$0x3FB3] =	sst s10  }
0x32: {  	s10 =	sld [smem:$0x3FB1];
	_ =	sdelay $0x3  }
0x33: {  	p0 =	seq.s32 s10, $0x1;
	s10 =	sld [smem:$0x3FB3];
	_ =	sdelay $0x3  }
0x34: {  	[smem:$0x3FB3] =	sst s10  }
0x35: {  	s10 =	sld [smem:$0x3FB2];
	_ =	sdelay $0x3  }
0x36: {  	p1 =	seq.s32 s10, $0x1;
	s10 =	sld [smem:$0x3FB3];
	_ =	sdelay $0x3  }
0x37: {  	[smem:$0x3FB3] =	sst s10  }
0x38: {  	s10 =	sld [smem:$0x3FB4]  }
0x39: {  	_ = 	snop;
	(pc) =	sbr.ind lr, $3  }
0x3a: {  	_ = 	snop  }
0x3b: {  	_ = 	snop  }
0x3c: {  	p2 =	seq.s32 s10, $0x1;
	s10 =	sld [smem:$0x3FB3]  }
0x3d: {  	_ =	shalt  }
0x3e: {  	_ =	shalt  }
0x3f: {  	_ =	shalt  }
0x40: {  	_ =	shalt  }
0x41: {  	_ =	shalt  }
0x42: {  	_ =	shalt  }
0x43: {  	_ =	shalt  }
0x44: {  	_ =	shalt  }
0x45: {  	_ =	shalt  }
0x46: {  	_ =	shalt  }
0x47: {  	_ =	shalt  }
0x48: {  	_ =	shalt  }
0x49: {  	_ =	shalt  }
0x4a: {  	_ =	shalt  }
0x4b: {  	_ =	shalt  }
0x4c: {  	_ =	shalt  }
0x4d: {  	_ =	shalt  }
0x4e: {  	_ =	shalt  }
0x4f: {  	_ =	shalt  }
0x50: {  	_ =	shalt  }
0x51: {  	_ =	shalt  }
0x52: {  	_ =	shalt  }
0x53: {  	_ =	shalt  }
0x54: {  	_ =	shalt  }
0x55: {  	_ =	shalt  }
0x56: {  	_ =	shalt  }
0x57: {  	_ =	shalt  }
0x58: {  	_ =	shalt  }
0x59: {  	_ =	shalt  }
0x5a: {  	_ =	shalt  }
0x5b: {  	_ =	shalt  }
0x5c: {  	_ =	shalt  }
0x5d: {  	_ =	shalt  }
0x5e: {  	_ =	shalt  }
0x5f: {  	_ =	shalt  }
0x60: {  	_ =	shalt  }
0x61: {  	_ =	shalt  }
0x62: {  	_ =	shalt  }
0x63: {  	_ =	shalt  }
0x64: {  	_ =	shalt  }
0x65: {  	_ =	shalt  }
0x66: {  	_ =	shalt  }
0x67: {  	_ =	shalt  }
0x68: {  	_ =	shalt  }
0x69: {  	_ =	shalt  }
0x6a: {  	_ =	shalt  }
0x6b: {  	_ =	shalt  }
0x6c: {  	_ =	shalt  }
0x6d: {  	_ =	shalt  }
0x6e: {  	_ =	shalt  }
0x6f: {  	_ =	shalt  }
0x70: {  	_ =	shalt  }
0x71: {  	_ =	shalt  }
0x72: {  	_ =	shalt  }
0x73: {  	_ =	shalt  }
0x74: {  	_ =	shalt  }
0x75: {  	_ =	shalt  }
0x76: {  	_ =	shalt  }
0x77: {  	_ =	shalt  }
0x78: {  	_ =	shalt  }
0x79: {  	_ =	shalt  }
0x7a: {  	_ =	shalt  }
0x7b: {  	_ =	shalt  }
0x7c: {  	_ =	shalt  }
0x7d: {  	_ =	shalt  }
0x7e: {  	_ =	shalt  }
0x7f: {  	_ =	shalt  }
0x80: {  	_ =	shalt  }
0x81: {  	_ =	shalt  }
0x82: {  	_ =	shalt  }
0x83: {  	_ =	shalt  }
0x84: {  	_ =	shalt  }
0x85: {  	_ =	shalt  }
0x86: {  	_ =	shalt  }
0x87: {  	_ =	shalt  }
.Lfunc_end0:
.L_simem_size_0:
called_computation.1_lowered:
.L_overlay_start_0:
0x88: {  	s2 =	sld [smem:$0x3FD9]  }
0x89: {  	s3 =	sld [smem:$0x3FFE];
	_ =	sdelay $0x1  }
0x8a: {  	s1 =	srdreg.scid  }
0x8b: {  	s0 =	sand.u32 $0x1, s1  }
0x8c: {  	s17 =	sshll.u32 s0, $0xA;
	s2 =	sadd.s32 s3, s2  }
0x8d: {  	s2 =	sadd.s32 s2, s17  }
0x8e: {  	[smem:$0x3FBF] =	sst s2  }
0x8f: {  	_ = 	snop  }
0x90: {  	s2 =	sld [smem:$0x3FD0];
	(tm) =	ssettm $0x1  }
0x91: {  	s18 =	sld [smem:$0x3FFB];
	_ =	sdelay $0x3  }
0x92: {  	_ =	strace s18  }
0x93: {  	s3 =	sld [smem:$0x3FFC];
	_ =	sdelay $0x3  }
0x94: {  	_ =	strace s3  }
0x95: {  	s3 =	sld [smem:$0x3FFD];
	_ =	sdelay $0x3  }
0x96: {  	_ =	strace s3  }
0x97: {  	_ =	strace $0x8FFFFFFF  }
0x98: {  	s19 =	sld [smem:$0x3FDB];
	_ =	sdelay $0x1  }
0x99: {  	s4 =	simm.s32 $_scs_section_size  }
0x9a: {  	s5 =	simm.s32 $_size__tile_overlayer_lowered;
	s6 =	simm.s32 $_tile_overlayer_lowered  }
0x9b: {  	s22 =	simm.s32 $0x1BFF;
	s21 =	sshll.u32 s6, $0x1;
	s3 =	sadd.s32 s4, s19  }
0x9c: {  	s7 =	simm.s32 $0x0;
	s20 =	sshll.u32 s5, $0x1;
	s5 =	sadd.s32 s21, s3  }
0x9d: {  	[timem:s7], [sflag:s22] =	dma.local [hbm:s5], s20  }
0x9e: {  	_ =	swait.ge [sflag:s22], s20  }
0x9f: {  	s4 =	ssub.s32 $0x0, s20;
	[sflag:s22] =	ssyncset.done $0x0  }
0xa0: {  	[sflag:s22] =	ssyncadd.s32 s4;
	_ =	sdelay $0x1  }
0xa1: {  	s23 =	simm.s32 $0x1B8B  }
0xa2: {  	_ =	swait.ge [sflag:s23], $0x1  }
0xa3: {  	[sflag:s23] =	ssyncset.done $0x0  }
0xa4: {  	s25 =	simm.s32 $0x1B8E;
	s24 =	sld [smem:$0x3FFE];
	[sflag:s23] =	ssyncadd.s32 $0xFFFFFFFF  }
0xa5: {  	s26 =	simm.s32 $execute0_lowered;
	[smem:$0x3FD2] =	sst s25  }
0xa6: {  	s5 =	sshll.u32 s26, $0x1;
	_ =	strace $0x80000049;
	[dreg:$0x1] =	wrdreg $0xFFFFFFFF  }
0xa7: {  	s28 =	simm.s32 $_size_execute0_lowered;
	s3 =	sadd.s32 s3, s5;
	[dreg:$0x0] =	wrdreg $0x0  }
0xa8: {  	s5 =	sshll.u32 s28, $0x1;
	[dreg:$0x2] =	wrdreg s3  }
0xa9: {  	[dreg:$0x3] =	wrdreg s5  }
0xaa: {  	[dreg:$0x4] =	wrdreg $0xC0  }
0xab: {  	_ =	task [dreg:s7], $0x5FFFF  }
0xac: {  	[dreg:$0x1] =	wrdreg $0xFFFFFFFF  }
0xad: {  	[dreg:$0x0] =	wrdreg $0x60  }
0xae: {  	[dreg:$0x2] =	wrdreg s2  }
0xaf: {  	[dreg:$0x3] =	wrdreg s24  }
0xb0: {  	[dreg:$0x4] =	wrdreg $0x90000  }
0xb1: {  	[dreg:$0x5] =	wrdreg $0x9  }
0xb2: {  	_ =	task.clear_ibuf [dreg:s7], $0x6FFFF;
	_ =	strace $0x90000049  }
0xb3: {  	s29 =	simm.s32 $0x9;
	_ =	strace $0x8000004B  }
0xb4: {  	_ =	swait.ge [sflag:s29], $0x1  }
0xb5: {  	[sflag:s29] =	ssyncadd.s32 $0xFFFFFFFF  }
0xb6: {  	_ =	strace $0x9000004B  }
0xb7: {  	_ =	sfence  }
0xb8: {  	s30 =	sld [smem:$0x0];
	_ =	sdelay $0x2  }
0xb9: {  	s31 =	sshll.u32 s1, $0xD;
	s1 =	sshrl.u32 s1, $0x2  }
0xba: {  	s3 =	sand.u32 $0x4000, s31;
	s1 =	sadd.s32 s1, s30  }
0xbb: {  	s0 =	sor.u32 s3, s0;
	s1 =	sshll.u32 s1, $0x11  }
0xbc: {  	s0 =	sor.u32 s1, s0  }
0xbd: {  	s0 =	sadd.s32 $0x8F2B, s0  }
0xbe: {  	[sflag:s0] =	ssyncadd.remote.s32 $0x1  }
0xbf: {  	_ =	sfence.sel $0xFFFF  }
0xc0: {  	[dreg:$0x0] =	wrdreg $0xFFFFFFFF;
	(pc) =	sbr.abs _section_cstart, $3  }
0xc1: {  	[dreg:$0x1] =	wrdreg $0xFFFFFFFF  }
0xc2: {  	_ =	task.clear_ibuf [dreg:s7], $0x2FFFF;
	_ =	strace $0x9FFFFFFF  }
0xc3: {  	(tm) =	ssettm $0x7FFFFFFF  }
tec
execute0_lowered:
.L_overlay_start_1:
0x0: {  	(tag) =	ssettag $0x1  }
0x1: {  	s1 =	rddreg [dreg:$0x0]  }
0x2: {  	s0 =	rddreg [dreg:$0x1]  }
0x3: {  	s2 =	rddreg [dreg:$0x2];
	s3 =	simm.s32 $0x0  }
0x4: {  	s6 =	simm.s32 $0x80;
	[smem:$0x7FF] =	sst s3  }
0x5: {  	s17 =	simm.s32 $0x100;
	_ =	strace $0x8000004A;
	[dreg:$0x4] =	wrdreg s6  }
0x6: {  	s18 =	simm.s32 $0x180;
	[dreg:$0x5] =	wrdreg s17  }
0x7: {  	s19 =	simm.s32 $0x200;
	[dreg:$0x6] =	wrdreg s18  }
0x8: {  	s20 =	simm.s32 $0x480;
	[dreg:$0x7] =	wrdreg s19  }
0x9: {  	s22 =	simm.s32 $0x280;
	[dreg:$0x8] =	wrdreg s20  }
0xa: {  	s23 =	simm.s32 $0x500;
	[dreg:$0x9] =	wrdreg s22  }
0xb: {  	s24 =	simm.s32 $0x300;
	[dreg:$0xa] =	wrdreg s23  }
0xc: {  	s25 =	simm.s32 $0x580;
	[dreg:$0xb] =	wrdreg s24  }
0xd: {  	s26 =	simm.s32 $0x380;
	[dreg:$0xc] =	wrdreg s25  }
0xe: {  	s12 =	simm.s32 $0x600;
	[dreg:$0xd] =	wrdreg s26  }
0xf: {  	s13 =	simm.s32 $0x680;
	[dreg:$0xe] =	wrdreg s12  }
0x10: {  	s15 =	simm.s32 $0x700;
	[dreg:$0xf] =	wrdreg s13  }
0x11: {  	s4 =	srdreg.scid;
	s9 =	sadd.s32 $0x16800, s0;
	[dreg:$0x10] =	wrdreg s15  }
0x12: {  	s10 =	stileid.u32;
	s11 =	sadd.s32 $0x2800, s0;
	[smem:$0x7ED] =	sst s9  }
0x13: {  	s4 =	sand.u32 $0x1, s4;
	s17 =	simm.s32 $0x780;
	[smem:$0x7EF] =	sst s11  }
0x14: {  	s21 =	sshll.u32 s10, $0x4;
	s18 =	simm.s32 $0x880;
	[dreg:$0x11] =	wrdreg s17  }
0x15: {  	s5 =	smul.u32 $0x28000, s4;
	s20 =	simm.s32 $0x900;
	[dreg:$0x12] =	wrdreg s18  }
0x16: {  	s8 =	sor.u32 $0x1300, s21;
	s21 =	simm.s32 $0x980;
	[dreg:$0x13] =	wrdreg s20  }
0x17: {  	s16 =	ssub.s32 $0x2, s4;
	s23 =	simm.s32 $0xA00;
	[dreg:$0x14] =	wrdreg s21  }
0x18: {  	p0 =	seq.s32 s4, $0x0;
	s24 =	simm.s32 $0xC80;
	[dreg:$0x15] =	wrdreg s23  }
0x19: {  	s6 =	smul.u32 $0x130, s10;
	s26 =	simm.s32 $0xA80;
	[dreg:$0x16] =	wrdreg s24  }
0x1a: {  	s19 =	smul.u32 $0x50000, s10;
	s7 =	sshrl.u32 s16, $0x1;
	[dreg:$0x17] =	wrdreg s26  }
0x1b: {  	s18 =	simm.s32 $0xE80;
	s20 =	simm.s32 $0xF00;
	s0 =	sadd.s32 s5, s0  }
0x1c: {  	s5 =	ssub.s32 s16, s7;
	s8 =	smov.u32 @p0 s6;
	[dreg:$0x1d] =	wrdreg s18  }
0x1d: {  	s22 =	sshrl.u32 s19, $0x2;
	[dreg:$0x1e] =	wrdreg s20;
	s5 =	smax.u32 s5, $0x1  }
0x1e: {  	s12 =	sadd.s32 s22, s2;
	s22 =	simm.s32 $0xF80;
	[smem:$0x7F2] =	sst s5  }
0x1f: {  	s6 =	sshll.u32 s8, $0x4;
	[dreg:$0x1f] =	wrdreg s22  }
0x20: {  	s7 =	simm.s32 $0x26;
	s8 =	sadd.s32 s9, s6;
	[smem:$0x7FD] =	sst s12  }
0x21: {  	s7 =	simm.s32 @!p0 $0x2;
	s14 =	sadd.s32 s11, s6;
	[smem:$0x7EB] =	sst s8  }
0x22: {  	s25 =	sshrl.u32 s7, $0x1;
	[smem:$0x7EC] =	sst s14  }
0x23: {  	s13 =	sadd.s32 $0x2000, s12;
	[smem:$0x7F1] =	sst s25  }
0x24: {  	s28 =	simm.s32 $0x400;
	s15 =	sadd.s32 $0x4000, s12;
	[smem:$0x7F3] =	sst s13  }
0x25: {  	s29 =	simm.s32 $0x800;
	s17 =	sadd.s32 $0x6000, s12;
	[smem:$0x7F4] =	sst s15  }
0x26: {  	s30 =	simm.s32 $0xC00;
	s19 =	sadd.s32 $0x8000, s12;
	[smem:$0x7F5] =	sst s17  }
0x27: {  	s31 =	simm.s32 $0x1000;
	s21 =	sadd.s32 $0xA000, s12;
	[smem:$0x7F6] =	sst s19  }
0x28: {  	s4 =	simm.s32 $0x5;
	s23 =	sadd.s32 $0xC000, s12;
	[smem:$0x7F7] =	sst s21  }
0x29: {  	s18 =	simm.s32 $0x0;
	s24 =	sadd.s32 $0xE000, s12;
	[smem:$0x7F8] =	sst s23  }
0x2a: {  	s16 =	sor.u32 $0x80, s6;
	s26 =	sadd.s32 $0x12000, s12;
	[smem:$0x7F9] =	sst s24  }
0x2b: {  	s0 =	sadd.s32 $0x2A800, s0;
	s9 =	sadd.s32 s9, s16;
	[smem:$0x7FC] =	sst s26  }
0x2c: {  	s8 =	sadd.s32 s11, s16;
	s11 =	simm.s32 $0xD80;
	[smem:$0x7EE] =	sst s9  }
0x2d: {  	s14 =	simm.s32 $0xB80;
	s16 =	simm.s32 $0xE00;
	[smem:$0x7F0] =	sst s8  }
0x2e: {  	s25 =	sadd.s32 $0x10000, s12;
	s24 =	sadd.s32 $0x100, s6;
	[dreg:$0x1a] =	wrdreg s11  }
0x2f: {  	s13 =	simm.s32 $0x1;
	s15 =	simm.s32 $0x3;
	[dreg:$0x1b] =	wrdreg s14  }
0x30: {  	s17 =	simm.s32 $0x6;
	s8 =	simm.s32 $0xD00;
	[dreg:$0x1c] =	wrdreg s16  }
0x31: {  	s9 =	smul.u32 $0x2800, s10;
	s10 =	simm.s32 $0xB00;
	[smem:$0x7FA] =	sst s25  }
0x32: {  	s25 =	sadd.s32 $0x180, s6;
	s11 =	simm.s32 $0x7000;
	[dreg:$0x18] =	wrdreg s8  }
0x33: {  	s14 =	simm.s32 $0x2;
	s16 =	simm.s32 $0x4;
	[dreg:$0x19] =	wrdreg s10  }
0x34: {  	s8 =	simm.s32 $0x40;
	s10 =	simm.s32 $0x5000;
	s0 =	sadd.s32 s9, s0  }
0x35: {  	v0 =	vimm.f32 $0.0e+00;
	s9 =	simm.s32 $0x3000;
	[smem:$0x7FB] =	sst s0;
	s0 =	simm.s32 $0x7  }
.LBB2_1:
0x36: {  	s5 =	sld [smem:$0x7EB];
	_ =	sdelay $0x1  }
0x37: {  	s22 =	sld [smem:$0x7EC]  }
0x38: {  	[tilespmem:s3], [sflag:$0x5] =	stream.linear.gather [hbm4b:s5+s3], $0x400, $0x38;
	[tilespmem:$0x1D000] =	vst v63  }
0x39: {  	s23 =	sld [smem:$0x7EE]  }
0x3a: {  	[tilespmem:s28], [sflag:$0x5] =	stream.linear.gather [hbm4b:s22+s3], $0x400, $0x38;
	[tilespmem:$0x1D000] =	vst v63  }
0x3b: {  	s26 =	sld [smem:$0x7F0]  }
0x3c: {  	[tilespmem:s29], [sflag:$0x6] =	stream.linear.gather [hbm4b:s23+s3], $0x400, $0x38;
	[tilespmem:$0x1D000] =	vst v63  }
0x3d: {  	s6 =	simm.s32 $0x200;
	s5 =	simm.s32 $0x0  }
0x3e: {  	[tilespmem:s30], [sflag:$0x6] =	stream.linear.gather [hbm4b:s26+s3], $0x400, $0x38;
	[tilespmem:$0x1D000] =	vst v63  }
.LBB2_2:
0x3f: {  	p0 =	sne.s32 s6, $0x7E00;
	[tilespmem:s5+$0x1070] =	vst v0  }
0x40: {  	[tilespmem:s5+$0x1000] =	vst v0  }
0x41: {  	[tilespmem:s5+$0x1010] =	vst v0  }
.Ltmp0:
0x42: {  	[tilespmem:s5+$0x1020] =	vst v0;
	(pc) =	sbr.rel @p0 .LBB2_2-.Ltmp0, $4  }
0x43: {  	[tilespmem:s5+$0x1030] =	vst v0  }
0x44: {  	[tilespmem:s5+$0x1040] =	vst v0  }
0x45: {  	[tilespmem:s5+$0x1050] =	vst v0  }
0x46: {  	[tilespmem:s5+$0x1060] =	vst v0;
	s5 =	sshra.s32 s6, $0x2;
	s6 =	sadd.s32 $0x200, s6  }
0x47: {  	[tilespmem:s5+$0x1070] =	vst v0  }
0x48: {  	[tilespmem:s5+$0x1000] =	vst v0  }
0x49: {  	[tilespmem:s5+$0x1010] =	vst v0  }
0x4a: {  	[tilespmem:s5+$0x1020] =	vst v0  }
0x4b: {  	[tilespmem:s5+$0x1030] =	vst v0  }
0x4c: {  	[tilespmem:s5+$0x1040] =	vst v0  }
0x4d: {  	[tilespmem:s5+$0x1050] =	vst v0  }
0x4e: {  	[tilespmem:s5+$0x1060] =	vst v0  }
0x4f: {  	[spmem:s12] =	stream.linear.scatter [tilespmem:s31], [sflag:$0x7], $0x2000, $0x38;
	[tilespmem:$0x1D000] =	vst v63  }
0x50: {  	_ =	swait.ge [sflag:s0], $0x2000  }
0x51: {  	s22 =	sld [smem:$0x7F3]  }
0x52: {  	[sflag:s0] =	ssyncset.done $0x0  }
0x53: {  	[sflag:s0] =	ssyncadd.s32 $0xFFFFE000  }
0x54: {  	[spmem:s22] =	stream.linear.scatter [tilespmem:s31], [sflag:$0x7], $0x2000, $0x38;
	[tilespmem:$0x1D000] =	vst v63  }
0x55: {  	_ =	swait.ge [sflag:s0], $0x2000  }
0x56: {  	s23 =	sld [smem:$0x7F4]  }
0x57: {  	[sflag:s0] =	ssyncset.done $0x0  }
0x58: {  	[sflag:s0] =	ssyncadd.s32 $0xFFFFE000  }
0x59: {  	[spmem:s23] =	stream.linear.scatter [tilespmem:s31], [sflag:$0x7], $0x2000, $0x38;
	[tilespmem:$0x1D000] =	vst v63  }
0x5a: {  	_ =	swait.ge [sflag:s0], $0x2000  }
0x5b: {  	s26 =	sld [smem:$0x7F5]  }
0x5c: {  	[sflag:s0] =	ssyncset.done $0x0  }
0x5d: {  	[sflag:s0] =	ssyncadd.s32 $0xFFFFE000  }
0x5e: {  	[spmem:s26] =	stream.linear.scatter [tilespmem:s31], [sflag:$0x7], $0x2000, $0x38;
	[tilespmem:$0x1D000] =	vst v63  }
0x5f: {  	_ =	swait.ge [sflag:s0], $0x2000  }
0x60: {  	s6 =	sld [smem:$0x7F6]  }
0x61: {  	[sflag:s0] =	ssyncset.done $0x0  }
0x62: {  	[sflag:s0] =	ssyncadd.s32 $0xFFFFE000  }
0x63: {  	[spmem:s6] =	stream.linear.scatter [tilespmem:s31], [sflag:$0x7], $0x2000, $0x38;
	[tilespmem:$0x1D000] =	vst v63  }
0x64: {  	_ =	swait.ge [sflag:s0], $0x2000  }
0x65: {  	s12 =	sld [smem:$0x7F7]  }
0x66: {  	[sflag:s0] =	ssyncset.done $0x0  }
0x67: {  	[sflag:s0] =	ssyncadd.s32 $0xFFFFE000  }
0x68: {  	[spmem:s12] =	stream.linear.scatter [tilespmem:s31], [sflag:$0x7], $0x2000, $0x38;
	[tilespmem:$0x1D000] =	vst v63  }
0x69: {  	_ =	swait.ge [sflag:s0], $0x2000  }
0x6a: {  	s19 =	sld [smem:$0x7F8]  }
0x6b: {  	[sflag:s0] =	ssyncset.done $0x0  }
0x6c: {  	[sflag:s0] =	ssyncadd.s32 $0xFFFFE000  }
0x6d: {  	[spmem:s19] =	stream.linear.scatter [tilespmem:s31], [sflag:$0x7], $0x2000, $0x38;
	[tilespmem:$0x1D000] =	vst v63  }
0x6e: {  	_ =	swait.ge [sflag:s0], $0x2000  }
0x6f: {  	s20 =	sld [smem:$0x7F9]  }
0x70: {  	[sflag:s0] =	ssyncset.done $0x0  }
0x71: {  	[sflag:s0] =	ssyncadd.s32 $0xFFFFE000  }
0x72: {  	[spmem:s20] =	stream.linear.scatter [tilespmem:s31], [sflag:$0x7], $0x2000, $0x38;
	[tilespmem:$0x1D000] =	vst v63  }
0x73: {  	_ =	swait.ge [sflag:s0], $0x2000  }
0x74: {  	s21 =	sld [smem:$0x7FA]  }
0x75: {  	[sflag:s0] =	ssyncset.done $0x0  }
0x76: {  	[sflag:s0] =	ssyncadd.s32 $0xFFFFE000  }
0x77: {  	[spmem:s21] =	stream.linear.scatter [tilespmem:s31], [sflag:$0x7], $0x2000, $0x38;
	[tilespmem:$0x1D000] =	vst v63  }
0x78: {  	_ =	swait.ge [sflag:s0], $0x2000  }
0x79: {  	s22 =	sld [smem:$0x7FC]  }
0x7a: {  	[sflag:s0] =	ssyncset.done $0x0  }
0x7b: {  	[sflag:s0] =	ssyncadd.s32 $0xFFFFE000  }
0x7c: {  	[spmem:s22] =	stream.linear.scatter [tilespmem:s31], [sflag:$0x7], $0x2000, $0x38;
	[tilespmem:$0x1D000] =	vst v63  }
0x7d: {  	_ =	swait.ge [sflag:s0], $0x2000  }
0x7e: {  	[sflag:s0] =	ssyncset.done $0x0  }
0x7f: {  	[sflag:s0] =	ssyncadd.s32 $0xFFFFE000  }
0x80: {  	[bflag:$0x0] =	sbarrier.arrive $0xFFFF  }
0x81: {  	_ =	swait.ge [sflag:s4], $0x400  }
0x82: {  	[sflag:s4] =	ssyncset.done $0x0  }
0x83: {  	[sflag:s4] =	ssyncadd.s32 $0xFFFFFC00  }
0x84: {  	_ =	swait.ge [sflag:s4], $0x400  }
0x85: {  	[sflag:s4] =	ssyncset.done $0x0  }
0x86: {  	[sflag:s4] =	ssyncadd.s32 $0xFFFFFC00  }
0x87: {  	[tilespmem:s31], [sflag:$0x1] =	stream.indirect.gather [hbm4b:s1+s8], $0x80, s3, s8, $0xb8;
	[tilespmem:$0x1D000] =	vst v63  }
0x88: {  	s23 =	rddreg [dreg:$0x4]  }
0x89: {  	[tilespmem:s9], [sflag:$0x2] =	stream.indirect.gather [hbm4b:s1+s8], $0x80, s23, s8, $0xb8;
	[tilespmem:$0x1D000] =	vst v63  }
0x8a: {  	s6 =	rddreg [dreg:$0x5]  }
0x8b: {  	[tilespmem:s10], [sflag:$0x3] =	stream.indirect.gather [hbm4b:s1+s8], $0x80, s6, s8, $0xb8;
	[tilespmem:$0x1D000] =	vst v63  }
0x8c: {  	s26 =	rddreg [dreg:$0x6]  }
0x8d: {  	[tilespmem:s11], [sflag:$0x4] =	stream.indirect.gather [hbm4b:s1+s8], $0x80, s26, s8, $0xb8;
	[tilespmem:$0x1D000] =	vst v63  }
0x8e: {  	_ =	swait.ge [sflag:s13], $0x2000  }
0x8f: {  	[sflag:s13] =	ssyncset.done $0x0  }
0x90: {  	[sflag:s13] =	ssyncadd.s32 $0xFFFFE000  }
0x91: {  	[spmem:s2] =	stream.indirect.scatter.add.f32 [tilespmem:s31], [sflag:$0x7], $0x80, s28, s8, $0xb8;
	[tilespmem:$0x1D000] =	vst v63  }
0x92: {  	_ =	swait.ge [sflag:s0], $0x2000  }
0x93: {  	[sflag:s0] =	ssyncset.done $0x0  }
0x94: {  	s6 =	rddreg [dreg:$0x7];
	[sflag:s0] =	ssyncadd.s32 $0xFFFFE000  }
0x95: {  	[tilespmem:s31], [sflag:$0x1] =	stream.indirect.gather [hbm4b:s1+s8], $0x80, s6, s8, $0xb8;
	[tilespmem:$0x1D000] =	vst v63  }
0x96: {  	_ =	swait.ge [sflag:s14], $0x2000  }
0x97: {  	[sflag:s14] =	ssyncset.done $0x0  }
0x98: {  	s12 =	rddreg [dreg:$0x8];
	[sflag:s14] =	ssyncadd.s32 $0xFFFFE000  }
0x99: {  	[spmem:s2] =	stream.indirect.scatter.add.f32 [tilespmem:s9], [sflag:$0x7], $0x80, s12, s8, $0xb8;
	[tilespmem:$0x1D000] =	vst v63  }
0x9a: {  	_ =	swait.ge [sflag:s0], $0x2000  }
0x9b: {  	[sflag:s0] =	ssyncset.done $0x0  }
0x9c: {  	s19 =	rddreg [dreg:$0x9];
	[sflag:s0] =	ssyncadd.s32 $0xFFFFE000  }
0x9d: {  	[tilespmem:s9], [sflag:$0x2] =	stream.indirect.gather [hbm4b:s1+s8], $0x80, s19, s8, $0xb8;
	[tilespmem:$0x1D000] =	vst v63  }
0x9e: {  	_ =	swait.ge [sflag:s15], $0x2000  }
0x9f: {  	[sflag:s15] =	ssyncset.done $0x0  }
0xa0: {  	s20 =	rddreg [dreg:$0xa];
	[sflag:s15] =	ssyncadd.s32 $0xFFFFE000  }
0xa1: {  	[spmem:s2] =	stream.indirect.scatter.add.f32 [tilespmem:s10], [sflag:$0x7], $0x80, s20, s8, $0xb8;
	[tilespmem:$0x1D000] =	vst v63  }
0xa2: {  	_ =	swait.ge [sflag:s0], $0x2000  }
0xa3: {  	[sflag:s0] =	ssyncset.done $0x0  }
0xa4: {  	s21 =	rddreg [dreg:$0xb];
	[sflag:s0] =	ssyncadd.s32 $0xFFFFE000  }
0xa5: {  	[tilespmem:s10], [sflag:$0x3] =	stream.indirect.gather [hbm4b:s1+s8], $0x80, s21, s8, $0xb8;
	[tilespmem:$0x1D000] =	vst v63  }
0xa6: {  	_ =	swait.ge [sflag:s16], $0x2000  }
0xa7: {  	[sflag:s16] =	ssyncset.done $0x0  }
0xa8: {  	s22 =	rddreg [dreg:$0xc];
	[sflag:s16] =	ssyncadd.s32 $0xFFFFE000  }
0xa9: {  	[spmem:s2] =	stream.indirect.scatter.add.f32 [tilespmem:s11], [sflag:$0x7], $0x80, s22, s8, $0xb8;
	[tilespmem:$0x1D000] =	vst v63  }
0xaa: {  	_ =	swait.ge [sflag:s0], $0x2000  }
0xab: {  	[sflag:s0] =	ssyncset.done $0x0  }
0xac: {  	s23 =	rddreg [dreg:$0xd];
	[sflag:s0] =	ssyncadd.s32 $0xFFFFE000  }
0xad: {  	[tilespmem:s11], [sflag:$0x4] =	stream.indirect.gather [hbm4b:s1+s8], $0x80, s23, s8, $0xb8;
	[tilespmem:$0x1D000] =	vst v63  }
0xae: {  	_ =	swait.ge [sflag:s13], $0x2000  }
0xaf: {  	[sflag:s13] =	ssyncset.done $0x0  }
0xb0: {  	s26 =	rddreg [dreg:$0xe];
	[sflag:s13] =	ssyncadd.s32 $0xFFFFE000  }
0xb1: {  	[spmem:s2] =	stream.indirect.scatter.add.f32 [tilespmem:s31], [sflag:$0x7], $0x80, s26, s8, $0xb8;
	[tilespmem:$0x1D000] =	vst v63  }
0xb2: {  	_ =	swait.ge [sflag:s0], $0x2000  }
0xb3: {  	[sflag:s0] =	ssyncset.done $0x0  }
0xb4: {  	[sflag:s0] =	ssyncadd.s32 $0xFFFFE000  }
0xb5: {  	_ =	swait.ge [sflag:s14], $0x2000  }
0xb6: {  	[sflag:s14] =	ssyncset.done $0x0  }
0xb7: {  	s6 =	rddreg [dreg:$0xf];
	[sflag:s14] =	ssyncadd.s32 $0xFFFFE000  }
0xb8: {  	[spmem:s2] =	stream.indirect.scatter.add.f32 [tilespmem:s9], [sflag:$0x7], $0x80, s6, s8, $0xb8;
	[tilespmem:$0x1D000] =	vst v63  }
0xb9: {  	_ =	swait.ge [sflag:s0], $0x2000  }
0xba: {  	[sflag:s0] =	ssyncset.done $0x0  }
0xbb: {  	[sflag:s0] =	ssyncadd.s32 $0xFFFFE000  }
0xbc: {  	_ =	swait.ge [sflag:s15], $0x2000  }
0xbd: {  	[sflag:s15] =	ssyncset.done $0x0  }
0xbe: {  	s12 =	rddreg [dreg:$0x10];
	[sflag:s15] =	ssyncadd.s32 $0xFFFFE000  }
0xbf: {  	[spmem:s2] =	stream.indirect.scatter.add.f32 [tilespmem:s10], [sflag:$0x7], $0x80, s12, s8, $0xb8;
	[tilespmem:$0x1D000] =	vst v63  }
0xc0: {  	_ =	swait.ge [sflag:s0], $0x2000  }
0xc1: {  	[sflag:s0] =	ssyncset.done $0x0  }
0xc2: {  	[sflag:s0] =	ssyncadd.s32 $0xFFFFE000  }
0xc3: {  	_ =	swait.ge [sflag:s16], $0x2000  }
0xc4: {  	[sflag:s16] =	ssyncset.done $0x0  }
0xc5: {  	s19 =	rddreg [dreg:$0x11];
	[sflag:s16] =	ssyncadd.s32 $0xFFFFE000  }
0xc6: {  	[spmem:s2] =	stream.indirect.scatter.add.f32 [tilespmem:s11], [sflag:$0x7], $0x80, s19, s8, $0xb8;
	[tilespmem:$0x1D000] =	vst v63  }
0xc7: {  	_ =	swait.ge [sflag:s0], $0x2000  }
0xc8: {  	s21 =	sld [smem:$0x7ED];
	_ =	sdelay $0x1  }
0xc9: {  	p0 =	sle.u32 s7, $0x2;
	[sflag:s0] =	ssyncset.done $0x0;
	s22 =	sld [smem:$0x7EF]  }
0xca: {  	s6 =	simm.s32 @!p0 $0x0;
	[sflag:s0] =	ssyncadd.s32 $0xFFFFE000;
	s5 =	sadd.s32 @!p0 s21, s24  }
0xcb: {  	[tilespmem:s6], [sflag:$0x5] =	stream.linear.gather @!p0 [hbm4b:s5+s6], $0x400, $0x38;
	[tilespmem:$0x1D000] =	vst v63  }
0xcc: {  	s12 =	simm.s32 @!p0 $0x400;
	s5 =	sadd.s32 @!p0 s22, s24  }
0xcd: {  	[tilespmem:s12], [sflag:$0x5] =	stream.linear.gather @!p0 [hbm4b:s5+s6], $0x400, $0x38;
	[tilespmem:$0x1D000] =	vst v63  }
0xce: {  	_ =	swait.ge [sflag:s17], $0x400  }
0xcf: {  	[sflag:s17] =	ssyncset.done $0x0  }
0xd0: {  	[sflag:s17] =	ssyncadd.s32 $0xFFFFFC00  }
0xd1: {  	_ =	swait.ge [sflag:s17], $0x400  }
0xd2: {  	[sflag:s17] =	ssyncset.done $0x0  }
0xd3: {  	[sflag:s17] =	ssyncadd.s32 $0xFFFFFC00  }
0xd4: {  	[tilespmem:s31], [sflag:$0x1] =	stream.indirect.gather [hbm4b:s1+s8], $0x80, s29, s8, $0xb8;
	[tilespmem:$0x1D000] =	vst v63  }
0xd5: {  	s20 =	rddreg [dreg:$0x12]  }
0xd6: {  	[tilespmem:s9], [sflag:$0x2] =	stream.indirect.gather [hbm4b:s1+s8], $0x80, s20, s8, $0xb8;
	[tilespmem:$0x1D000] =	vst v63  }
0xd7: {  	s23 =	rddreg [dreg:$0x13]  }
0xd8: {  	[tilespmem:s10], [sflag:$0x3] =	stream.indirect.gather [hbm4b:s1+s8], $0x80, s23, s8, $0xb8;
	[tilespmem:$0x1D000] =	vst v63  }
0xd9: {  	s26 =	rddreg [dreg:$0x14]  }
0xda: {  	[tilespmem:s11], [sflag:$0x4] =	stream.indirect.gather [hbm4b:s1+s8], $0x80, s26, s8, $0xb8;
	[tilespmem:$0x1D000] =	vst v63  }
0xdb: {  	_ =	swait.ge [sflag:s13], $0x2000  }
0xdc: {  	[sflag:s13] =	ssyncset.done $0x0  }
0xdd: {  	[sflag:s13] =	ssyncadd.s32 $0xFFFFE000  }
0xde: {  	[spmem:s2] =	stream.indirect.scatter.add.f32 [tilespmem:s31], [sflag:$0x7], $0x80, s30, s8, $0xb8;
	[tilespmem:$0x1D000] =	vst v63  }
0xdf: {  	_ =	swait.ge [sflag:s0], $0x2000  }
0xe0: {  	[sflag:s0] =	ssyncset.done $0x0  }
0xe1: {  	s6 =	rddreg [dreg:$0x15];
	[sflag:s0] =	ssyncadd.s32 $0xFFFFE000  }
0xe2: {  	[tilespmem:s31], [sflag:$0x1] =	stream.indirect.gather [hbm4b:s1+s8], $0x80, s6, s8, $0xb8;
	[tilespmem:$0x1D000] =	vst v63  }
0xe3: {  	_ =	swait.ge [sflag:s14], $0x2000  }
0xe4: {  	[sflag:s14] =	ssyncset.done $0x0  }
0xe5: {  	s12 =	rddreg [dreg:$0x16];
	[sflag:s14] =	ssyncadd.s32 $0xFFFFE000  }
0xe6: {  	[spmem:s2] =	stream.indirect.scatter.add.f32 [tilespmem:s9], [sflag:$0x7], $0x80, s12, s8, $0xb8;
	[tilespmem:$0x1D000] =	vst v63  }
0xe7: {  	_ =	swait.ge [sflag:s0], $0x2000  }
0xe8: {  	[sflag:s0] =	ssyncset.done $0x0  }
0xe9: {  	s19 =	rddreg [dreg:$0x17];
	[sflag:s0] =	ssyncadd.s32 $0xFFFFE000  }
0xea: {  	[tilespmem:s9], [sflag:$0x2] =	stream.indirect.gather [hbm4b:s1+s8], $0x80, s19, s8, $0xb8;
	[tilespmem:$0x1D000] =	vst v63  }
0xeb: {  	_ =	swait.ge [sflag:s15], $0x2000  }
0xec: {  	[sflag:s15] =	ssyncset.done $0x0  }
0xed: {  	s20 =	rddreg [dreg:$0x18];
	[sflag:s15] =	ssyncadd.s32 $0xFFFFE000  }
0xee: {  	[spmem:s2] =	stream.indirect.scatter.add.f32 [tilespmem:s10], [sflag:$0x7], $0x80, s20, s8, $0xb8;
	[tilespmem:$0x1D000] =	vst v63  }
0xef: {  	_ =	swait.ge [sflag:s0], $0x2000  }
0xf0: {  	[sflag:s0] =	ssyncset.done $0x0  }
0xf1: {  	s23 =	rddreg [dreg:$0x19];
	[sflag:s0] =	ssyncadd.s32 $0xFFFFE000  }
0xf2: {  	[tilespmem:s10], [sflag:$0x3] =	stream.indirect.gather [hbm4b:s1+s8], $0x80, s23, s8, $0xb8;
	[tilespmem:$0x1D000] =	vst v63  }
0xf3: {  	_ =	swait.ge [sflag:s16], $0x2000  }
0xf4: {  	[sflag:s16] =	ssyncset.done $0x0  }
0xf5: {  	s26 =	rddreg [dreg:$0x1a];
	[sflag:s16] =	ssyncadd.s32 $0xFFFFE000  }
0xf6: {  	[spmem:s2] =	stream.indirect.scatter.add.f32 [tilespmem:s11], [sflag:$0x7], $0x80, s26, s8, $0xb8;
	[tilespmem:$0x1D000] =	vst v63  }
0xf7: {  	_ =	swait.ge [sflag:s0], $0x2000  }
0xf8: {  	[sflag:s0] =	ssyncset.done $0x0  }
0xf9: {  	s6 =	rddreg [dreg:$0x1b];
	[sflag:s0] =	ssyncadd.s32 $0xFFFFE000  }
0xfa: {  	[tilespmem:s11], [sflag:$0x4] =	stream.indirect.gather [hbm4b:s1+s8], $0x80, s6, s8, $0xb8;
	[tilespmem:$0x1D000] =	vst v63  }
0xfb: {  	_ =	swait.ge [sflag:s13], $0x2000  }
0xfc: {  	[sflag:s13] =	ssyncset.done $0x0  }
0xfd: {  	s12 =	rddreg [dreg:$0x1c];
	[sflag:s13] =	ssyncadd.s32 $0xFFFFE000  }
0xfe: {  	[spmem:s2] =	stream.indirect.scatter.add.f32 [tilespmem:s31], [sflag:$0x7], $0x80, s12, s8, $0xb8;
	[tilespmem:$0x1D000] =	vst v63  }
0xff: {  	_ =	swait.ge [sflag:s0], $0x2000  }
0x100: {  	[sflag:s0] =	ssyncset.done $0x0  }
0x101: {  	[sflag:s0] =	ssyncadd.s32 $0xFFFFE000  }
0x102: {  	_ =	swait.ge [sflag:s14], $0x2000  }
0x103: {  	[sflag:s14] =	ssyncset.done $0x0  }
0x104: {  	s19 =	rddreg [dreg:$0x1d];
	[sflag:s14] =	ssyncadd.s32 $0xFFFFE000  }
0x105: {  	[spmem:s2] =	stream.indirect.scatter.add.f32 [tilespmem:s9], [sflag:$0x7], $0x80, s19, s8, $0xb8;
	[tilespmem:$0x1D000] =	vst v63  }
0x106: {  	_ =	swait.ge [sflag:s0], $0x2000  }
0x107: {  	[sflag:s0] =	ssyncset.done $0x0  }
0x108: {  	[sflag:s0] =	ssyncadd.s32 $0xFFFFE000  }
0x109: {  	_ =	swait.ge [sflag:s15], $0x2000  }
0x10a: {  	[sflag:s15] =	ssyncset.done $0x0  }
0x10b: {  	s20 =	rddreg [dreg:$0x1e];
	[sflag:s15] =	ssyncadd.s32 $0xFFFFE000  }
0x10c: {  	[spmem:s2] =	stream.indirect.scatter.add.f32 [tilespmem:s10], [sflag:$0x7], $0x80, s20, s8, $0xb8;
	[tilespmem:$0x1D000] =	vst v63  }
0x10d: {  	_ =	swait.ge [sflag:s0], $0x2000  }
0x10e: {  	[sflag:s0] =	ssyncset.done $0x0  }
0x10f: {  	[sflag:s0] =	ssyncadd.s32 $0xFFFFE000  }
0x110: {  	_ =	swait.ge [sflag:s16], $0x2000  }
0x111: {  	[sflag:s16] =	ssyncset.done $0x0  }
0x112: {  	s23 =	rddreg [dreg:$0x1f];
	[sflag:s16] =	ssyncadd.s32 $0xFFFFE000  }
0x113: {  	[spmem:s2] =	stream.indirect.scatter.add.f32 [tilespmem:s11], [sflag:$0x7], $0x80, s23, s8, $0xb8;
	[tilespmem:$0x1D000] =	vst v63  }
0x114: {  	_ =	swait.ge [sflag:s0], $0x2000  }
0x115: {  	s26 =	sld [smem:$0x7F1];
	_ =	sdelay $0x2  }
0x116: {  	s19 =	sadd.s32 $0xFFFFFFFF, s26  }
0x117: {  	p1 =	sle.u32 s7, $0x3;
	p0 =	sne.s32 s19, $0x0  }
.Ltmp1:
0x118: {  	s5 =	sadd.s32 @!p1 s21, s25;
	(pc) =	sbr.rel @!p0 .LBB2_5-.Ltmp1, $4  }
0x119: {  	s6 =	simm.s32 @!p1 $0x800;
	s12 =	simm.s32 @!p1 $0xC00;
	[sflag:s0] =	ssyncset.done $0x0  }
0x11a: {  	s20 =	simm.s32 $0x4;
	s23 =	simm.s32 @!p1 $0x0;
	[sflag:s0] =	ssyncadd.s32 $0xFFFFE000  }
0x11b: {  	[tilespmem:s6], [sflag:$0x6] =	stream.linear.gather @!p1 [hbm4b:s5+s23], $0x400, $0x38;
	[tilespmem:$0x1D000] =	vst v63  }
0x11c: {  	s5 =	smov.u32 s21;
	s6 =	smov.u32 s22;
	s26 =	sadd.s32 @!p1 s22, s25  }
.LBB2_4:
0x11d: {  	[tilespmem:s12], [sflag:$0x6] =	stream.linear.gather @!p1 [hbm4b:s26+s23], $0x400, $0x38;
	[tilespmem:$0x1D000] =	vst v63  }
0x11e: {  	_ =	swait.ge [sflag:s4], $0x400  }
0x11f: {  	[sflag:s4] =	ssyncset.done $0x0  }
0x120: {  	[sflag:s4] =	ssyncadd.s32 $0xFFFFFC00  }
0x121: {  	_ =	swait.ge [sflag:s4], $0x400  }
0x122: {  	[sflag:s4] =	ssyncset.done $0x0  }
0x123: {  	[sflag:s4] =	ssyncadd.s32 $0xFFFFFC00  }
0x124: {  	[tilespmem:s31], [sflag:$0x1] =	stream.indirect.gather [hbm4b:s1+s8], $0x80, s3, s8, $0xb8;
	[tilespmem:$0x1D000] =	vst v63  }
0x125: {  	s23 =	rddreg [dreg:$0x4]  }
0x126: {  	[tilespmem:s9], [sflag:$0x2] =	stream.indirect.gather [hbm4b:s1+s8], $0x80, s23, s8, $0xb8;
	[tilespmem:$0x1D000] =	vst v63  }
0x127: {  	s26 =	rddreg [dreg:$0x5]  }
0x128: {  	[tilespmem:s10], [sflag:$0x3] =	stream.indirect.gather [hbm4b:s1+s8], $0x80, s26, s8, $0xb8;
	[tilespmem:$0x1D000] =	vst v63  }
0x129: {  	s21 =	rddreg [dreg:$0x6]  }
0x12a: {  	[tilespmem:s11], [sflag:$0x4] =	stream.indirect.gather [hbm4b:s1+s8], $0x80, s21, s8, $0xb8;
	[tilespmem:$0x1D000] =	vst v63  }
0x12b: {  	_ =	swait.ge [sflag:s13], $0x2000  }
0x12c: {  	[sflag:s13] =	ssyncset.done $0x0  }
0x12d: {  	[sflag:s13] =	ssyncadd.s32 $0xFFFFE000  }
0x12e: {  	[spmem:s2] =	stream.indirect.scatter.add.f32 [tilespmem:s31], [sflag:$0x7], $0x80, s28, s8, $0xb8;
	[tilespmem:$0x1D000] =	vst v63  }
0x12f: {  	_ =	swait.ge [sflag:s0], $0x2000  }
0x130: {  	[sflag:s0] =	ssyncset.done $0x0  }
0x131: {  	s22 =	rddreg [dreg:$0x7];
	[sflag:s0] =	ssyncadd.s32 $0xFFFFE000  }
0x132: {  	[tilespmem:s31], [sflag:$0x1] =	stream.indirect.gather [hbm4b:s1+s8], $0x80, s22, s8, $0xb8;
	[tilespmem:$0x1D000] =	vst v63  }
0x133: {  	_ =	swait.ge [sflag:s14], $0x2000  }
0x134: {  	[sflag:s14] =	ssyncset.done $0x0  }
0x135: {  	s23 =	rddreg [dreg:$0x8];
	[sflag:s14] =	ssyncadd.s32 $0xFFFFE000  }
0x136: {  	[spmem:s2] =	stream.indirect.scatter.add.f32 [tilespmem:s9], [sflag:$0x7], $0x80, s23, s8, $0xb8;
	[tilespmem:$0x1D000] =	vst v63  }
0x137: {  	_ =	swait.ge [sflag:s0], $0x2000  }
0x138: {  	[sflag:s0] =	ssyncset.done $0x0  }
0x139: {  	s26 =	rddreg [dreg:$0x9];
	[sflag:s0] =	ssyncadd.s32 $0xFFFFE000  }
0x13a: {  	[tilespmem:s9], [sflag:$0x2] =	stream.indirect.gather [hbm4b:s1+s8], $0x80, s26, s8, $0xb8;
	[tilespmem:$0x1D000] =	vst v63  }
0x13b: {  	_ =	swait.ge [sflag:s15], $0x2000  }
0x13c: {  	[sflag:s15] =	ssyncset.done $0x0  }
0x13d: {  	s21 =	rddreg [dreg:$0xa];
	[sflag:s15] =	ssyncadd.s32 $0xFFFFE000  }
0x13e: {  	[spmem:s2] =	stream.indirect.scatter.add.f32 [tilespmem:s10], [sflag:$0x7], $0x80, s21, s8, $0xb8;
	[tilespmem:$0x1D000] =	vst v63  }
0x13f: {  	_ =	swait.ge [sflag:s0], $0x2000  }
0x140: {  	[sflag:s0] =	ssyncset.done $0x0  }
0x141: {  	s22 =	rddreg [dreg:$0xb];
	[sflag:s0] =	ssyncadd.s32 $0xFFFFE000  }
0x142: {  	[tilespmem:s10], [sflag:$0x3] =	stream.indirect.gather [hbm4b:s1+s8], $0x80, s22, s8, $0xb8;
	[tilespmem:$0x1D000] =	vst v63  }
0x143: {  	_ =	swait.ge [sflag:s16], $0x2000  }
0x144: {  	[sflag:s16] =	ssyncset.done $0x0  }
0x145: {  	s23 =	rddreg [dreg:$0xc];
	[sflag:s16] =	ssyncadd.s32 $0xFFFFE000  }
0x146: {  	[spmem:s2] =	stream.indirect.scatter.add.f32 [tilespmem:s11], [sflag:$0x7], $0x80, s23, s8, $0xb8;
	[tilespmem:$0x1D000] =	vst v63  }
0x147: {  	_ =	swait.ge [sflag:s0], $0x2000  }
0x148: {  	[sflag:s0] =	ssyncset.done $0x0  }
0x149: {  	s26 =	rddreg [dreg:$0xd];
	[sflag:s0] =	ssyncadd.s32 $0xFFFFE000  }
0x14a: {  	[tilespmem:s11], [sflag:$0x4] =	stream.indirect.gather [hbm4b:s1+s8], $0x80, s26, s8, $0xb8;
	[tilespmem:$0x1D000] =	vst v63  }
0x14b: {  	_ =	swait.ge [sflag:s13], $0x2000  }
0x14c: {  	[sflag:s13] =	ssyncset.done $0x0  }
0x14d: {  	s21 =	rddreg [dreg:$0xe];
	[sflag:s13] =	ssyncadd.s32 $0xFFFFE000  }
0x14e: {  	[spmem:s2] =	stream.indirect.scatter.add.f32 [tilespmem:s31], [sflag:$0x7], $0x80, s21, s8, $0xb8;
	[tilespmem:$0x1D000] =	vst v63  }
0x14f: {  	_ =	swait.ge [sflag:s0], $0x2000  }
0x150: {  	[sflag:s0] =	ssyncset.done $0x0  }
0x151: {  	[sflag:s0] =	ssyncadd.s32 $0xFFFFE000  }
0x152: {  	_ =	swait.ge [sflag:s14], $0x2000  }
0x153: {  	[sflag:s14] =	ssyncset.done $0x0  }
0x154: {  	s22 =	rddreg [dreg:$0xf];
	[sflag:s14] =	ssyncadd.s32 $0xFFFFE000  }
0x155: {  	[spmem:s2] =	stream.indirect.scatter.add.f32 [tilespmem:s9], [sflag:$0x7], $0x80, s22, s8, $0xb8;
	[tilespmem:$0x1D000] =	vst v63  }
0x156: {  	_ =	swait.ge [sflag:s0], $0x2000  }
0x157: {  	[sflag:s0] =	ssyncset.done $0x0  }
0x158: {  	[sflag:s0] =	ssyncadd.s32 $0xFFFFE000  }
0x159: {  	_ =	swait.ge [sflag:s15], $0x2000  }
0x15a: {  	[sflag:s15] =	ssyncset.done $0x0  }
0x15b: {  	s23 =	rddreg [dreg:$0x10];
	[sflag:s15] =	ssyncadd.s32 $0xFFFFE000  }
0x15c: {  	[spmem:s2] =	stream.indirect.scatter.add.f32 [tilespmem:s10], [sflag:$0x7], $0x80, s23, s8, $0xb8;
	[tilespmem:$0x1D000] =	vst v63  }
0x15d: {  	_ =	swait.ge [sflag:s0], $0x2000  }
0x15e: {  	[sflag:s0] =	ssyncset.done $0x0  }
0x15f: {  	[sflag:s0] =	ssyncadd.s32 $0xFFFFE000  }
0x160: {  	_ =	swait.ge [sflag:s16], $0x2000  }
0x161: {  	[sflag:s16] =	ssyncset.done $0x0  }
0x162: {  	s26 =	rddreg [dreg:$0x11];
	[sflag:s16] =	ssyncadd.s32 $0xFFFFE000  }
0x163: {  	[spmem:s2] =	stream.indirect.scatter.add.f32 [tilespmem:s11], [sflag:$0x7], $0x80, s26, s8, $0xb8;
	[tilespmem:$0x1D000] =	vst v63  }
0x164: {  	s5 =	sadd.s32 $0x100, s5;
	_ =	swait.ge [sflag:s0], $0x2000  }
0x165: {  	s6 =	sadd.s32 $0x100, s6;
	p1 =	sge.u32 s20, s7;
	[sflag:s0] =	ssyncset.done $0x0  }
0x166: {  	s12 =	sadd.s32 @!p1 s5, s24;
	s23 =	simm.s32 @!p1 $0x0;
	[sflag:s0] =	ssyncadd.s32 $0xFFFFE000  }
0x167: {  	[tilespmem:s23], [sflag:$0x5] =	stream.linear.gather @!p1 [hbm4b:s12+s23], $0x400, $0x38;
	[tilespmem:$0x1D000] =	vst v63  }
0x168: {  	s26 =	simm.s32 @!p1 $0x400;
	s12 =	sadd.s32 @!p1 s6, s24  }
0x169: {  	[tilespmem:s26], [sflag:$0x5] =	stream.linear.gather @!p1 [hbm4b:s12+s23], $0x400, $0x38;
	[tilespmem:$0x1D000] =	vst v63  }
0x16a: {  	_ =	swait.ge [sflag:s17], $0x400  }
0x16b: {  	[sflag:s17] =	ssyncset.done $0x0  }
0x16c: {  	[sflag:s17] =	ssyncadd.s32 $0xFFFFFC00  }
0x16d: {  	_ =	swait.ge [sflag:s17], $0x400  }
0x16e: {  	[sflag:s17] =	ssyncset.done $0x0  }
0x16f: {  	[sflag:s17] =	ssyncadd.s32 $0xFFFFFC00  }
0x170: {  	[tilespmem:s31], [sflag:$0x1] =	stream.indirect.gather [hbm4b:s1+s8], $0x80, s29, s8, $0xb8;
	[tilespmem:$0x1D000] =	vst v63  }
0x171: {  	s21 =	rddreg [dreg:$0x12]  }
0x172: {  	[tilespmem:s9], [sflag:$0x2] =	stream.indirect.gather [hbm4b:s1+s8], $0x80, s21, s8, $0xb8;
	[tilespmem:$0x1D000] =	vst v63  }
0x173: {  	s22 =	rddreg [dreg:$0x13]  }
0x174: {  	[tilespmem:s10], [sflag:$0x3] =	stream.indirect.gather [hbm4b:s1+s8], $0x80, s22, s8, $0xb8;
	[tilespmem:$0x1D000] =	vst v63  }
0x175: {  	s26 =	rddreg [dreg:$0x14]  }
0x176: {  	[tilespmem:s11], [sflag:$0x4] =	stream.indirect.gather [hbm4b:s1+s8], $0x80, s26, s8, $0xb8;
	[tilespmem:$0x1D000] =	vst v63  }
0x177: {  	_ =	swait.ge [sflag:s13], $0x2000  }
0x178: {  	[sflag:s13] =	ssyncset.done $0x0  }
0x179: {  	[sflag:s13] =	ssyncadd.s32 $0xFFFFE000  }
0x17a: {  	[spmem:s2] =	stream.indirect.scatter.add.f32 [tilespmem:s31], [sflag:$0x7], $0x80, s30, s8, $0xb8;
	[tilespmem:$0x1D000] =	vst v63  }
0x17b: {  	_ =	swait.ge [sflag:s0], $0x2000  }
0x17c: {  	[sflag:s0] =	ssyncset.done $0x0  }
0x17d: {  	s21 =	rddreg [dreg:$0x15];
	[sflag:s0] =	ssyncadd.s32 $0xFFFFE000  }
0x17e: {  	[tilespmem:s31], [sflag:$0x1] =	stream.indirect.gather [hbm4b:s1+s8], $0x80, s21, s8, $0xb8;
	[tilespmem:$0x1D000] =	vst v63  }
0x17f: {  	_ =	swait.ge [sflag:s14], $0x2000  }
0x180: {  	[sflag:s14] =	ssyncset.done $0x0  }
0x181: {  	s22 =	rddreg [dreg:$0x16];
	[sflag:s14] =	ssyncadd.s32 $0xFFFFE000  }
0x182: {  	[spmem:s2] =	stream.indirect.scatter.add.f32 [tilespmem:s9], [sflag:$0x7], $0x80, s22, s8, $0xb8;
	[tilespmem:$0x1D000] =	vst v63  }
0x183: {  	_ =	swait.ge [sflag:s0], $0x2000  }
0x184: {  	[sflag:s0] =	ssyncset.done $0x0  }
0x185: {  	s23 =	rddreg [dreg:$0x17];
	[sflag:s0] =	ssyncadd.s32 $0xFFFFE000  }
0x186: {  	[tilespmem:s9], [sflag:$0x2] =	stream.indirect.gather [hbm4b:s1+s8], $0x80, s23, s8, $0xb8;
	[tilespmem:$0x1D000] =	vst v63  }
0x187: {  	_ =	swait.ge [sflag:s15], $0x2000  }
0x188: {  	[sflag:s15] =	ssyncset.done $0x0  }
0x189: {  	s26 =	rddreg [dreg:$0x18];
	[sflag:s15] =	ssyncadd.s32 $0xFFFFE000  }
0x18a: {  	[spmem:s2] =	stream.indirect.scatter.add.f32 [tilespmem:s10], [sflag:$0x7], $0x80, s26, s8, $0xb8;
	[tilespmem:$0x1D000] =	vst v63  }
0x18b: {  	_ =	swait.ge [sflag:s0], $0x2000  }
0x18c: {  	[sflag:s0] =	ssyncset.done $0x0  }
0x18d: {  	s21 =	rddreg [dreg:$0x19];
	[sflag:s0] =	ssyncadd.s32 $0xFFFFE000  }
0x18e: {  	[tilespmem:s10], [sflag:$0x3] =	stream.indirect.gather [hbm4b:s1+s8], $0x80, s21, s8, $0xb8;
	[tilespmem:$0x1D000] =	vst v63  }
0x18f: {  	_ =	swait.ge [sflag:s16], $0x2000  }
0x190: {  	[sflag:s16] =	ssyncset.done $0x0  }
0x191: {  	s22 =	rddreg [dreg:$0x1a];
	[sflag:s16] =	ssyncadd.s32 $0xFFFFE000  }
0x192: {  	[spmem:s2] =	stream.indirect.scatter.add.f32 [tilespmem:s11], [sflag:$0x7], $0x80, s22, s8, $0xb8;
	[tilespmem:$0x1D000] =	vst v63  }
0x193: {  	_ =	swait.ge [sflag:s0], $0x2000  }
0x194: {  	[sflag:s0] =	ssyncset.done $0x0  }
0x195: {  	s23 =	rddreg [dreg:$0x1b];
	[sflag:s0] =	ssyncadd.s32 $0xFFFFE000  }
0x196: {  	[tilespmem:s11], [sflag:$0x4] =	stream.indirect.gather [hbm4b:s1+s8], $0x80, s23, s8, $0xb8;
	[tilespmem:$0x1D000] =	vst v63  }
0x197: {  	_ =	swait.ge [sflag:s13], $0x2000  }
0x198: {  	[sflag:s13] =	ssyncset.done $0x0  }
0x199: {  	s26 =	rddreg [dreg:$0x1c];
	[sflag:s13] =	ssyncadd.s32 $0xFFFFE000  }
0x19a: {  	[spmem:s2] =	stream.indirect.scatter.add.f32 [tilespmem:s31], [sflag:$0x7], $0x80, s26, s8, $0xb8;
	[tilespmem:$0x1D000] =	vst v63  }
0x19b: {  	_ =	swait.ge [sflag:s0], $0x2000  }
0x19c: {  	[sflag:s0] =	ssyncset.done $0x0  }
0x19d: {  	[sflag:s0] =	ssyncadd.s32 $0xFFFFE000  }
0x19e: {  	_ =	swait.ge [sflag:s14], $0x2000  }
0x19f: {  	[sflag:s14] =	ssyncset.done $0x0  }
0x1a0: {  	s21 =	rddreg [dreg:$0x1d];
	[sflag:s14] =	ssyncadd.s32 $0xFFFFE000  }
0x1a1: {  	[spmem:s2] =	stream.indirect.scatter.add.f32 [tilespmem:s9], [sflag:$0x7], $0x80, s21, s8, $0xb8;
	[tilespmem:$0x1D000] =	vst v63  }
0x1a2: {  	_ =	swait.ge [sflag:s0], $0x2000  }
0x1a3: {  	[sflag:s0] =	ssyncset.done $0x0  }
0x1a4: {  	[sflag:s0] =	ssyncadd.s32 $0xFFFFE000  }
0x1a5: {  	_ =	swait.ge [sflag:s15], $0x2000  }
0x1a6: {  	[sflag:s15] =	ssyncset.done $0x0  }
0x1a7: {  	s22 =	rddreg [dreg:$0x1e];
	[sflag:s15] =	ssyncadd.s32 $0xFFFFE000  }
0x1a8: {  	[spmem:s2] =	stream.indirect.scatter.add.f32 [tilespmem:s10], [sflag:$0x7], $0x80, s22, s8, $0xb8;
	[tilespmem:$0x1D000] =	vst v63  }
0x1a9: {  	_ =	swait.ge [sflag:s0], $0x2000  }
0x1aa: {  	[sflag:s0] =	ssyncset.done $0x0  }
0x1ab: {  	[sflag:s0] =	ssyncadd.s32 $0xFFFFE000  }
0x1ac: {  	s19 =	sadd.s32 $0xFFFFFFFF, s19;
	_ =	swait.ge [sflag:s16], $0x2000  }
0x1ad: {  	p0 =	sne.s32 s19, $0x0;
	[sflag:s16] =	ssyncset.done $0x0  }
0x1ae: {  	s26 =	sadd.s32 $0x1, s20;
	s23 =	rddreg [dreg:$0x1f];
	[sflag:s16] =	ssyncadd.s32 $0xFFFFE000  }
0x1af: {  	[spmem:s2] =	stream.indirect.scatter.add.f32 [tilespmem:s11], [sflag:$0x7], $0x80, s23, s8, $0xb8;
	[tilespmem:$0x1D000] =	vst v63  }
.Ltmp2:
0x1b0: {  	p1 =	sge.u32 s26, s7;
	(pc) =	sbr.rel @p0 .LBB2_4-.Ltmp2, $4  }
0x1b1: {  	s20 =	sadd.s32 $0x2, s20;
	s26 =	sadd.s32 @!p1 s6, s25;
	_ =	swait.ge [sflag:s0], $0x2000  }
0x1b2: {  	s12 =	simm.s32 @!p1 $0xC00;
	s21 =	sadd.s32 @!p1 s5, s25;
	[sflag:s0] =	ssyncset.done $0x0  }
0x1b3: {  	s22 =	simm.s32 @!p1 $0x800;
	s23 =	simm.s32 @!p1 $0x0;
	[sflag:s0] =	ssyncadd.s32 $0xFFFFE000  }
0x1b4: {  	[tilespmem:s22], [sflag:$0x6] =	stream.linear.gather @!p1 [hbm4b:s21+s23], $0x400, $0x38;
	[tilespmem:$0x1D000] =	vst v63  }
.LBB2_5:
0x1b5: {  	[tilespmem:s12], [sflag:$0x6] =	stream.linear.gather @!p1 [hbm4b:s26+s23], $0x400, $0x38;
	[tilespmem:$0x1D000] =	vst v63  }
0x1b6: {  	[bflag:$0x0] =	sbarrier.arrive $0xFFFF  }
0x1b7: {  	s12 =	sld [smem:$0x7FD]  }
0x1b8: {  	s5 =	stileid.u32;
	s19 =	sld [smem:$0x7FB]  }
0x1b9: {  	s5 =	sshll.u32 s5, $0x6  }
0x1ba: {  	s5 =	sor.u32 $0x1C07, s5;
	s6 =	sshrl.u32 s12, $0x3  }
0x1bb: {  	[hbm:s19], [sflag:s5] =	dma.local [spmem:s6], $0x2800  }
0x1bc: {  	_ =	swait.ge [sflag:s0], $0x2800  }
0x1bd: {  	s26 =	sld [smem:$0x7F2];
	_ =	sdelay $0x1  }
0x1be: {  	s18 =	sadd.s32 $0x1, s18  }
0x1bf: {  	p0 =	sne.s32 s18, s26  }
.Ltmp3:
0x1c0: {  	_ = 	snop;
	(pc) =	sbr.rel @p0 .LBB2_1-.Ltmp3, $3  }
0x1c1: {  	_ =	sdelay $0x1  }
0x1c2: {  	[sflag:s0] =	ssyncset.done $0x0  }
0x1c3: {  	[sflag:s0] =	ssyncadd.s32 $0xFFFFD800  }
0x1c4: {  	_ =	sfence.sel $0x180000  }
0x1c5: {  	[bflag:$0x0] =	sbarrier.arrive $0xFFFF  }
0x1c6: {  	_ =	strace $0x9000004A  }
0x1c7: {  	s0 =	stileid.u32;
	[bflag:$0x2] =	sbarrier.arrive $0xFFFF  }
0x1c8: {  	p0 =	sne.s32 s0, $0x0;
	s0 =	rddreg [dreg:$0x3]  }
0x1c9: {  	s0 =	sadd.s32 @!p0 $0x100000, s0  }
0x1ca: {  	[sflag:s0] =	ssyncadd.tile.s32 @!p0 $0x1;
	_ =	shalt  }
.Lfunc_end2:
_tile_overlayer_lowered:
.L_overlay_start_2:
0x1cb: {  	(tag) =	ssettag $0x2  }
0x1cc: {  	s0 =	rddreg [dreg:$0x0];
	s2 =	stileid.u32  }
0x1cd: {  	s1 =	rddreg [dreg:$0x1];
	p0 =	sne.s32 s2, $0x0  }
0x1ce: {  	s3 =	rddreg [dreg:$0x2];
	[bflag:$0x3] =	sbarrier.arrive $0xFFFF;
	s2 =	simm.s32 @!p0 $0x1C07  }
0x1cf: {  	[timem:s3], [sflag:s2] =	dma.local @!p0 [hbm:s0], s1  }
0x1d0: {  	s0 =	simm.s32 @!p0 $0x7  }
0x1d1: {  	_ =	swait.ge @!p0 [sflag:s0], s1  }
0x1d2: {  	s1 =	ssub.s32 @!p0 $0x0, s1;
	[sflag:s0] =	ssyncset.done @!p0 $0x0  }
0x1d3: {  	[sflag:s0] =	ssyncadd.s32 @!p0 s1  }
0x1d4: {  	[bflag:$0x3] =	sbarrier.arrive $0xFFFF  }
0x1d5: {  	_ =	shalt  }

</sc_bundles>
